<compile_context>
chip_gen: v7x
topology: tpu7x:2x2x1
jax: 0.10.2.dev20260603
libtpu: 0.0.44.dev20260713+nightly
codegen_flags: <defaults>
</compile_context>

<pallas_src>
import functools

import jax
import jax.numpy as jnp
from jax import lax
from jax.experimental import pallas as pl
from jax.experimental.pallas import tpu as pltpu
from jax.experimental.pallas import tpu_sc as plsc

N = 10000
E = 320000
D_IN = 128
H = 64

NC = 2
NS = 16
NW = NC * NS

CH = 80
NCHUNK_TOTAL = E // CH
CPW = NCHUNK_TOTAL // NW
STRIPE = N // NS

_mesh = plsc.VectorSubcoreMesh(
    core_axis_name="c", subcore_axis_name="s", num_cores=NC, num_subcores=NS)
_sc_params = pltpu.CompilerParams(use_tc_tiling_on_sc=False)


def _worker_id():
  c = lax.axis_index("c")
  s = lax.axis_index("s")
  return c * NS + s, c, s


@functools.partial(
    pl.kernel,
    out_type=jax.ShapeDtypeStruct((NC, N, 16), jnp.float32),
    mesh=_mesh,
    scratch_types=[
        pltpu.VMEM((CPW, CH), jnp.int32),
        pltpu.VMEM((CH, 16), jnp.float32),
        pltpu.VMEM_SHARED((N, 16), jnp.float32),
        pltpu.SemaphoreType.DMA,
        pltpu.SemaphoreType.DMA,
        pltpu.SemaphoreType.DMA,
    ],
    compiler_params=_sc_params,
)
def _sc_degree(dst_hbm, zeros_hbm, out_hbm, dst_v, ones_v, acc_sh,
               sem, sem2, sem3):
  wid, c, s = _worker_id()

  ld = pltpu.make_async_copy(dst_hbm.at[wid], dst_v, sem2)
  ld.start()
  zfill = pltpu.make_async_copy(
      zeros_hbm.at[pl.ds(s * STRIPE, STRIPE)],
      acc_sh.at[pl.ds(s * STRIPE, STRIPE)], sem3)
  zfill.start()

  def fill(i, _):
    ones_v[i, :] = jnp.full((16,), 1.0, dtype=jnp.float32)
    return ()
  lax.fori_loop(0, CH, fill, ())

  ld.wait()
  zfill.wait()
  plsc.subcore_barrier()

  GROUP = 25
  def group(gbase, _):
    descs = []
    for k in range(GROUP):
      d = pltpu.make_async_copy(
          ones_v, acc_sh.at[dst_v.at[gbase + k]], sem)
      d.start(add=True)
      descs.append(d)
    for d in descs:
      d.wait()
    return ()
  lax.fori_loop(0, CPW // GROUP, lambda i, cr: group(i * GROUP, cr), ())

  plsc.subcore_barrier()
  pltpu.sync_copy(acc_sh.at[pl.ds(s * STRIPE, STRIPE)],
                  out_hbm.at[c, pl.ds(s * STRIPE, STRIPE)])


@functools.partial(
    pl.kernel,
    out_type=jax.ShapeDtypeStruct((NC, N, H), jnp.float32),
    mesh=_mesh,
    scratch_types=[
        pltpu.VMEM((CPW, CH), jnp.int32),
        pltpu.VMEM((CPW, CH), jnp.int32),
    ] + [pltpu.VMEM((CH, H), jnp.float32)] * 5
    + [pltpu.VMEM_SHARED((N, H), jnp.float32)]
    + [pltpu.SemaphoreType.DMA] * 10,
    compiler_params=_sc_params,
)
def _sc_segment_sum(src_hbm, dst_hbm, g_hbm, zeros_hbm, out_hbm,
                    src_v, dst_v, r0, r1, r2, r3, r4, acc_sh,
                    g0, g1s, g2s, g3, g4, s0, s1, s2, s3, s4):
  wid, c, s = _worker_id()
  rows = [r0, r1, r2, r3, r4]
  gsem = [g0, g1s, g2s, g3, g4]
  ssem = [s0, s1, s2, s3, s4]

  def gather_start(j, k):
    pltpu.make_async_copy(g_hbm.at[src_v.at[j]], rows[k], gsem[k]).start()

  def gather_wait(k):
    pltpu.make_async_copy(g_hbm.at[src_v.at[0]], rows[k], gsem[k]).wait()

  def scatter_start(j, k):
    pltpu.make_async_copy(
        rows[k], acc_sh.at[dst_v.at[j]], ssem[k]).start(add=True)

  def scatter_wait(k):
    pltpu.make_async_copy(
        rows[k], acc_sh.at[dst_v.at[0]], ssem[k]).wait()

  ld_src = pltpu.make_async_copy(src_hbm.at[wid], src_v, ssem[0])
  ld_dst = pltpu.make_async_copy(dst_hbm.at[wid], dst_v, ssem[1])
  ld_src.start()
  ld_dst.start()
  zfill = pltpu.make_async_copy(
      zeros_hbm.at[pl.ds(s * STRIPE, STRIPE)],
      acc_sh.at[pl.ds(s * STRIPE, STRIPE)], ssem[2])
  zfill.start()
  ld_src.wait()
  ld_dst.wait()

  gather_start(0, 0)
  gather_start(1, 1)
  gather_start(2, 2)
  zfill.wait()
  plsc.subcore_barrier()

  def block(jj, _):
    for i in range(5):
      j = jj * 5 + i
      kf = (i + 3) % 5
      @pl.when(j >= 2)
      def _():
        scatter_wait(kf)
      @pl.when(j + 3 < CPW)
      def _():
        gather_start(j + 3, kf)
      gather_wait(i)
      scatter_start(j, i)
    return ()
  lax.fori_loop(0, CPW // 5, block, ())
  scatter_wait((CPW - 2) % 5)
  scatter_wait((CPW - 1) % 5)

  plsc.subcore_barrier()
  pltpu.sync_copy(acc_sh.at[pl.ds(s * STRIPE, STRIPE)],
                  out_hbm.at[c, pl.ds(s * STRIPE, STRIPE)])


NP2 = N // 2


def _unpair(hp):
  a = hp[:, :H]
  b = hp[:, H:]
  return jnp.reshape(
      jnp.concatenate([a[:, None, :], b[:, None, :]], axis=1), (N, H))


def _tc_matmul1(x_ref, w1_ref, u_ref):
  x3 = jnp.reshape(x_ref[...], (NP2, 2, D_IN))
  ge = jnp.dot(x3[:, 0, :], w1_ref[...], preferred_element_type=jnp.float32)
  go = jnp.dot(x3[:, 1, :], w1_ref[...], preferred_element_type=jnp.float32)
  u_ref[...] = jnp.concatenate([ge, go], axis=1)


def _tc_first(deg_ref, u_ref, g1_ref, dinv_ref):
  d = deg_ref[0] + deg_ref[1]
  variants = []
  for q in range(4):
    a = d[:, 32 * q: 32 * q + 16]
    b = d[:, 32 * q + 16: 32 * q + 32]
    row = jnp.concatenate([a, a, a, a, b, b, b, b], axis=1)
    variants.append(row[:, None, :])
  degp = jnp.reshape(jnp.concatenate(variants, axis=1), (NP2, 2 * H))
  dinvp = lax.rsqrt(degp + 1.0)
  dinv_ref[...] = dinvp
  g1_ref[...] = u_ref[...] * dinvp


def _tc_mid(acc_ref, g1_ref, dinv_ref, b1_ref, w2blk_ref, g2_ref):
  dinv = dinv_ref[...]
  tot = acc_ref[0] + acc_ref[1] + g1_ref[...]
  h1 = jnp.maximum(dinv * tot + b1_ref[...], 0.0)
  h = jnp.dot(h1, w2blk_ref[...], preferred_element_type=jnp.float32)
  g2_ref[...] = h * dinv


def _sigmoid(v):
  return 1.0 / (1.0 + jnp.exp(-v))


def _tc_last(acc_ref, g2_ref, dinv_ref, b2_ref, wgates_ref,
             bih_ref, bhh_ref, wp_ref, bp_ref, out_ref, hnew_ref):
  dinv = dinv_ref[...]
  tot = acc_ref[0] + acc_ref[1] + g2_ref[...]
  h2 = jnp.maximum(dinv * tot + b2_ref[...], 0.0)
  gi = jnp.dot(h2, wgates_ref[...], preferred_element_type=jnp.float32)
  bih = bih_ref[...]
  bhh = bhh_ref[...]
  r = _sigmoid(gi[:, 0:128] + bih[0:1, :] + bhh[0:1, :])
  z = _sigmoid(gi[:, 128:256] + bih[1:2, :] + bhh[1:2, :])
  n = jnp.tanh(gi[:, 256:384] + bih[2:3, :] + r * bhh[2:3, :])
  hnew = _unpair((1.0 - z) * n)
  hnew_ref[0] = hnew
  out_ref[...] = jnp.dot(hnew, wp_ref[...],
                         preferred_element_type=jnp.float32) + bp_ref[...]


def kernel(x, edge_index, W1, b1, W2, b2, Wih, Whh, bih, bhh, Wp, bp):
  del Whh

  src = edge_index[0].reshape(NW, CPW, CH)
  dst = edge_index[1].reshape(NW, CPW, CH)
  zeros16 = jnp.zeros((N, 16), jnp.float32)
  zerosH = jnp.zeros((N, H), jnp.float32)

  deg_p = _sc_degree(dst, zeros16)

  def blkdiag(w):
    z = jnp.zeros_like(w)
    return jnp.concatenate(
        [jnp.concatenate([w, z], axis=1), jnp.concatenate([z, w], axis=1)],
        axis=0)

  def pair_cols(v, rows):
    v = v.reshape(rows, H)
    return jnp.concatenate([v, v], axis=1)

  vmem = pltpu.VMEM
  u1p = pl.pallas_call(
      _tc_matmul1,
      out_shape=jax.ShapeDtypeStruct((NP2, 2 * H), jnp.float32),
      in_specs=[pl.BlockSpec(memory_space=vmem)] * 2,
      out_specs=pl.BlockSpec(memory_space=vmem),
  )(x, W1)

  g1p, dinvp = pl.pallas_call(
      _tc_first,
      out_shape=(jax.ShapeDtypeStruct((NP2, 2 * H), jnp.float32),
                 jax.ShapeDtypeStruct((NP2, 2 * H), jnp.float32)),
      in_specs=[pl.BlockSpec(memory_space=vmem)] * 2,
      out_specs=(pl.BlockSpec(memory_space=vmem),
                 pl.BlockSpec(memory_space=vmem)),
  )(deg_p.reshape(NC, N * 16 // 128, 128), u1p)

  acc1 = _sc_segment_sum(src, dst, g1p.reshape(N, H), zerosH)

  g2p = pl.pallas_call(
      _tc_mid,
      out_shape=jax.ShapeDtypeStruct((NP2, 2 * H), jnp.float32),
      in_specs=[pl.BlockSpec(memory_space=vmem)] * 5,
      out_specs=pl.BlockSpec(memory_space=vmem),
  )(acc1.reshape(NC, NP2, 2 * H), g1p, dinvp, pair_cols(b1, 1), blkdiag(W2))

  acc2 = _sc_segment_sum(src, dst, g2p.reshape(N, H), zerosH)

  out, hnew = pl.pallas_call(
      _tc_last,
      out_shape=(jax.ShapeDtypeStruct((N, 2), jnp.float32),
                 jax.ShapeDtypeStruct((1, N, H), jnp.float32)),
      in_specs=[pl.BlockSpec(memory_space=vmem)] * 9,
      out_specs=(pl.BlockSpec(memory_space=vmem),
                 pl.BlockSpec(memory_space=vmem)),
  )(acc2.reshape(NC, NP2, 2 * H), g2p, dinvp, pair_cols(b2, 1),
    jnp.concatenate([blkdiag(Wih[0:H].T), blkdiag(Wih[H:2 * H].T),
                     blkdiag(Wih[2 * H:].T)], axis=1),
    pair_cols(bih, 3), pair_cols(bhh, 3), Wp.T, bp.reshape(1, 2))

  return (out, hnew)

# --- scband reference (transcript-rebuilt; emitter-appended) ---
"""Pipeline reference for scband-roland-gnnmodel-46858093199623 (READ-ONLY COPY).

The authoritative reference and input builder live on the scoring server;
editing this copy changes nothing except your own understanding.
"""

import jax, jax.numpy as jnp
import numpy as np

N = 10000
E = 320000
D_IN = 128
H = 64
T = 2


def gcn_conv(x, src, dst, W, b):
    num_nodes = x.shape[0]
    loop = jnp.arange(num_nodes, dtype=src.dtype)
    s = jnp.concatenate([src, loop])
    d = jnp.concatenate([dst, loop])
    deg = jnp.zeros(num_nodes, dtype=x.dtype).at[d].add(1.0)
    dinv = jnp.where(deg > 0, deg ** -0.5, 0.0)
    norm = dinv[s] * dinv[d]
    h = x @ W
    msg = h[s] * norm[:, None]
    out = jnp.zeros((num_nodes, W.shape[1]), dtype=x.dtype).at[d].add(msg)
    return out + b


def gru_cell(x, h, Wih, Whh, bih, bhh):
    gi = x @ Wih.T + bih
    gh = h @ Whh.T + bhh
    i_r, i_z, i_n = jnp.split(gi, 3, axis=-1)
    h_r, h_z, h_n = jnp.split(gh, 3, axis=-1)
    r = jax.nn.sigmoid(i_r + h_r)
    z = jax.nn.sigmoid(i_z + h_z)
    n = jnp.tanh(i_n + r * h_n)
    return (1.0 - z) * n + z * h


def setup_inputs(seed: int = 0):
    key = jax.random.key(seed)
    ks = jax.random.split(key, 8)
    x = jax.random.normal(ks[0], (N, D_IN), dtype=jnp.float32)
    edge_index = jax.random.randint(ks[1], (2, E), 0, N, dtype=jnp.int32)
    s = 0.1
    W1 = jax.random.normal(ks[2], (D_IN, H), dtype=jnp.float32) * s
    b1 = jnp.zeros((H,), dtype=jnp.float32)
    W2 = jax.random.normal(ks[3], (H, H), dtype=jnp.float32) * s
    b2 = jnp.zeros((H,), dtype=jnp.float32)
    Wih = jax.random.normal(ks[4], (3 * H, H), dtype=jnp.float32) * s
    Whh = jax.random.normal(ks[5], (3 * H, H), dtype=jnp.float32) * s
    bih = jnp.zeros((3 * H,), dtype=jnp.float32)
    bhh = jnp.zeros((3 * H,), dtype=jnp.float32)
    Wp = jax.random.normal(ks[6], (T, H), dtype=jnp.float32) * s
    bp = jnp.zeros((T,), dtype=jnp.float32)
    return dict(x=x, edge_index=edge_index, W1=W1, b1=b1, W2=W2, b2=b2,
                Wih=Wih, Whh=Whh, bih=bih, bhh=bhh, Wp=Wp, bp=bp)


def reference(x, edge_index, W1, b1, W2, b2, Wih, Whh, bih, bhh, Wp, bp):
    src, dst = edge_index[0], edge_index[1]
    h = jax.nn.relu(gcn_conv(x, src, dst, W1, b1))
    h = jax.nn.relu(gcn_conv(h, src, dst, W2, b2))
    prev = jnp.zeros((h.shape[0], H), dtype=h.dtype)
    hnew = gru_cell(h, prev, Wih, Whh, bih, bhh)
    out = hnew @ Wp.T + bp
    return (out, hnew[None, :, :])

if __name__ == "__main__":
    import jax
    _d = setup_inputs()
    print(jax.jit(kernel)(*tuple(_d.values())))

</pallas_src>

<mosaic_0001>
#map = affine_map<(d0, d1) -> (0, 0, 0)>
#map1 = affine_map<(d0, d1) -> (0, 0)>
module attributes {stable_mosaic.version = 14 : i64} {
  func.func @_sc_segment_sum(%arg0: i32, %arg1: i32, %arg2: memref<32x125x80xi32, #tpu.memory_space<hbm>>, %arg3: memref<32x125x80xi32, #tpu.memory_space<hbm>>, %arg4: memref<10000x64xf32, #tpu.memory_space<hbm>>, %arg5: memref<10000x64xf32, #tpu.memory_space<hbm>>, %arg6: memref<2x10000x64xf32, #tpu.memory_space<hbm>>, %arg7: memref<125x80xi32, #tpu.memory_space<vmem>>, %arg8: memref<125x80xi32, #tpu.memory_space<vmem>>, %arg9: memref<80x64xf32, #tpu.memory_space<vmem>>, %arg10: memref<80x64xf32, #tpu.memory_space<vmem>>, %arg11: memref<80x64xf32, #tpu.memory_space<vmem>>, %arg12: memref<80x64xf32, #tpu.memory_space<vmem>>, %arg13: memref<80x64xf32, #tpu.memory_space<vmem>>, %arg14: memref<10000x64xf32, #tpu.memory_space<vmem_shared>>, %arg15: memref<!tpu.dma_semaphore, #tpu.memory_space<semaphore_mem>>, %arg16: memref<!tpu.dma_semaphore, #tpu.memory_space<semaphore_mem>>, %arg17: memref<!tpu.dma_semaphore, #tpu.memory_space<semaphore_mem>>, %arg18: memref<!tpu.dma_semaphore, #tpu.memory_space<semaphore_mem>>, %arg19: memref<!tpu.dma_semaphore, #tpu.memory_space<semaphore_mem>>, %arg20: memref<!tpu.dma_semaphore, #tpu.memory_space<semaphore_mem>>, %arg21: memref<!tpu.dma_semaphore, #tpu.memory_space<semaphore_mem>>, %arg22: memref<!tpu.dma_semaphore, #tpu.memory_space<semaphore_mem>>, %arg23: memref<!tpu.dma_semaphore, #tpu.memory_space<semaphore_mem>>, %arg24: memref<!tpu.dma_semaphore, #tpu.memory_space<semaphore_mem>>) attributes {dimension_semantics = [#tpu.dimension_semantics<core_parallel>, #tpu.dimension_semantics<subcore_parallel>], iteration_bounds = array<i64: 2, 16>, scalar_prefetch = 0 : i64, scratch_operands = 18 : i64, tpu.core_type = #tpu.core_type<sc_vector_subcore>, window_params = [{transform_indices = #map}, {transform_indices = #map}, {transform_indices = #map1}, {transform_indices = #map1}, {transform_indices = #map}]} {
    %mul3A = arith.constant 16 : i32
    %mul3A_0 = arith.muli %arg0, %mul3A : i32
    %add3A = arith.addi %mul3A_0, %arg1 : i32
    %dma_start3A = arith.constant 0 : i32
    %dma_start3A_1 = arith.constant 0 : i32
    %dma_start3A_2 = tpu.memref_slice %arg2[%add3A, %dma_start3A, %dma_start3A_1] : memref<32x125x80xi32, #tpu.memory_space<hbm>> -> memref<1x125x80xi32, #tpu.memory_space<hbm>>
    %dma_start3A_3 = tpu.memref_squeeze %dma_start3A_2 : memref<1x125x80xi32, #tpu.memory_space<hbm>> -> memref<125x80xi32, #tpu.memory_space<hbm>>
    %dma_start3A_4 = arith.constant 0 : i32
    %dma_start3A_5 = arith.constant 0 : i32
    %dma_start3A_6 = tpu.memref_slice %arg2[%add3A, %dma_start3A_4, %dma_start3A_5] : memref<32x125x80xi32, #tpu.memory_space<hbm>> -> memref<1x125x80xi32, #tpu.memory_space<hbm>>
    %dma_start3A_7 = tpu.memref_squeeze %dma_start3A_6 : memref<1x125x80xi32, #tpu.memory_space<hbm>> -> memref<125x80xi32, #tpu.memory_space<hbm>>
    tpu.enqueue_dma source(%dma_start3A_7 : memref<125x80xi32, #tpu.memory_space<hbm>>) target(%arg7 : memref<125x80xi32, #tpu.memory_space<vmem>>) target_semaphore(%arg20 : memref<!tpu.dma_semaphore, #tpu.memory_space<semaphore_mem>>)
    %dma_start3A_8 = arith.constant 0 : i32
    %dma_start3A_9 = arith.constant 0 : i32
    %dma_start3A_10 = tpu.memref_slice %arg3[%add3A, %dma_start3A_8, %dma_start3A_9] : memref<32x125x80xi32, #tpu.memory_space<hbm>> -> memref<1x125x80xi32, #tpu.memory_space<hbm>>
    %dma_start3A_11 = tpu.memref_squeeze %dma_start3A_10 : memref<1x125x80xi32, #tpu.memory_space<hbm>> -> memref<125x80xi32, #tpu.memory_space<hbm>>
    %dma_start3A_12 = arith.constant 0 : i32
    %dma_start3A_13 = arith.constant 0 : i32
    %dma_start3A_14 = tpu.memref_slice %arg3[%add3A, %dma_start3A_12, %dma_start3A_13] : memref<32x125x80xi32, #tpu.memory_space<hbm>> -> memref<1x125x80xi32, #tpu.memory_space<hbm>>
    %dma_start3A_15 = tpu.memref_squeeze %dma_start3A_14 : memref<1x125x80xi32, #tpu.memory_space<hbm>> -> memref<125x80xi32, #tpu.memory_space<hbm>>
    tpu.enqueue_dma source(%dma_start3A_15 : memref<125x80xi32, #tpu.memory_space<hbm>>) target(%arg8 : memref<125x80xi32, #tpu.memory_space<vmem>>) target_semaphore(%arg21 : memref<!tpu.dma_semaphore, #tpu.memory_space<semaphore_mem>>)
    %mul3A_16 = arith.constant 625 : i32
    %mul3A_17 = arith.muli %arg1, %mul3A_16 : i32
    %mul3A_18 = arith.constant 625 : i32
    %mul3A_19 = arith.muli %arg1, %mul3A_18 : i32
    %dma_start3A_20 = arith.constant 0 : i32
    %dma_start3A_21 = tpu.memref_slice %arg14[%mul3A_19, %dma_start3A_20] : memref<10000x64xf32, #tpu.memory_space<vmem_shared>> -> memref<625x64xf32, #tpu.memory_space<vmem_shared>>
    %dma_start3A_22 = arith.constant 0 : i32
    %dma_start3A_23 = tpu.memref_slice %arg5[%mul3A_17, %dma_start3A_22] : memref<10000x64xf32, #tpu.memory_space<hbm>> -> memref<625x64xf32, #tpu.memory_space<hbm>>
    tpu.enqueue_dma source(%dma_start3A_23 : memref<625x64xf32, #tpu.memory_space<hbm>>) target(%dma_start3A_21 : memref<625x64xf32, #tpu.memory_space<vmem_shared>>) target_semaphore(%arg22 : memref<!tpu.dma_semaphore, #tpu.memory_space<semaphore_mem>>)
    %dma_wait3A = arith.constant 0 : i32
    %dma_wait3A_24 = arith.constant 0 : i32
    %dma_wait3A_25 = tpu.memref_slice %arg2[%add3A, %dma_wait3A, %dma_wait3A_24] : memref<32x125x80xi32, #tpu.memory_space<hbm>> -> memref<1x125x80xi32, #tpu.memory_space<hbm>>
    %dma_wait3A_26 = tpu.memref_squeeze %dma_wait3A_25 : memref<1x125x80xi32, #tpu.memory_space<hbm>> -> memref<125x80xi32, #tpu.memory_space<hbm>>
    %dma_wait3A_27 = arith.constant 0 : i32
    %dma_wait3A_28 = arith.constant 0 : i32
    %dma_wait3A_29 = tpu.memref_slice %arg2[%add3A, %dma_wait3A_27, %dma_wait3A_28] : memref<32x125x80xi32, #tpu.memory_space<hbm>> -> memref<1x125x80xi32, #tpu.memory_space<hbm>>
    %dma_wait3A_30 = tpu.memref_squeeze %dma_wait3A_29 : memref<1x125x80xi32, #tpu.memory_space<hbm>> -> memref<125x80xi32, #tpu.memory_space<hbm>>
    tpu.wait_dma2 semaphore(%arg20 : memref<!tpu.dma_semaphore, #tpu.memory_space<semaphore_mem>>) src(%dma_wait3A_30 : memref<125x80xi32, #tpu.memory_space<hbm>>) dst(%arg7 : memref<125x80xi32, #tpu.memory_space<vmem>>)
    %dma_wait3A_31 = arith.constant 0 : i32
    %dma_wait3A_32 = arith.constant 0 : i32
    %dma_wait3A_33 = tpu.memref_slice %arg3[%add3A, %dma_wait3A_31, %dma_wait3A_32] : memref<32x125x80xi32, #tpu.memory_space<hbm>> -> memref<1x125x80xi32, #tpu.memory_space<hbm>>
    %dma_wait3A_34 = tpu.memref_squeeze %dma_wait3A_33 : memref<1x125x80xi32, #tpu.memory_space<hbm>> -> memref<125x80xi32, #tpu.memory_space<hbm>>
    %dma_wait3A_35 = arith.constant 0 : i32
    %dma_wait3A_36 = arith.constant 0 : i32
    %dma_wait3A_37 = tpu.memref_slice %arg3[%add3A, %dma_wait3A_35, %dma_wait3A_36] : memref<32x125x80xi32, #tpu.memory_space<hbm>> -> memref<1x125x80xi32, #tpu.memory_space<hbm>>
    %dma_wait3A_38 = tpu.memref_squeeze %dma_wait3A_37 : memref<1x125x80xi32, #tpu.memory_space<hbm>> -> memref<125x80xi32, #tpu.memory_space<hbm>>
    tpu.wait_dma2 semaphore(%arg21 : memref<!tpu.dma_semaphore, #tpu.memory_space<semaphore_mem>>) src(%dma_wait3A_38 : memref<125x80xi32, #tpu.memory_space<hbm>>) dst(%arg8 : memref<125x80xi32, #tpu.memory_space<vmem>>)
    %dma_start3A_39 = arith.constant 0 : i32
    %dma_start3A_40 = arith.constant 0 : i32
    %dma_start3A_41 = tpu.memref_slice %arg7[%dma_start3A_39, %dma_start3A_40] : memref<125x80xi32, #tpu.memory_space<vmem>> -> memref<1x80xi32, #tpu.memory_space<vmem>>
    %dma_start3A_42 = tpu.memref_squeeze %dma_start3A_41 : memref<1x80xi32, #tpu.memory_space<vmem>> -> memref<80xi32, #tpu.memory_space<vmem>>
    %dma_start3A_43 = arith.constant 0 : i32
    %dma_start3A_44 = arith.constant 0 : i32
    %dma_start3A_45 = tpu.memref_slice %arg4[%dma_start3A_43, %dma_start3A_44] : memref<10000x64xf32, #tpu.memory_space<hbm>> -> memref<10000x64xf32, #tpu.memory_space<hbm>>
    tpu.enqueue_indirect_dma source(%dma_start3A_45 : memref<10000x64xf32, #tpu.memory_space<hbm>>) target(%arg9 : memref<80x64xf32, #tpu.memory_space<vmem>>) offsets(%dma_start3A_42 : memref<80xi32, #tpu.memory_space<vmem>>) semaphore(%arg15 : memref<!tpu.dma_semaphore, #tpu.memory_space<semaphore_mem>>)
    %dma_start3A_46 = arith.constant 1 : i32
    %dma_start3A_47 = arith.constant 0 : i32
    %dma_start3A_48 = tpu.memref_slice %arg7[%dma_start3A_46, %dma_start3A_47] : memref<125x80xi32, #tpu.memory_space<vmem>> -> memref<1x80xi32, #tpu.memory_space<vmem>>
    %dma_start3A_49 = tpu.memref_squeeze %dma_start3A_48 : memref<1x80xi32, #tpu.memory_space<vmem>> -> memref<80xi32, #tpu.memory_space<vmem>>
    %dma_start3A_50 = arith.constant 0 : i32
    %dma_start3A_51 = arith.constant 0 : i32
    %dma_start3A_52 = tpu.memref_slice %arg4[%dma_start3A_50, %dma_start3A_51] : memref<10000x64xf32, #tpu.memory_space<hbm>> -> memref<10000x64xf32, #tpu.memory_space<hbm>>
    tpu.enqueue_indirect_dma source(%dma_start3A_52 : memref<10000x64xf32, #tpu.memory_space<hbm>>) target(%arg10 : memref<80x64xf32, #tpu.memory_space<vmem>>) offsets(%dma_start3A_49 : memref<80xi32, #tpu.memory_space<vmem>>) semaphore(%arg16 : memref<!tpu.dma_semaphore, #tpu.memory_space<semaphore_mem>>)
    %dma_start3A_53 = arith.constant 2 : i32
    %dma_start3A_54 = arith.constant 0 : i32
    %dma_start3A_55 = tpu.memref_slice %arg7[%dma_start3A_53, %dma_start3A_54] : memref<125x80xi32, #tpu.memory_space<vmem>> -> memref<1x80xi32, #tpu.memory_space<vmem>>
    %dma_start3A_56 = tpu.memref_squeeze %dma_start3A_55 : memref<1x80xi32, #tpu.memory_space<vmem>> -> memref<80xi32, #tpu.memory_space<vmem>>
    %dma_start3A_57 = arith.constant 0 : i32
    %dma_start3A_58 = arith.constant 0 : i32
    %dma_start3A_59 = tpu.memref_slice %arg4[%dma_start3A_57, %dma_start3A_58] : memref<10000x64xf32, #tpu.memory_space<hbm>> -> memref<10000x64xf32, #tpu.memory_space<hbm>>
    tpu.enqueue_indirect_dma source(%dma_start3A_59 : memref<10000x64xf32, #tpu.memory_space<hbm>>) target(%arg11 : memref<80x64xf32, #tpu.memory_space<vmem>>) offsets(%dma_start3A_56 : memref<80xi32, #tpu.memory_space<vmem>>) semaphore(%arg17 : memref<!tpu.dma_semaphore, #tpu.memory_space<semaphore_mem>>)
    %dma_wait3A_60 = arith.constant 0 : i32
    %dma_wait3A_61 = tpu.memref_slice %arg14[%mul3A_19, %dma_wait3A_60] : memref<10000x64xf32, #tpu.memory_space<vmem_shared>> -> memref<625x64xf32, #tpu.memory_space<vmem_shared>>
    %dma_wait3A_62 = arith.constant 0 : i32
    %dma_wait3A_63 = tpu.memref_slice %arg5[%mul3A_17, %dma_wait3A_62] : memref<10000x64xf32, #tpu.memory_space<hbm>> -> memref<625x64xf32, #tpu.memory_space<hbm>>
    tpu.wait_dma2 semaphore(%arg22 : memref<!tpu.dma_semaphore, #tpu.memory_space<semaphore_mem>>) src(%dma_wait3A_63 : memref<625x64xf32, #tpu.memory_space<hbm>>) dst(%dma_wait3A_61 : memref<625x64xf32, #tpu.memory_space<vmem_shared>>)
    %barrier3A = arith.constant 0 : index
    tpu.barrier barrier_id(%barrier3A)
    %scan3A = arith.constant 0 : i32
    %scan3A_64 = arith.constant 25 : i32
    %scan3A_65 = arith.addi %scan3A, %scan3A_64 : i32
    %scan3A_66 = arith.constant 1 : i32
    scf.for %scan3A_87 = %scan3A to %scan3A_65 step %scan3A_66  : i32 {
      %mul3A_88 = arith.constant 5 : i32
      %mul3A_89 = arith.muli %scan3A_87, %mul3A_88 : i32
      %add3A_90 = arith.constant 0 : i32
      %add3A_91 = arith.addi %mul3A_89, %add3A_90 : i32
      %ge3A = arith.constant 2 : i32
      %ge3A_92 = arith.cmpi sge, %add3A_91, %ge3A : i32
      %convert_element_type3A = arith.extui %ge3A_92 : i1 to i32
      %cond3A = arith.constant 0 : i32
      %cond3A_93 = arith.cmpi ne, %convert_element_type3A, %cond3A : i32
      scf.if %cond3A_93 {
        %dma_wait3A_229 = arith.constant 0 : i32
        %dma_wait3A_230 = arith.constant 0 : i32
        %dma_wait3A_231 = tpu.memref_slice %arg8[%dma_wait3A_229, %dma_wait3A_230] : memref<125x80xi32, #tpu.memory_space<vmem>> -> memref<1x80xi32, #tpu.memory_space<vmem>>
        %dma_wait3A_232 = tpu.memref_squeeze %dma_wait3A_231 : memref<1x80xi32, #tpu.memory_space<vmem>> -> memref<80xi32, #tpu.memory_space<vmem>>
        %dma_wait3A_233 = arith.constant 0 : i32
        %dma_wait3A_234 = arith.constant 0 : i32
        %dma_wait3A_235 = tpu.memref_slice %arg14[%dma_wait3A_233, %dma_wait3A_234] : memref<10000x64xf32, #tpu.memory_space<vmem_shared>> -> memref<10000x64xf32, #tpu.memory_space<vmem_shared>>
        tpu.wait_indirect_dma semaphore(%arg23 : memref<!tpu.dma_semaphore, #tpu.memory_space<semaphore_mem>>) src(%arg12 : memref<80x64xf32, #tpu.memory_space<vmem>>) dst(%dma_wait3A_235 : memref<10000x64xf32, #tpu.memory_space<vmem_shared>>)
      } else {
      }
      %add3A_94 = arith.constant 3 : i32
      %add3A_95 = arith.addi %add3A_91, %add3A_94 : i32
      %lt3A = arith.constant 125 : i32
      %lt3A_96 = arith.cmpi slt, %add3A_95, %lt3A : i32
      %convert_element_type3A_97 = arith.extui %lt3A_96 : i1 to i32
      %cond3A_98 = arith.constant 0 : i32
      %cond3A_99 = arith.cmpi ne, %convert_element_type3A_97, %cond3A_98 : i32
      scf.if %cond3A_99 {
        %add3A_229 = arith.constant 3 : i32
        %add3A_230 = arith.addi %add3A_91, %add3A_229 : i32
        %dma_start3A_231 = arith.constant 0 : i32
        %dma_start3A_232 = tpu.memref_slice %arg7[%add3A_230, %dma_start3A_231] : memref<125x80xi32, #tpu.memory_space<vmem>> -> memref<1x80xi32, #tpu.memory_space<vmem>>
        %dma_start3A_233 = tpu.memref_squeeze %dma_start3A_232 : memref<1x80xi32, #tpu.memory_space<vmem>> -> memref<80xi32, #tpu.memory_space<vmem>>
        %dma_start3A_234 = arith.constant 0 : i32
        %dma_start3A_235 = arith.constant 0 : i32
        %dma_start3A_236 = tpu.memref_slice %arg4[%dma_start3A_234, %dma_start3A_235] : memref<10000x64xf32, #tpu.memory_space<hbm>> -> memref<10000x64xf32, #tpu.memory_space<hbm>>
        tpu.enqueue_indirect_dma source(%dma_start3A_236 : memref<10000x64xf32, #tpu.memory_space<hbm>>) target(%arg12 : memref<80x64xf32, #tpu.memory_space<vmem>>) offsets(%dma_start3A_233 : memref<80xi32, #tpu.memory_space<vmem>>) semaphore(%arg18 : memref<!tpu.dma_semaphore, #tpu.memory_space<semaphore_mem>>)
      } else {
      }
      %dma_wait3A_100 = arith.constant 0 : i32
      %dma_wait3A_101 = arith.constant 0 : i32
      %dma_wait3A_102 = tpu.memref_slice %arg7[%dma_wait3A_100, %dma_wait3A_101] : memref<125x80xi32, #tpu.memory_space<vmem>> -> memref<1x80xi32, #tpu.memory_space<vmem>>
      %dma_wait3A_103 = tpu.memref_squeeze %dma_wait3A_102 : memref<1x80xi32, #tpu.memory_space<vmem>> -> memref<80xi32, #tpu.memory_space<vmem>>
      %dma_wait3A_104 = arith.constant 0 : i32
      %dma_wait3A_105 = arith.constant 0 : i32
      %dma_wait3A_106 = tpu.memref_slice %arg4[%dma_wait3A_104, %dma_wait3A_105] : memref<10000x64xf32, #tpu.memory_space<hbm>> -> memref<10000x64xf32, #tpu.memory_space<hbm>>
      tpu.wait_indirect_dma semaphore(%arg15 : memref<!tpu.dma_semaphore, #tpu.memory_space<semaphore_mem>>) src(%dma_wait3A_106 : memref<10000x64xf32, #tpu.memory_space<hbm>>) dst(%arg9 : memref<80x64xf32, #tpu.memory_space<vmem>>)
      %dma_start3A_107 = arith.constant 0 : i32
      %dma_start3A_108 = tpu.memref_slice %arg8[%add3A_91, %dma_start3A_107] : memref<125x80xi32, #tpu.memory_space<vmem>> -> memref<1x80xi32, #tpu.memory_space<vmem>>
      %dma_start3A_109 = tpu.memref_squeeze %dma_start3A_108 : memref<1x80xi32, #tpu.memory_space<vmem>> -> memref<80xi32, #tpu.memory_space<vmem>>
      %dma_start3A_110 = arith.constant 0 : i32
      %dma_start3A_111 = arith.constant 0 : i32
      %dma_start3A_112 = tpu.memref_slice %arg14[%dma_start3A_110, %dma_start3A_111] : memref<10000x64xf32, #tpu.memory_space<vmem_shared>> -> memref<10000x64xf32, #tpu.memory_space<vmem_shared>>
      tpu.enqueue_indirect_dma source(%arg9 : memref<80x64xf32, #tpu.memory_space<vmem>>) target(%dma_start3A_112 : memref<10000x64xf32, #tpu.memory_space<vmem_shared>>) offsets(%dma_start3A_109 : memref<80xi32, #tpu.memory_space<vmem>>) semaphore(%arg20 : memref<!tpu.dma_semaphore, #tpu.memory_space<semaphore_mem>>) {add = true}
      %mul3A_113 = arith.constant 5 : i32
      %mul3A_114 = arith.muli %scan3A_87, %mul3A_113 : i32
      %add3A_115 = arith.constant 1 : i32
      %add3A_116 = arith.addi %mul3A_114, %add3A_115 : i32
      %ge3A_117 = arith.constant 2 : i32
      %ge3A_118 = arith.cmpi sge, %add3A_116, %ge3A_117 : i32
      %convert_element_type3A_119 = arith.extui %ge3A_118 : i1 to i32
      %cond3A_120 = arith.constant 0 : i32
      %cond3A_121 = arith.cmpi ne, %convert_element_type3A_119, %cond3A_120 : i32
      scf.if %cond3A_121 {
        %dma_wait3A_229 = arith.constant 0 : i32
        %dma_wait3A_230 = arith.constant 0 : i32
        %dma_wait3A_231 = tpu.memref_slice %arg8[%dma_wait3A_229, %dma_wait3A_230] : memref<125x80xi32, #tpu.memory_space<vmem>> -> memref<1x80xi32, #tpu.memory_space<vmem>>
        %dma_wait3A_232 = tpu.memref_squeeze %dma_wait3A_231 : memref<1x80xi32, #tpu.memory_space<vmem>> -> memref<80xi32, #tpu.memory_space<vmem>>
        %dma_wait3A_233 = arith.constant 0 : i32
        %dma_wait3A_234 = arith.constant 0 : i32
        %dma_wait3A_235 = tpu.memref_slice %arg14[%dma_wait3A_233, %dma_wait3A_234] : memref<10000x64xf32, #tpu.memory_space<vmem_shared>> -> memref<10000x64xf32, #tpu.memory_space<vmem_shared>>
        tpu.wait_indirect_dma semaphore(%arg24 : memref<!tpu.dma_semaphore, #tpu.memory_space<semaphore_mem>>) src(%arg13 : memref<80x64xf32, #tpu.memory_space<vmem>>) dst(%dma_wait3A_235 : memref<10000x64xf32, #tpu.memory_space<vmem_shared>>)
      } else {
      }
      %add3A_122 = arith.constant 3 : i32
      %add3A_123 = arith.addi %add3A_116, %add3A_122 : i32
      %lt3A_124 = arith.constant 125 : i32
      %lt3A_125 = arith.cmpi slt, %add3A_123, %lt3A_124 : i32
      %convert_element_type3A_126 = arith.extui %lt3A_125 : i1 to i32
      %cond3A_127 = arith.constant 0 : i32
      %cond3A_128 = arith.cmpi ne, %convert_element_type3A_126, %cond3A_127 : i32
      scf.if %cond3A_128 {
        %add3A_229 = arith.constant 3 : i32
        %add3A_230 = arith.addi %add3A_116, %add3A_229 : i32
        %dma_start3A_231 = arith.constant 0 : i32
        %dma_start3A_232 = tpu.memref_slice %arg7[%add3A_230, %dma_start3A_231] : memref<125x80xi32, #tpu.memory_space<vmem>> -> memref<1x80xi32, #tpu.memory_space<vmem>>
        %dma_start3A_233 = tpu.memref_squeeze %dma_start3A_232 : memref<1x80xi32, #tpu.memory_space<vmem>> -> memref<80xi32, #tpu.memory_space<vmem>>
        %dma_start3A_234 = arith.constant 0 : i32
        %dma_start3A_235 = arith.constant 0 : i32
        %dma_start3A_236 = tpu.memref_slice %arg4[%dma_start3A_234, %dma_start3A_235] : memref<10000x64xf32, #tpu.memory_space<hbm>> -> memref<10000x64xf32, #tpu.memory_space<hbm>>
        tpu.enqueue_indirect_dma source(%dma_start3A_236 : memref<10000x64xf32, #tpu.memory_space<hbm>>) target(%arg13 : memref<80x64xf32, #tpu.memory_space<vmem>>) offsets(%dma_start3A_233 : memref<80xi32, #tpu.memory_space<vmem>>) semaphore(%arg19 : memref<!tpu.dma_semaphore, #tpu.memory_space<semaphore_mem>>)
      } else {
      }
      %dma_wait3A_129 = arith.constant 0 : i32
      %dma_wait3A_130 = arith.constant 0 : i32
      %dma_wait3A_131 = tpu.memref_slice %arg7[%dma_wait3A_129, %dma_wait3A_130] : memref<125x80xi32, #tpu.memory_space<vmem>> -> memref<1x80xi32, #tpu.memory_space<vmem>>
      %dma_wait3A_132 = tpu.memref_squeeze %dma_wait3A_131 : memref<1x80xi32, #tpu.memory_space<vmem>> -> memref<80xi32, #tpu.memory_space<vmem>>
      %dma_wait3A_133 = arith.constant 0 : i32
      %dma_wait3A_134 = arith.constant 0 : i32
      %dma_wait3A_135 = tpu.memref_slice %arg4[%dma_wait3A_133, %dma_wait3A_134] : memref<10000x64xf32, #tpu.memory_space<hbm>> -> memref<10000x64xf32, #tpu.memory_space<hbm>>
      tpu.wait_indirect_dma semaphore(%arg16 : memref<!tpu.dma_semaphore, #tpu.memory_space<semaphore_mem>>) src(%dma_wait3A_135 : memref<10000x64xf32, #tpu.memory_space<hbm>>) dst(%arg10 : memref<80x64xf32, #tpu.memory_space<vmem>>)
      %dma_start3A_136 = arith.constant 0 : i32
      %dma_start3A_137 = tpu.memref_slice %arg8[%add3A_116, %dma_start3A_136] : memref<125x80xi32, #tpu.memory_space<vmem>> -> memref<1x80xi32, #tpu.memory_space<vmem>>
      %dma_start3A_138 = tpu.memref_squeeze %dma_start3A_137 : memref<1x80xi32, #tpu.memory_space<vmem>> -> memref<80xi32, #tpu.memory_space<vmem>>
      %dma_start3A_139 = arith.constant 0 : i32
      %dma_start3A_140 = arith.constant 0 : i32
      %dma_start3A_141 = tpu.memref_slice %arg14[%dma_start3A_139, %dma_start3A_140] : memref<10000x64xf32, #tpu.memory_space<vmem_shared>> -> memref<10000x64xf32, #tpu.memory_space<vmem_shared>>
      tpu.enqueue_indirect_dma source(%arg10 : memref<80x64xf32, #tpu.memory_space<vmem>>) target(%dma_start3A_141 : memref<10000x64xf32, #tpu.memory_space<vmem_shared>>) offsets(%dma_start3A_138 : memref<80xi32, #tpu.memory_space<vmem>>) semaphore(%arg21 : memref<!tpu.dma_semaphore, #tpu.memory_space<semaphore_mem>>) {add = true}
      %mul3A_142 = arith.constant 5 : i32
      %mul3A_143 = arith.muli %scan3A_87, %mul3A_142 : i32
      %add3A_144 = arith.constant 2 : i32
      %add3A_145 = arith.addi %mul3A_143, %add3A_144 : i32
      %ge3A_146 = arith.constant 2 : i32
      %ge3A_147 = arith.cmpi sge, %add3A_145, %ge3A_146 : i32
      %convert_element_type3A_148 = arith.extui %ge3A_147 : i1 to i32
      %cond3A_149 = arith.constant 0 : i32
      %cond3A_150 = arith.cmpi ne, %convert_element_type3A_148, %cond3A_149 : i32
      scf.if %cond3A_150 {
        %dma_wait3A_229 = arith.constant 0 : i32
        %dma_wait3A_230 = arith.constant 0 : i32
        %dma_wait3A_231 = tpu.memref_slice %arg8[%dma_wait3A_229, %dma_wait3A_230] : memref<125x80xi32, #tpu.memory_space<vmem>> -> memref<1x80xi32, #tpu.memory_space<vmem>>
        %dma_wait3A_232 = tpu.memref_squeeze %dma_wait3A_231 : memref<1x80xi32, #tpu.memory_space<vmem>> -> memref<80xi32, #tpu.memory_space<vmem>>
        %dma_wait3A_233 = arith.constant 0 : i32
        %dma_wait3A_234 = arith.constant 0 : i32
        %dma_wait3A_235 = tpu.memref_slice %arg14[%dma_wait3A_233, %dma_wait3A_234] : memref<10000x64xf32, #tpu.memory_space<vmem_shared>> -> memref<10000x64xf32, #tpu.memory_space<vmem_shared>>
        tpu.wait_indirect_dma semaphore(%arg20 : memref<!tpu.dma_semaphore, #tpu.memory_space<semaphore_mem>>) src(%arg9 : memref<80x64xf32, #tpu.memory_space<vmem>>) dst(%dma_wait3A_235 : memref<10000x64xf32, #tpu.memory_space<vmem_shared>>)
      } else {
      }
      %add3A_151 = arith.constant 3 : i32
      %add3A_152 = arith.addi %add3A_145, %add3A_151 : i32
      %lt3A_153 = arith.constant 125 : i32
      %lt3A_154 = arith.cmpi slt, %add3A_152, %lt3A_153 : i32
      %convert_element_type3A_155 = arith.extui %lt3A_154 : i1 to i32
      %cond3A_156 = arith.constant 0 : i32
      %cond3A_157 = arith.cmpi ne, %convert_element_type3A_155, %cond3A_156 : i32
      scf.if %cond3A_157 {
        %add3A_229 = arith.constant 3 : i32
        %add3A_230 = arith.addi %add3A_145, %add3A_229 : i32
        %dma_start3A_231 = arith.constant 0 : i32
        %dma_start3A_232 = tpu.memref_slice %arg7[%add3A_230, %dma_start3A_231] : memref<125x80xi32, #tpu.memory_space<vmem>> -> memref<1x80xi32, #tpu.memory_space<vmem>>
        %dma_start3A_233 = tpu.memref_squeeze %dma_start3A_232 : memref<1x80xi32, #tpu.memory_space<vmem>> -> memref<80xi32, #tpu.memory_space<vmem>>
        %dma_start3A_234 = arith.constant 0 : i32
        %dma_start3A_235 = arith.constant 0 : i32
        %dma_start3A_236 = tpu.memref_slice %arg4[%dma_start3A_234, %dma_start3A_235] : memref<10000x64xf32, #tpu.memory_space<hbm>> -> memref<10000x64xf32, #tpu.memory_space<hbm>>
        tpu.enqueue_indirect_dma source(%dma_start3A_236 : memref<10000x64xf32, #tpu.memory_space<hbm>>) target(%arg9 : memref<80x64xf32, #tpu.memory_space<vmem>>) offsets(%dma_start3A_233 : memref<80xi32, #tpu.memory_space<vmem>>) semaphore(%arg15 : memref<!tpu.dma_semaphore, #tpu.memory_space<semaphore_mem>>)
      } else {
      }
      %dma_wait3A_158 = arith.constant 0 : i32
      %dma_wait3A_159 = arith.constant 0 : i32
      %dma_wait3A_160 = tpu.memref_slice %arg7[%dma_wait3A_158, %dma_wait3A_159] : memref<125x80xi32, #tpu.memory_space<vmem>> -> memref<1x80xi32, #tpu.memory_space<vmem>>
      %dma_wait3A_161 = tpu.memref_squeeze %dma_wait3A_160 : memref<1x80xi32, #tpu.memory_space<vmem>> -> memref<80xi32, #tpu.memory_space<vmem>>
      %dma_wait3A_162 = arith.constant 0 : i32
      %dma_wait3A_163 = arith.constant 0 : i32
      %dma_wait3A_164 = tpu.memref_slice %arg4[%dma_wait3A_162, %dma_wait3A_163] : memref<10000x64xf32, #tpu.memory_space<hbm>> -> memref<10000x64xf32, #tpu.memory_space<hbm>>
      tpu.wait_indirect_dma semaphore(%arg17 : memref<!tpu.dma_semaphore, #tpu.memory_space<semaphore_mem>>) src(%dma_wait3A_164 : memref<10000x64xf32, #tpu.memory_space<hbm>>) dst(%arg11 : memref<80x64xf32, #tpu.memory_space<vmem>>)
      %dma_start3A_165 = arith.constant 0 : i32
      %dma_start3A_166 = tpu.memref_slice %arg8[%add3A_145, %dma_start3A_165] : memref<125x80xi32, #tpu.memory_space<vmem>> -> memref<1x80xi32, #tpu.memory_space<vmem>>
      %dma_start3A_167 = tpu.memref_squeeze %dma_start3A_166 : memref<1x80xi32, #tpu.memory_space<vmem>> -> memref<80xi32, #tpu.memory_space<vmem>>
      %dma_start3A_168 = arith.constant 0 : i32
      %dma_start3A_169 = arith.constant 0 : i32
      %dma_start3A_170 = tpu.memref_slice %arg14[%dma_start3A_168, %dma_start3A_169] : memref<10000x64xf32, #tpu.memory_space<vmem_shared>> -> memref<10000x64xf32, #tpu.memory_space<vmem_shared>>
      tpu.enqueue_indirect_dma source(%arg11 : memref<80x64xf32, #tpu.memory_space<vmem>>) target(%dma_start3A_170 : memref<10000x64xf32, #tpu.memory_space<vmem_shared>>) offsets(%dma_start3A_167 : memref<80xi32, #tpu.memory_space<vmem>>) semaphore(%arg22 : memref<!tpu.dma_semaphore, #tpu.memory_space<semaphore_mem>>) {add = true}
      %mul3A_171 = arith.constant 5 : i32
      %mul3A_172 = arith.muli %scan3A_87, %mul3A_171 : i32
      %add3A_173 = arith.constant 3 : i32
      %add3A_174 = arith.addi %mul3A_172, %add3A_173 : i32
      %ge3A_175 = arith.constant 2 : i32
      %ge3A_176 = arith.cmpi sge, %add3A_174, %ge3A_175 : i32
      %convert_element_type3A_177 = arith.extui %ge3A_176 : i1 to i32
      %cond3A_178 = arith.constant 0 : i32
      %cond3A_179 = arith.cmpi ne, %convert_element_type3A_177, %cond3A_178 : i32
      scf.if %cond3A_179 {
        %dma_wait3A_229 = arith.constant 0 : i32
        %dma_wait3A_230 = arith.constant 0 : i32
        %dma_wait3A_231 = tpu.memref_slice %arg8[%dma_wait3A_229, %dma_wait3A_230] : memref<125x80xi32, #tpu.memory_space<vmem>> -> memref<1x80xi32, #tpu.memory_space<vmem>>
        %dma_wait3A_232 = tpu.memref_squeeze %dma_wait3A_231 : memref<1x80xi32, #tpu.memory_space<vmem>> -> memref<80xi32, #tpu.memory_space<vmem>>
        %dma_wait3A_233 = arith.constant 0 : i32
        %dma_wait3A_234 = arith.constant 0 : i32
        %dma_wait3A_235 = tpu.memref_slice %arg14[%dma_wait3A_233, %dma_wait3A_234] : memref<10000x64xf32, #tpu.memory_space<vmem_shared>> -> memref<10000x64xf32, #tpu.memory_space<vmem_shared>>
        tpu.wait_indirect_dma semaphore(%arg21 : memref<!tpu.dma_semaphore, #tpu.memory_space<semaphore_mem>>) src(%arg10 : memref<80x64xf32, #tpu.memory_space<vmem>>) dst(%dma_wait3A_235 : memref<10000x64xf32, #tpu.memory_space<vmem_shared>>)
      } else {
      }
      %add3A_180 = arith.constant 3 : i32
      %add3A_181 = arith.addi %add3A_174, %add3A_180 : i32
      %lt3A_182 = arith.constant 125 : i32
      %lt3A_183 = arith.cmpi slt, %add3A_181, %lt3A_182 : i32
      %convert_element_type3A_184 = arith.extui %lt3A_183 : i1 to i32
      %cond3A_185 = arith.constant 0 : i32
      %cond3A_186 = arith.cmpi ne, %convert_element_type3A_184, %cond3A_185 : i32
      scf.if %cond3A_186 {
        %add3A_229 = arith.constant 3 : i32
        %add3A_230 = arith.addi %add3A_174, %add3A_229 : i32
        %dma_start3A_231 = arith.constant 0 : i32
        %dma_start3A_232 = tpu.memref_slice %arg7[%add3A_230, %dma_start3A_231] : memref<125x80xi32, #tpu.memory_space<vmem>> -> memref<1x80xi32, #tpu.memory_space<vmem>>
        %dma_start3A_233 = tpu.memref_squeeze %dma_start3A_232 : memref<1x80xi32, #tpu.memory_space<vmem>> -> memref<80xi32, #tpu.memory_space<vmem>>
        %dma_start3A_234 = arith.constant 0 : i32
        %dma_start3A_235 = arith.constant 0 : i32
        %dma_start3A_236 = tpu.memref_slice %arg4[%dma_start3A_234, %dma_start3A_235] : memref<10000x64xf32, #tpu.memory_space<hbm>> -> memref<10000x64xf32, #tpu.memory_space<hbm>>
        tpu.enqueue_indirect_dma source(%dma_start3A_236 : memref<10000x64xf32, #tpu.memory_space<hbm>>) target(%arg10 : memref<80x64xf32, #tpu.memory_space<vmem>>) offsets(%dma_start3A_233 : memref<80xi32, #tpu.memory_space<vmem>>) semaphore(%arg16 : memref<!tpu.dma_semaphore, #tpu.memory_space<semaphore_mem>>)
      } else {
      }
      %dma_wait3A_187 = arith.constant 0 : i32
      %dma_wait3A_188 = arith.constant 0 : i32
      %dma_wait3A_189 = tpu.memref_slice %arg7[%dma_wait3A_187, %dma_wait3A_188] : memref<125x80xi32, #tpu.memory_space<vmem>> -> memref<1x80xi32, #tpu.memory_space<vmem>>
      %dma_wait3A_190 = tpu.memref_squeeze %dma_wait3A_189 : memref<1x80xi32, #tpu.memory_space<vmem>> -> memref<80xi32, #tpu.memory_space<vmem>>
      %dma_wait3A_191 = arith.constant 0 : i32
      %dma_wait3A_192 = arith.constant 0 : i32
      %dma_wait3A_193 = tpu.memref_slice %arg4[%dma_wait3A_191, %dma_wait3A_192] : memref<10000x64xf32, #tpu.memory_space<hbm>> -> memref<10000x64xf32, #tpu.memory_space<hbm>>
      tpu.wait_indirect_dma semaphore(%arg18 : memref<!tpu.dma_semaphore, #tpu.memory_space<semaphore_mem>>) src(%dma_wait3A_193 : memref<10000x64xf32, #tpu.memory_space<hbm>>) dst(%arg12 : memref<80x64xf32, #tpu.memory_space<vmem>>)
      %dma_start3A_194 = arith.constant 0 : i32
      %dma_start3A_195 = tpu.memref_slice %arg8[%add3A_174, %dma_start3A_194] : memref<125x80xi32, #tpu.memory_space<vmem>> -> memref<1x80xi32, #tpu.memory_space<vmem>>
      %dma_start3A_196 = tpu.memref_squeeze %dma_start3A_195 : memref<1x80xi32, #tpu.memory_space<vmem>> -> memref<80xi32, #tpu.memory_space<vmem>>
      %dma_start3A_197 = arith.constant 0 : i32
      %dma_start3A_198 = arith.constant 0 : i32
      %dma_start3A_199 = tpu.memref_slice %arg14[%dma_start3A_197, %dma_start3A_198] : memref<10000x64xf32, #tpu.memory_space<vmem_shared>> -> memref<10000x64xf32, #tpu.memory_space<vmem_shared>>
      tpu.enqueue_indirect_dma source(%arg12 : memref<80x64xf32, #tpu.memory_space<vmem>>) target(%dma_start3A_199 : memref<10000x64xf32, #tpu.memory_space<vmem_shared>>) offsets(%dma_start3A_196 : memref<80xi32, #tpu.memory_space<vmem>>) semaphore(%arg23 : memref<!tpu.dma_semaphore, #tpu.memory_space<semaphore_mem>>) {add = true}
      %mul3A_200 = arith.constant 5 : i32
      %mul3A_201 = arith.muli %scan3A_87, %mul3A_200 : i32
      %add3A_202 = arith.constant 4 : i32
      %add3A_203 = arith.addi %mul3A_201, %add3A_202 : i32
      %ge3A_204 = arith.constant 2 : i32
      %ge3A_205 = arith.cmpi sge, %add3A_203, %ge3A_204 : i32
      %convert_element_type3A_206 = arith.extui %ge3A_205 : i1 to i32
      %cond3A_207 = arith.constant 0 : i32
      %cond3A_208 = arith.cmpi ne, %convert_element_type3A_206, %cond3A_207 : i32
      scf.if %cond3A_208 {
        %dma_wait3A_229 = arith.constant 0 : i32
        %dma_wait3A_230 = arith.constant 0 : i32
        %dma_wait3A_231 = tpu.memref_slice %arg8[%dma_wait3A_229, %dma_wait3A_230] : memref<125x80xi32, #tpu.memory_space<vmem>> -> memref<1x80xi32, #tpu.memory_space<vmem>>
        %dma_wait3A_232 = tpu.memref_squeeze %dma_wait3A_231 : memref<1x80xi32, #tpu.memory_space<vmem>> -> memref<80xi32, #tpu.memory_space<vmem>>
        %dma_wait3A_233 = arith.constant 0 : i32
        %dma_wait3A_234 = arith.constant 0 : i32
        %dma_wait3A_235 = tpu.memref_slice %arg14[%dma_wait3A_233, %dma_wait3A_234] : memref<10000x64xf32, #tpu.memory_space<vmem_shared>> -> memref<10000x64xf32, #tpu.memory_space<vmem_shared>>
        tpu.wait_indirect_dma semaphore(%arg22 : memref<!tpu.dma_semaphore, #tpu.memory_space<semaphore_mem>>) src(%arg11 : memref<80x64xf32, #tpu.memory_space<vmem>>) dst(%dma_wait3A_235 : memref<10000x64xf32, #tpu.memory_space<vmem_shared>>)
      } else {
      }
      %add3A_209 = arith.constant 3 : i32
      %add3A_210 = arith.addi %add3A_203, %add3A_209 : i32
      %lt3A_211 = arith.constant 125 : i32
      %lt3A_212 = arith.cmpi slt, %add3A_210, %lt3A_211 : i32
      %convert_element_type3A_213 = arith.extui %lt3A_212 : i1 to i32
      %cond3A_214 = arith.constant 0 : i32
      %cond3A_215 = arith.cmpi ne, %convert_element_type3A_213, %cond3A_214 : i32
      scf.if %cond3A_215 {
        %add3A_229 = arith.constant 3 : i32
        %add3A_230 = arith.addi %add3A_203, %add3A_229 : i32
        %dma_start3A_231 = arith.constant 0 : i32
        %dma_start3A_232 = tpu.memref_slice %arg7[%add3A_230, %dma_start3A_231] : memref<125x80xi32, #tpu.memory_space<vmem>> -> memref<1x80xi32, #tpu.memory_space<vmem>>
        %dma_start3A_233 = tpu.memref_squeeze %dma_start3A_232 : memref<1x80xi32, #tpu.memory_space<vmem>> -> memref<80xi32, #tpu.memory_space<vmem>>
        %dma_start3A_234 = arith.constant 0 : i32
        %dma_start3A_235 = arith.constant 0 : i32
        %dma_start3A_236 = tpu.memref_slice %arg4[%dma_start3A_234, %dma_start3A_235] : memref<10000x64xf32, #tpu.memory_space<hbm>> -> memref<10000x64xf32, #tpu.memory_space<hbm>>
        tpu.enqueue_indirect_dma source(%dma_start3A_236 : memref<10000x64xf32, #tpu.memory_space<hbm>>) target(%arg11 : memref<80x64xf32, #tpu.memory_space<vmem>>) offsets(%dma_start3A_233 : memref<80xi32, #tpu.memory_space<vmem>>) semaphore(%arg17 : memref<!tpu.dma_semaphore, #tpu.memory_space<semaphore_mem>>)
      } else {
      }
      %dma_wait3A_216 = arith.constant 0 : i32
      %dma_wait3A_217 = arith.constant 0 : i32
      %dma_wait3A_218 = tpu.memref_slice %arg7[%dma_wait3A_216, %dma_wait3A_217] : memref<125x80xi32, #tpu.memory_space<vmem>> -> memref<1x80xi32, #tpu.memory_space<vmem>>
      %dma_wait3A_219 = tpu.memref_squeeze %dma_wait3A_218 : memref<1x80xi32, #tpu.memory_space<vmem>> -> memref<80xi32, #tpu.memory_space<vmem>>
      %dma_wait3A_220 = arith.constant 0 : i32
      %dma_wait3A_221 = arith.constant 0 : i32
      %dma_wait3A_222 = tpu.memref_slice %arg4[%dma_wait3A_220, %dma_wait3A_221] : memref<10000x64xf32, #tpu.memory_space<hbm>> -> memref<10000x64xf32, #tpu.memory_space<hbm>>
      tpu.wait_indirect_dma semaphore(%arg19 : memref<!tpu.dma_semaphore, #tpu.memory_space<semaphore_mem>>) src(%dma_wait3A_222 : memref<10000x64xf32, #tpu.memory_space<hbm>>) dst(%arg13 : memref<80x64xf32, #tpu.memory_space<vmem>>)
      %dma_start3A_223 = arith.constant 0 : i32
      %dma_start3A_224 = tpu.memref_slice %arg8[%add3A_203, %dma_start3A_223] : memref<125x80xi32, #tpu.memory_space<vmem>> -> memref<1x80xi32, #tpu.memory_space<vmem>>
      %dma_start3A_225 = tpu.memref_squeeze %dma_start3A_224 : memref<1x80xi32, #tpu.memory_space<vmem>> -> memref<80xi32, #tpu.memory_space<vmem>>
      %dma_start3A_226 = arith.constant 0 : i32
      %dma_start3A_227 = arith.constant 0 : i32
      %dma_start3A_228 = tpu.memref_slice %arg14[%dma_start3A_226, %dma_start3A_227] : memref<10000x64xf32, #tpu.memory_space<vmem_shared>> -> memref<10000x64xf32, #tpu.memory_space<vmem_shared>>
      tpu.enqueue_indirect_dma source(%arg13 : memref<80x64xf32, #tpu.memory_space<vmem>>) target(%dma_start3A_228 : memref<10000x64xf32, #tpu.memory_space<vmem_shared>>) offsets(%dma_start3A_225 : memref<80xi32, #tpu.memory_space<vmem>>) semaphore(%arg24 : memref<!tpu.dma_semaphore, #tpu.memory_space<semaphore_mem>>) {add = true}
    }
    %scan3A_67 = arith.constant 25 : i32
    %dma_wait3A_68 = arith.constant 0 : i32
    %dma_wait3A_69 = arith.constant 0 : i32
    %dma_wait3A_70 = tpu.memref_slice %arg8[%dma_wait3A_68, %dma_wait3A_69] : memref<125x80xi32, #tpu.memory_space<vmem>> -> memref<1x80xi32, #tpu.memory_space<vmem>>
    %dma_wait3A_71 = tpu.memref_squeeze %dma_wait3A_70 : memref<1x80xi32, #tpu.memory_space<vmem>> -> memref<80xi32, #tpu.memory_space<vmem>>
    %dma_wait3A_72 = arith.constant 0 : i32
    %dma_wait3A_73 = arith.constant 0 : i32
    %dma_wait3A_74 = tpu.memref_slice %arg14[%dma_wait3A_72, %dma_wait3A_73] : memref<10000x64xf32, #tpu.memory_space<vmem_shared>> -> memref<10000x64xf32, #tpu.memory_space<vmem_shared>>
    tpu.wait_indirect_dma semaphore(%arg23 : memref<!tpu.dma_semaphore, #tpu.memory_space<semaphore_mem>>) src(%arg12 : memref<80x64xf32, #tpu.memory_space<vmem>>) dst(%dma_wait3A_74 : memref<10000x64xf32, #tpu.memory_space<vmem_shared>>)
    %dma_wait3A_75 = arith.constant 0 : i32
    %dma_wait3A_76 = arith.constant 0 : i32
    %dma_wait3A_77 = tpu.memref_slice %arg8[%dma_wait3A_75, %dma_wait3A_76] : memref<125x80xi32, #tpu.memory_space<vmem>> -> memref<1x80xi32, #tpu.memory_space<vmem>>
    %dma_wait3A_78 = tpu.memref_squeeze %dma_wait3A_77 : memref<1x80xi32, #tpu.memory_space<vmem>> -> memref<80xi32, #tpu.memory_space<vmem>>
    %dma_wait3A_79 = arith.constant 0 : i32
    %dma_wait3A_80 = arith.constant 0 : i32
    %dma_wait3A_81 = tpu.memref_slice %arg14[%dma_wait3A_79, %dma_wait3A_80] : memref<10000x64xf32, #tpu.memory_space<vmem_shared>> -> memref<10000x64xf32, #tpu.memory_space<vmem_shared>>
    tpu.wait_indirect_dma semaphore(%arg24 : memref<!tpu.dma_semaphore, #tpu.memory_space<semaphore_mem>>) src(%arg13 : memref<80x64xf32, #tpu.memory_space<vmem>>) dst(%dma_wait3A_81 : memref<10000x64xf32, #tpu.memory_space<vmem_shared>>)
    %barrier3A_82 = arith.constant 0 : index
    tpu.barrier barrier_id(%barrier3A_82)
    %mul3A_83 = arith.constant 625 : i32
    %mul3A_84 = arith.muli %arg1, %mul3A_83 : i32
    %mul3A_85 = arith.constant 625 : i32
    %mul3A_86 = arith.muli %arg1, %mul3A_85 : i32
    "tpu.region"() ({
      %run_scoped3A = tpu.sem_alloc : memref<!tpu.dma_semaphore, #tpu.memory_space<semaphore_mem>>
      %dma_start3A_87 = arith.constant 0 : i32
      %dma_start3A_88 = tpu.memref_slice %arg6[%arg0, %mul3A_86, %dma_start3A_87] : memref<2x10000x64xf32, #tpu.memory_space<hbm>> -> memref<1x625x64xf32, #tpu.memory_space<hbm>>
      %dma_start3A_89 = tpu.memref_squeeze %dma_start3A_88 : memref<1x625x64xf32, #tpu.memory_space<hbm>> -> memref<625x64xf32, #tpu.memory_space<hbm>>
      %dma_start3A_90 = arith.constant 0 : i32
      %dma_start3A_91 = tpu.memref_slice %arg14[%mul3A_84, %dma_start3A_90] : memref<10000x64xf32, #tpu.memory_space<vmem_shared>> -> memref<625x64xf32, #tpu.memory_space<vmem_shared>>
      tpu.enqueue_dma source(%dma_start3A_91 : memref<625x64xf32, #tpu.memory_space<vmem_shared>>) target(%dma_start3A_89 : memref<625x64xf32, #tpu.memory_space<hbm>>) target_semaphore(%run_scoped3A : memref<!tpu.dma_semaphore, #tpu.memory_space<semaphore_mem>>)
      %dma_wait3A_92 = arith.constant 0 : i32
      %dma_wait3A_93 = tpu.memref_slice %arg6[%arg0, %mul3A_86, %dma_wait3A_92] : memref<2x10000x64xf32, #tpu.memory_space<hbm>> -> memref<1x625x64xf32, #tpu.memory_space<hbm>>
      %dma_wait3A_94 = tpu.memref_squeeze %dma_wait3A_93 : memref<1x625x64xf32, #tpu.memory_space<hbm>> -> memref<625x64xf32, #tpu.memory_space<hbm>>
      %dma_wait3A_95 = arith.constant 0 : i32
      %dma_wait3A_96 = tpu.memref_slice %arg14[%mul3A_84, %dma_wait3A_95] : memref<10000x64xf32, #tpu.memory_space<vmem_shared>> -> memref<625x64xf32, #tpu.memory_space<vmem_shared>>
      tpu.wait_dma2 semaphore(%run_scoped3A : memref<!tpu.dma_semaphore, #tpu.memory_space<semaphore_mem>>) src(%dma_wait3A_96 : memref<625x64xf32, #tpu.memory_space<vmem_shared>>) dst(%dma_wait3A_94 : memref<625x64xf32, #tpu.memory_space<hbm>>)
      tpu.yield
    }) : () -> ()
    return
  }
}

#map = affine_map<(d0, d1) -> (0, 0, 0)>
#map1 = affine_map<(d0, d1) -> (0, 0)>
module attributes {stable_mosaic.version = 14 : i64} {
  func.func @_sc_segment_sum(%arg0: i32, %arg1: i32, %arg2: memref<32x125x80xi32, #tpu.memory_space<hbm>>, %arg3: memref<32x125x80xi32, #tpu.memory_space<hbm>>, %arg4: memref<10000x64xf32, #tpu.memory_space<hbm>>, %arg5: memref<10000x64xf32, #tpu.memory_space<hbm>>, %arg6: memref<2x10000x64xf32, #tpu.memory_space<hbm>>, %arg7: memref<125x80xi32, #tpu.memory_space<vmem>>, %arg8: memref<125x80xi32, #tpu.memory_space<vmem>>, %arg9: memref<80x64xf32, #tpu.memory_space<vmem>>, %arg10: memref<80x64xf32, #tpu.memory_space<vmem>>, %arg11: memref<80x64xf32, #tpu.memory_space<vmem>>, %arg12: memref<80x64xf32, #tpu.memory_space<vmem>>, %arg13: memref<80x64xf32, #tpu.memory_space<vmem>>, %arg14: memref<10000x64xf32, #tpu.memory_space<vmem_shared>>, %arg15: memref<!tpu.dma_semaphore, #tpu.memory_space<semaphore_mem>>, %arg16: memref<!tpu.dma_semaphore, #tpu.memory_space<semaphore_mem>>, %arg17: memref<!tpu.dma_semaphore, #tpu.memory_space<semaphore_mem>>, %arg18: memref<!tpu.dma_semaphore, #tpu.memory_space<semaphore_mem>>, %arg19: memref<!tpu.dma_semaphore, #tpu.memory_space<semaphore_mem>>, %arg20: memref<!tpu.dma_semaphore, #tpu.memory_space<semaphore_mem>>, %arg21: memref<!tpu.dma_semaphore, #tpu.memory_space<semaphore_mem>>, %arg22: memref<!tpu.dma_semaphore, #tpu.memory_space<semaphore_mem>>, %arg23: memref<!tpu.dma_semaphore, #tpu.memory_space<semaphore_mem>>, %arg24: memref<!tpu.dma_semaphore, #tpu.memory_space<semaphore_mem>>) attributes {dimension_semantics = [#tpu.dimension_semantics<core_parallel>, #tpu.dimension_semantics<subcore_parallel>], iteration_bounds = array<i64: 2, 16>, scalar_prefetch = 0 : i64, scratch_operands = 18 : i64, tpu.core_type = #tpu.core_type<sc_vector_subcore>, window_params = [{transform_indices = #map}, {transform_indices = #map}, {transform_indices = #map1}, {transform_indices = #map1}, {transform_indices = #map}]} {
    %mul3A = arith.constant 16 : i32
    %mul3A_0 = arith.muli %arg0, %mul3A : i32
    %add3A = arith.addi %mul3A_0, %arg1 : i32
    %dma_start3A = arith.constant 0 : i32
    %dma_start3A_1 = arith.constant 0 : i32
    %dma_start3A_2 = tpu.memref_slice %arg2[%add3A, %dma_start3A, %dma_start3A_1] : memref<32x125x80xi32, #tpu.memory_space<hbm>> -> memref<1x125x80xi32, #tpu.memory_space<hbm>>
    %dma_start3A_3 = tpu.memref_squeeze %dma_start3A_2 : memref<1x125x80xi32, #tpu.memory_space<hbm>> -> memref<125x80xi32, #tpu.memory_space<hbm>>
    %dma_start3A_4 = arith.constant 0 : i32
    %dma_start3A_5 = arith.constant 0 : i32
    %dma_start3A_6 = tpu.memref_slice %arg2[%add3A, %dma_start3A_4, %dma_start3A_5] : memref<32x125x80xi32, #tpu.memory_space<hbm>> -> memref<1x125x80xi32, #tpu.memory_space<hbm>>
    %dma_start3A_7 = tpu.memref_squeeze %dma_start3A_6 : memref<1x125x80xi32, #tpu.memory_space<hbm>> -> memref<125x80xi32, #tpu.memory_space<hbm>>
    tpu.enqueue_dma source(%dma_start3A_7 : memref<125x80xi32, #tpu.memory_space<hbm>>) target(%arg7 : memref<125x80xi32, #tpu.memory_space<vmem>>) target_semaphore(%arg20 : memref<!tpu.dma_semaphore, #tpu.memory_space<semaphore_mem>>)
    %dma_start3A_8 = arith.constant 0 : i32
    %dma_start3A_9 = arith.constant 0 : i32
    %dma_start3A_10 = tpu.memref_slice %arg3[%add3A, %dma_start3A_8, %dma_start3A_9] : memref<32x125x80xi32, #tpu.memory_space<hbm>> -> memref<1x125x80xi32, #tpu.memory_space<hbm>>
    %dma_start3A_11 = tpu.memref_squeeze %dma_start3A_10 : memref<1x125x80xi32, #tpu.memory_space<hbm>> -> memref<125x80xi32, #tpu.memory_space<hbm>>
    %dma_start3A_12 = arith.constant 0 : i32
    %dma_start3A_13 = arith.constant 0 : i32
    %dma_start3A_14 = tpu.memref_slice %arg3[%add3A, %dma_start3A_12, %dma_start3A_13] : memref<32x125x80xi32, #tpu.memory_space<hbm>> -> memref<1x125x80xi32, #tpu.memory_space<hbm>>
    %dma_start3A_15 = tpu.memref_squeeze %dma_start3A_14 : memref<1x125x80xi32, #tpu.memory_space<hbm>> -> memref<125x80xi32, #tpu.memory_space<hbm>>
    tpu.enqueue_dma source(%dma_start3A_15 : memref<125x80xi32, #tpu.memory_space<hbm>>) target(%arg8 : memref<125x80xi32, #tpu.memory_space<vmem>>) target_semaphore(%arg21 : memref<!tpu.dma_semaphore, #tpu.memory_space<semaphore_mem>>)
    %mul3A_16 = arith.constant 625 : i32
    %mul3A_17 = arith.muli %arg1, %mul3A_16 : i32
    %mul3A_18 = arith.constant 625 : i32
    %mul3A_19 = arith.muli %arg1, %mul3A_18 : i32
    %dma_start3A_20 = arith.constant 0 : i32
    %dma_start3A_21 = tpu.memref_slice %arg14[%mul3A_19, %dma_start3A_20] : memref<10000x64xf32, #tpu.memory_space<vmem_shared>> -> memref<625x64xf32, #tpu.memory_space<vmem_shared>>
    %dma_start3A_22 = arith.constant 0 : i32
    %dma_start3A_23 = tpu.memref_slice %arg5[%mul3A_17, %dma_start3A_22] : memref<10000x64xf32, #tpu.memory_space<hbm>> -> memref<625x64xf32, #tpu.memory_space<hbm>>
    tpu.enqueue_dma source(%dma_start3A_23 : memref<625x64xf32, #tpu.memory_space<hbm>>) target(%dma_start3A_21 : memref<625x64xf32, #tpu.memory_space<vmem_shared>>) target_semaphore(%arg22 : memref<!tpu.dma_semaphore, #tpu.memory_space<semaphore_mem>>)
    %dma_wait3A = arith.constant 0 : i32
    %dma_wait3A_24 = arith.constant 0 : i32
    %dma_wait3A_25 = tpu.memref_slice %arg2[%add3A, %dma_wait3A, %dma_wait3A_24] : memref<32x125x80xi32, #tpu.memory_space<hbm>> -> memref<1x125x80xi32, #tpu.memory_space<hbm>>
    %dma_wait3A_26 = tpu.memref_squeeze %dma_wait3A_25 : memref<1x125x80xi32, #tpu.memory_space<hbm>> -> memref<125x80xi32, #tpu.memory_space<hbm>>
    %dma_wait3A_27 = arith.constant 0 : i32
    %dma_wait3A_28 = arith.constant 0 : i32
    %dma_wait3A_29 = tpu.memref_slice %arg2[%add3A, %dma_wait3A_27, %dma_wait3A_28] : memref<32x125x80xi32, #tpu.memory_space<hbm>> -> memref<1x125x80xi32, #tpu.memory_space<hbm>>
    %dma_wait3A_30 = tpu.memref_squeeze %dma_wait3A_29 : memref<1x125x80xi32, #tpu.memory_space<hbm>> -> memref<125x80xi32, #tpu.memory_space<hbm>>
    tpu.wait_dma2 semaphore(%arg20 : memref<!tpu.dma_semaphore, #tpu.memory_space<semaphore_mem>>) src(%dma_wait3A_30 : memref<125x80xi32, #tpu.memory_space<hbm>>) dst(%arg7 : memref<125x80xi32, #tpu.memory_space<vmem>>)
    %dma_wait3A_31 = arith.constant 0 : i32
    %dma_wait3A_32 = arith.constant 0 : i32
    %dma_wait3A_33 = tpu.memref_slice %arg3[%add3A, %dma_wait3A_31, %dma_wait3A_32] : memref<32x125x80xi32, #tpu.memory_space<hbm>> -> memref<1x125x80xi32, #tpu.memory_space<hbm>>
    %dma_wait3A_34 = tpu.memref_squeeze %dma_wait3A_33 : memref<1x125x80xi32, #tpu.memory_space<hbm>> -> memref<125x80xi32, #tpu.memory_space<hbm>>
    %dma_wait3A_35 = arith.constant 0 : i32
    %dma_wait3A_36 = arith.constant 0 : i32
    %dma_wait3A_37 = tpu.memref_slice %arg3[%add3A, %dma_wait3A_35, %dma_wait3A_36] : memref<32x125x80xi32, #tpu.memory_space<hbm>> -> memref<1x125x80xi32, #tpu.memory_space<hbm>>
    %dma_wait3A_38 = tpu.memref_squeeze %dma_wait3A_37 : memref<1x125x80xi32, #tpu.memory_space<hbm>> -> memref<125x80xi32, #tpu.memory_space<hbm>>
    tpu.wait_dma2 semaphore(%arg21 : memref<!tpu.dma_semaphore, #tpu.memory_space<semaphore_mem>>) src(%dma_wait3A_38 : memref<125x80xi32, #tpu.memory_space<hbm>>) dst(%arg8 : memref<125x80xi32, #tpu.memory_space<vmem>>)
    %dma_start3A_39 = arith.constant 0 : i32
    %dma_start3A_40 = arith.constant 0 : i32
    %dma_start3A_41 = tpu.memref_slice %arg7[%dma_start3A_39, %dma_start3A_40] : memref<125x80xi32, #tpu.memory_space<vmem>> -> memref<1x80xi32, #tpu.memory_space<vmem>>
    %dma_start3A_42 = tpu.memref_squeeze %dma_start3A_41 : memref<1x80xi32, #tpu.memory_space<vmem>> -> memref<80xi32, #tpu.memory_space<vmem>>
    %dma_start3A_43 = arith.constant 0 : i32
    %dma_start3A_44 = arith.constant 0 : i32
    %dma_start3A_45 = tpu.memref_slice %arg4[%dma_start3A_43, %dma_start3A_44] : memref<10000x64xf32, #tpu.memory_space<hbm>> -> memref<10000x64xf32, #tpu.memory_space<hbm>>
    tpu.enqueue_indirect_dma source(%dma_start3A_45 : memref<10000x64xf32, #tpu.memory_space<hbm>>) target(%arg9 : memref<80x64xf32, #tpu.memory_space<vmem>>) offsets(%dma_start3A_42 : memref<80xi32, #tpu.memory_space<vmem>>) semaphore(%arg15 : memref<!tpu.dma_semaphore, #tpu.memory_space<semaphore_mem>>)
    %dma_start3A_46 = arith.constant 1 : i32
    %dma_start3A_47 = arith.constant 0 : i32
    %dma_start3A_48 = tpu.memref_slice %arg7[%dma_start3A_46, %dma_start3A_47] : memref<125x80xi32, #tpu.memory_space<vmem>> -> memref<1x80xi32, #tpu.memory_space<vmem>>
    %dma_start3A_49 = tpu.memref_squeeze %dma_start3A_48 : memref<1x80xi32, #tpu.memory_space<vmem>> -> memref<80xi32, #tpu.memory_space<vmem>>
    %dma_start3A_50 = arith.constant 0 : i32
    %dma_start3A_51 = arith.constant 0 : i32
    %dma_start3A_52 = tpu.memref_slice %arg4[%dma_start3A_50, %dma_start3A_51] : memref<10000x64xf32, #tpu.memory_space<hbm>> -> memref<10000x64xf32, #tpu.memory_space<hbm>>
    tpu.enqueue_indirect_dma source(%dma_start3A_52 : memref<10000x64xf32, #tpu.memory_space<hbm>>) target(%arg10 : memref<80x64xf32, #tpu.memory_space<vmem>>) offsets(%dma_start3A_49 : memref<80xi32, #tpu.memory_space<vmem>>) semaphore(%arg16 : memref<!tpu.dma_semaphore, #tpu.memory_space<semaphore_mem>>)
    %dma_start3A_53 = arith.constant 2 : i32
    %dma_start3A_54 = arith.constant 0 : i32
    %dma_start3A_55 = tpu.memref_slice %arg7[%dma_start3A_53, %dma_start3A_54] : memref<125x80xi32, #tpu.memory_space<vmem>> -> memref<1x80xi32, #tpu.memory_space<vmem>>
    %dma_start3A_56 = tpu.memref_squeeze %dma_start3A_55 : memref<1x80xi32, #tpu.memory_space<vmem>> -> memref<80xi32, #tpu.memory_space<vmem>>
    %dma_start3A_57 = arith.constant 0 : i32
    %dma_start3A_58 = arith.constant 0 : i32
    %dma_start3A_59 = tpu.memref_slice %arg4[%dma_start3A_57, %dma_start3A_58] : memref<10000x64xf32, #tpu.memory_space<hbm>> -> memref<10000x64xf32, #tpu.memory_space<hbm>>
    tpu.enqueue_indirect_dma source(%dma_start3A_59 : memref<10000x64xf32, #tpu.memory_space<hbm>>) target(%arg11 : memref<80x64xf32, #tpu.memory_space<vmem>>) offsets(%dma_start3A_56 : memref<80xi32, #tpu.memory_space<vmem>>) semaphore(%arg17 : memref<!tpu.dma_semaphore, #tpu.memory_space<semaphore_mem>>)
    %dma_wait3A_60 = arith.constant 0 : i32
    %dma_wait3A_61 = tpu.memref_slice %arg14[%mul3A_19, %dma_wait3A_60] : memref<10000x64xf32, #tpu.memory_space<vmem_shared>> -> memref<625x64xf32, #tpu.memory_space<vmem_shared>>
    %dma_wait3A_62 = arith.constant 0 : i32
    %dma_wait3A_63 = tpu.memref_slice %arg5[%mul3A_17, %dma_wait3A_62] : memref<10000x64xf32, #tpu.memory_space<hbm>> -> memref<625x64xf32, #tpu.memory_space<hbm>>
    tpu.wait_dma2 semaphore(%arg22 : memref<!tpu.dma_semaphore, #tpu.memory_space<semaphore_mem>>) src(%dma_wait3A_63 : memref<625x64xf32, #tpu.memory_space<hbm>>) dst(%dma_wait3A_61 : memref<625x64xf32, #tpu.memory_space<vmem_shared>>)
    %barrier3A = arith.constant 0 : index
    tpu.barrier barrier_id(%barrier3A)
    %scan3A = arith.constant 0 : i32
    %scan3A_64 = arith.constant 25 : i32
    %scan3A_65 = arith.addi %scan3A, %scan3A_64 : i32
    %scan3A_66 = arith.constant 1 : i32
    scf.for %scan3A_87 = %scan3A to %scan3A_65 step %scan3A_66  : i32 {
      %mul3A_88 = arith.constant 5 : i32
      %mul3A_89 = arith.muli %scan3A_87, %mul3A_88 : i32
      %add3A_90 = arith.constant 0 : i32
      %add3A_91 = arith.addi %mul3A_89, %add3A_90 : i32
      %ge3A = arith.constant 2 : i32
      %ge3A_92 = arith.cmpi sge, %add3A_91, %ge3A : i32
      %convert_element_type3A = arith.extui %ge3A_92 : i1 to i32
      %cond3A = arith.constant 0 : i32
      %cond3A_93 = arith.cmpi ne, %convert_element_type3A, %cond3A : i32
      scf.if %cond3A_93 {
        %dma_wait3A_229 = arith.constant 0 : i32
        %dma_wait3A_230 = arith.constant 0 : i32
        %dma_wait3A_231 = tpu.memref_slice %arg8[%dma_wait3A_229, %dma_wait3A_230] : memref<125x80xi32, #tpu.memory_space<vmem>> -> memref<1x80xi32, #tpu.memory_space<vmem>>
        %dma_wait3A_232 = tpu.memref_squeeze %dma_wait3A_231 : memref<1x80xi32, #tpu.memory_space<vmem>> -> memref<80xi32, #tpu.memory_space<vmem>>
        %dma_wait3A_233 = arith.constant 0 : i32
        %dma_wait3A_234 = arith.constant 0 : i32
        %dma_wait3A_235 = tpu.memref_slice %arg14[%dma_wait3A_233, %dma_wait3A_234] : memref<10000x64xf32, #tpu.memory_space<vmem_shared>> -> memref<10000x64xf32, #tpu.memory_space<vmem_shared>>
        tpu.wait_indirect_dma semaphore(%arg23 : memref<!tpu.dma_semaphore, #tpu.memory_space<semaphore_mem>>) src(%arg12 : memref<80x64xf32, #tpu.memory_space<vmem>>) dst(%dma_wait3A_235 : memref<10000x64xf32, #tpu.memory_space<vmem_shared>>)
      } else {
      }
      %add3A_94 = arith.constant 3 : i32
      %add3A_95 = arith.addi %add3A_91, %add3A_94 : i32
      %lt3A = arith.constant 125 : i32
      %lt3A_96 = arith.cmpi slt, %add3A_95, %lt3A : i32
      %convert_element_type3A_97 = arith.extui %lt3A_96 : i1 to i32
      %cond3A_98 = arith.constant 0 : i32
      %cond3A_99 = arith.cmpi ne, %convert_element_type3A_97, %cond3A_98 : i32
      scf.if %cond3A_99 {
        %add3A_229 = arith.constant 3 : i32
        %add3A_230 = arith.addi %add3A_91, %add3A_229 : i32
        %dma_start3A_231 = arith.constant 0 : i32
        %dma_start3A_232 = tpu.memref_slice %arg7[%add3A_230, %dma_start3A_231] : memref<125x80xi32, #tpu.memory_space<vmem>> -> memref<1x80xi32, #tpu.memory_space<vmem>>
        %dma_start3A_233 = tpu.memref_squeeze %dma_start3A_232 : memref<1x80xi32, #tpu.memory_space<vmem>> -> memref<80xi32, #tpu.memory_space<vmem>>
        %dma_start3A_234 = arith.constant 0 : i32
        %dma_start3A_235 = arith.constant 0 : i32
        %dma_start3A_236 = tpu.memref_slice %arg4[%dma_start3A_234, %dma_start3A_235] : memref<10000x64xf32, #tpu.memory_space<hbm>> -> memref<10000x64xf32, #tpu.memory_space<hbm>>
        tpu.enqueue_indirect_dma source(%dma_start3A_236 : memref<10000x64xf32, #tpu.memory_space<hbm>>) target(%arg12 : memref<80x64xf32, #tpu.memory_space<vmem>>) offsets(%dma_start3A_233 : memref<80xi32, #tpu.memory_space<vmem>>) semaphore(%arg18 : memref<!tpu.dma_semaphore, #tpu.memory_space<semaphore_mem>>)
      } else {
      }
      %dma_wait3A_100 = arith.constant 0 : i32
      %dma_wait3A_101 = arith.constant 0 : i32
      %dma_wait3A_102 = tpu.memref_slice %arg7[%dma_wait3A_100, %dma_wait3A_101] : memref<125x80xi32, #tpu.memory_space<vmem>> -> memref<1x80xi32, #tpu.memory_space<vmem>>
      %dma_wait3A_103 = tpu.memref_squeeze %dma_wait3A_102 : memref<1x80xi32, #tpu.memory_space<vmem>> -> memref<80xi32, #tpu.memory_space<vmem>>
      %dma_wait3A_104 = arith.constant 0 : i32
      %dma_wait3A_105 = arith.constant 0 : i32
      %dma_wait3A_106 = tpu.memref_slice %arg4[%dma_wait3A_104, %dma_wait3A_105] : memref<10000x64xf32, #tpu.memory_space<hbm>> -> memref<10000x64xf32, #tpu.memory_space<hbm>>
      tpu.wait_indirect_dma semaphore(%arg15 : memref<!tpu.dma_semaphore, #tpu.memory_space<semaphore_mem>>) src(%dma_wait3A_106 : memref<10000x64xf32, #tpu.memory_space<hbm>>) dst(%arg9 : memref<80x64xf32, #tpu.memory_space<vmem>>)
      %dma_start3A_107 = arith.constant 0 : i32
      %dma_start3A_108 = tpu.memref_slice %arg8[%add3A_91, %dma_start3A_107] : memref<125x80xi32, #tpu.memory_space<vmem>> -> memref<1x80xi32, #tpu.memory_space<vmem>>
      %dma_start3A_109 = tpu.memref_squeeze %dma_start3A_108 : memref<1x80xi32, #tpu.memory_space<vmem>> -> memref<80xi32, #tpu.memory_space<vmem>>
      %dma_start3A_110 = arith.constant 0 : i32
      %dma_start3A_111 = arith.constant 0 : i32
      %dma_start3A_112 = tpu.memref_slice %arg14[%dma_start3A_110, %dma_start3A_111] : memref<10000x64xf32, #tpu.memory_space<vmem_shared>> -> memref<10000x64xf32, #tpu.memory_space<vmem_shared>>
      tpu.enqueue_indirect_dma source(%arg9 : memref<80x64xf32, #tpu.memory_space<vmem>>) target(%dma_start3A_112 : memref<10000x64xf32, #tpu.memory_space<vmem_shared>>) offsets(%dma_start3A_109 : memref<80xi32, #tpu.memory_space<vmem>>) semaphore(%arg20 : memref<!tpu.dma_semaphore, #tpu.memory_space<semaphore_mem>>) {add = true}
      %mul3A_113 = arith.constant 5 : i32
      %mul3A_114 = arith.muli %scan3A_87, %mul3A_113 : i32
      %add3A_115 = arith.constant 1 : i32
      %add3A_116 = arith.addi %mul3A_114, %add3A_115 : i32
      %ge3A_117 = arith.constant 2 : i32
      %ge3A_118 = arith.cmpi sge, %add3A_116, %ge3A_117 : i32
      %convert_element_type3A_119 = arith.extui %ge3A_118 : i1 to i32
      %cond3A_120 = arith.constant 0 : i32
      %cond3A_121 = arith.cmpi ne, %convert_element_type3A_119, %cond3A_120 : i32
      scf.if %cond3A_121 {
        %dma_wait3A_229 = arith.constant 0 : i32
        %dma_wait3A_230 = arith.constant 0 : i32
        %dma_wait3A_231 = tpu.memref_slice %arg8[%dma_wait3A_229, %dma_wait3A_230] : memref<125x80xi32, #tpu.memory_space<vmem>> -> memref<1x80xi32, #tpu.memory_space<vmem>>
        %dma_wait3A_232 = tpu.memref_squeeze %dma_wait3A_231 : memref<1x80xi32, #tpu.memory_space<vmem>> -> memref<80xi32, #tpu.memory_space<vmem>>
        %dma_wait3A_233 = arith.constant 0 : i32
        %dma_wait3A_234 = arith.constant 0 : i32
        %dma_wait3A_235 = tpu.memref_slice %arg14[%dma_wait3A_233, %dma_wait3A_234] : memref<10000x64xf32, #tpu.memory_space<vmem_shared>> -> memref<10000x64xf32, #tpu.memory_space<vmem_shared>>
        tpu.wait_indirect_dma semaphore(%arg24 : memref<!tpu.dma_semaphore, #tpu.memory_space<semaphore_mem>>) src(%arg13 : memref<80x64xf32, #tpu.memory_space<vmem>>) dst(%dma_wait3A_235 : memref<10000x64xf32, #tpu.memory_space<vmem_shared>>)
      } else {
      }
      %add3A_122 = arith.constant 3 : i32
      %add3A_123 = arith.addi %add3A_116, %add3A_122 : i32
      %lt3A_124 = arith.constant 125 : i32
      %lt3A_125 = arith.cmpi slt, %add3A_123, %lt3A_124 : i32
      %convert_element_type3A_126 = arith.extui %lt3A_125 : i1 to i32
      %cond3A_127 = arith.constant 0 : i32
      %cond3A_128 = arith.cmpi ne, %convert_element_type3A_126, %cond3A_127 : i32
      scf.if %cond3A_128 {
        %add3A_229 = arith.constant 3 : i32
        %add3A_230 = arith.addi %add3A_116, %add3A_229 : i32
        %dma_start3A_231 = arith.constant 0 : i32
        %dma_start3A_232 = tpu.memref_slice %arg7[%add3A_230, %dma_start3A_231] : memref<125x80xi32, #tpu.memory_space<vmem>> -> memref<1x80xi32, #tpu.memory_space<vmem>>
        %dma_start3A_233 = tpu.memref_squeeze %dma_start3A_232 : memref<1x80xi32, #tpu.memory_space<vmem>> -> memref<80xi32, #tpu.memory_space<vmem>>
        %dma_start3A_234 = arith.constant 0 : i32
        %dma_start3A_235 = arith.constant 0 : i32
        %dma_start3A_236 = tpu.memref_slice %arg4[%dma_start3A_234, %dma_start3A_235] : memref<10000x64xf32, #tpu.memory_space<hbm>> -> memref<10000x64xf32, #tpu.memory_space<hbm>>
        tpu.enqueue_indirect_dma source(%dma_start3A_236 : memref<10000x64xf32, #tpu.memory_space<hbm>>) target(%arg13 : memref<80x64xf32, #tpu.memory_space<vmem>>) offsets(%dma_start3A_233 : memref<80xi32, #tpu.memory_space<vmem>>) semaphore(%arg19 : memref<!tpu.dma_semaphore, #tpu.memory_space<semaphore_mem>>)
      } else {
      }
      %dma_wait3A_129 = arith.constant 0 : i32
      %dma_wait3A_130 = arith.constant 0 : i32
      %dma_wait3A_131 = tpu.memref_slice %arg7[%dma_wait3A_129, %dma_wait3A_130] : memref<125x80xi32, #tpu.memory_space<vmem>> -> memref<1x80xi32, #tpu.memory_space<vmem>>
      %dma_wait3A_132 = tpu.memref_squeeze %dma_wait3A_131 : memref<1x80xi32, #tpu.memory_space<vmem>> -> memref<80xi32, #tpu.memory_space<vmem>>
      %dma_wait3A_133 = arith.constant 0 : i32
      %dma_wait3A_134 = arith.constant 0 : i32
      %dma_wait3A_135 = tpu.memref_slice %arg4[%dma_wait3A_133, %dma_wait3A_134] : memref<10000x64xf32, #tpu.memory_space<hbm>> -> memref<10000x64xf32, #tpu.memory_space<hbm>>
      tpu.wait_indirect_dma semaphore(%arg16 : memref<!tpu.dma_semaphore, #tpu.memory_space<semaphore_mem>>) src(%dma_wait3A_135 : memref<10000x64xf32, #tpu.memory_space<hbm>>) dst(%arg10 : memref<80x64xf32, #tpu.memory_space<vmem>>)
      %dma_start3A_136 = arith.constant 0 : i32
      %dma_start3A_137 = tpu.memref_slice %arg8[%add3A_116, %dma_start3A_136] : memref<125x80xi32, #tpu.memory_space<vmem>> -> memref<1x80xi32, #tpu.memory_space<vmem>>
      %dma_start3A_138 = tpu.memref_squeeze %dma_start3A_137 : memref<1x80xi32, #tpu.memory_space<vmem>> -> memref<80xi32, #tpu.memory_space<vmem>>
      %dma_start3A_139 = arith.constant 0 : i32
      %dma_start3A_140 = arith.constant 0 : i32
      %dma_start3A_141 = tpu.memref_slice %arg14[%dma_start3A_139, %dma_start3A_140] : memref<10000x64xf32, #tpu.memory_space<vmem_shared>> -> memref<10000x64xf32, #tpu.memory_space<vmem_shared>>
      tpu.enqueue_indirect_dma source(%arg10 : memref<80x64xf32, #tpu.memory_space<vmem>>) target(%dma_start3A_141 : memref<10000x64xf32, #tpu.memory_space<vmem_shared>>) offsets(%dma_start3A_138 : memref<80xi32, #tpu.memory_space<vmem>>) semaphore(%arg21 : memref<!tpu.dma_semaphore, #tpu.memory_space<semaphore_mem>>) {add = true}
      %mul3A_142 = arith.constant 5 : i32
      %mul3A_143 = arith.muli %scan3A_87, %mul3A_142 : i32
      %add3A_144 = arith.constant 2 : i32
      %add3A_145 = arith.addi %mul3A_143, %add3A_144 : i32
      %ge3A_146 = arith.constant 2 : i32
      %ge3A_147 = arith.cmpi sge, %add3A_145, %ge3A_146 : i32
      %convert_element_type3A_148 = arith.extui %ge3A_147 : i1 to i32
      %cond3A_149 = arith.constant 0 : i32
      %cond3A_150 = arith.cmpi ne, %convert_element_type3A_148, %cond3A_149 : i32
      scf.if %cond3A_150 {
        %dma_wait3A_229 = arith.constant 0 : i32
        %dma_wait3A_230 = arith.constant 0 : i32
        %dma_wait3A_231 = tpu.memref_slice %arg8[%dma_wait3A_229, %dma_wait3A_230] : memref<125x80xi32, #tpu.memory_space<vmem>> -> memref<1x80xi32, #tpu.memory_space<vmem>>
        %dma_wait3A_232 = tpu.memref_squeeze %dma_wait3A_231 : memref<1x80xi32, #tpu.memory_space<vmem>> -> memref<80xi32, #tpu.memory_space<vmem>>
        %dma_wait3A_233 = arith.constant 0 : i32
        %dma_wait3A_234 = arith.constant 0 : i32
        %dma_wait3A_235 = tpu.memref_slice %arg14[%dma_wait3A_233, %dma_wait3A_234] : memref<10000x64xf32, #tpu.memory_space<vmem_shared>> -> memref<10000x64xf32, #tpu.memory_space<vmem_shared>>
        tpu.wait_indirect_dma semaphore(%arg20 : memref<!tpu.dma_semaphore, #tpu.memory_space<semaphore_mem>>) src(%arg9 : memref<80x64xf32, #tpu.memory_space<vmem>>) dst(%dma_wait3A_235 : memref<10000x64xf32, #tpu.memory_space<vmem_shared>>)
      } else {
      }
      %add3A_151 = arith.constant 3 : i32
      %add3A_152 = arith.addi %add3A_145, %add3A_151 : i32
      %lt3A_153 = arith.constant 125 : i32
      %lt3A_154 = arith.cmpi slt, %add3A_152, %lt3A_153 : i32
      %convert_element_type3A_155 = arith.extui %lt3A_154 : i1 to i32
      %cond3A_156 = arith.constant 0 : i32
      %cond3A_157 = arith.cmpi ne, %convert_element_type3A_155, %cond3A_156 : i32
      scf.if %cond3A_157 {
        %add3A_229 = arith.constant 3 : i32
        %add3A_230 = arith.addi %add3A_145, %add3A_229 : i32
        %dma_start3A_231 = arith.constant 0 : i32
        %dma_start3A_232 = tpu.memref_slice %arg7[%add3A_230, %dma_start3A_231] : memref<125x80xi32, #tpu.memory_space<vmem>> -> memref<1x80xi32, #tpu.memory_space<vmem>>
        %dma_start3A_233 = tpu.memref_squeeze %dma_start3A_232 : memref<1x80xi32, #tpu.memory_space<vmem>> -> memref<80xi32, #tpu.memory_space<vmem>>
        %dma_start3A_234 = arith.constant 0 : i32
        %dma_start3A_235 = arith.constant 0 : i32
        %dma_start3A_236 = tpu.memref_slice %arg4[%dma_start3A_234, %dma_start3A_235] : memref<10000x64xf32, #tpu.memory_space<hbm>> -> memref<10000x64xf32, #tpu.memory_space<hbm>>
        tpu.enqueue_indirect_dma source(%dma_start3A_236 : memref<10000x64xf32, #tpu.memory_space<hbm>>) target(%arg9 : memref<80x64xf32, #tpu.memory_space<vmem>>) offsets(%dma_start3A_233 : memref<80xi32, #tpu.memory_space<vmem>>) semaphore(%arg15 : memref<!tpu.dma_semaphore, #tpu.memory_space<semaphore_mem>>)
      } else {
      }
      %dma_wait3A_158 = arith.constant 0 : i32
      %dma_wait3A_159 = arith.constant 0 : i32
      %dma_wait3A_160 = tpu.memref_slice %arg7[%dma_wait3A_158, %dma_wait3A_159] : memref<125x80xi32, #tpu.memory_space<vmem>> -> memref<1x80xi32, #tpu.memory_space<vmem>>
      %dma_wait3A_161 = tpu.memref_squeeze %dma_wait3A_160 : memref<1x80xi32, #tpu.memory_space<vmem>> -> memref<80xi32, #tpu.memory_space<vmem>>
      %dma_wait3A_162 = arith.constant 0 : i32
      %dma_wait3A_163 = arith.constant 0 : i32
      %dma_wait3A_164 = tpu.memref_slice %arg4[%dma_wait3A_162, %dma_wait3A_163] : memref<10000x64xf32, #tpu.memory_space<hbm>> -> memref<10000x64xf32, #tpu.memory_space<hbm>>
      tpu.wait_indirect_dma semaphore(%arg17 : memref<!tpu.dma_semaphore, #tpu.memory_space<semaphore_mem>>) src(%dma_wait3A_164 : memref<10000x64xf32, #tpu.memory_space<hbm>>) dst(%arg11 : memref<80x64xf32, #tpu.memory_space<vmem>>)
      %dma_start3A_165 = arith.constant 0 : i32
      %dma_start3A_166 = tpu.memref_slice %arg8[%add3A_145, %dma_start3A_165] : memref<125x80xi32, #tpu.memory_space<vmem>> -> memref<1x80xi32, #tpu.memory_space<vmem>>
      %dma_start3A_167 = tpu.memref_squeeze %dma_start3A_166 : memref<1x80xi32, #tpu.memory_space<vmem>> -> memref<80xi32, #tpu.memory_space<vmem>>
      %dma_start3A_168 = arith.constant 0 : i32
      %dma_start3A_169 = arith.constant 0 : i32
      %dma_start3A_170 = tpu.memref_slice %arg14[%dma_start3A_168, %dma_start3A_169] : memref<10000x64xf32, #tpu.memory_space<vmem_shared>> -> memref<10000x64xf32, #tpu.memory_space<vmem_shared>>
      tpu.enqueue_indirect_dma source(%arg11 : memref<80x64xf32, #tpu.memory_space<vmem>>) target(%dma_start3A_170 : memref<10000x64xf32, #tpu.memory_space<vmem_shared>>) offsets(%dma_start3A_167 : memref<80xi32, #tpu.memory_space<vmem>>) semaphore(%arg22 : memref<!tpu.dma_semaphore, #tpu.memory_space<semaphore_mem>>) {add = true}
      %mul3A_171 = arith.constant 5 : i32
      %mul3A_172 = arith.muli %scan3A_87, %mul3A_171 : i32
      %add3A_173 = arith.constant 3 : i32
      %add3A_174 = arith.addi %mul3A_172, %add3A_173 : i32
      %ge3A_175 = arith.constant 2 : i32
      %ge3A_176 = arith.cmpi sge, %add3A_174, %ge3A_175 : i32
      %convert_element_type3A_177 = arith.extui %ge3A_176 : i1 to i32
      %cond3A_178 = arith.constant 0 : i32
      %cond3A_179 = arith.cmpi ne, %convert_element_type3A_177, %cond3A_178 : i32
      scf.if %cond3A_179 {
        %dma_wait3A_229 = arith.constant 0 : i32
        %dma_wait3A_230 = arith.constant 0 : i32
        %dma_wait3A_231 = tpu.memref_slice %arg8[%dma_wait3A_229, %dma_wait3A_230] : memref<125x80xi32, #tpu.memory_space<vmem>> -> memref<1x80xi32, #tpu.memory_space<vmem>>
        %dma_wait3A_232 = tpu.memref_squeeze %dma_wait3A_231 : memref<1x80xi32, #tpu.memory_space<vmem>> -> memref<80xi32, #tpu.memory_space<vmem>>
        %dma_wait3A_233 = arith.constant 0 : i32
        %dma_wait3A_234 = arith.constant 0 : i32
        %dma_wait3A_235 = tpu.memref_slice %arg14[%dma_wait3A_233, %dma_wait3A_234] : memref<10000x64xf32, #tpu.memory_space<vmem_shared>> -> memref<10000x64xf32, #tpu.memory_space<vmem_shared>>
        tpu.wait_indirect_dma semaphore(%arg21 : memref<!tpu.dma_semaphore, #tpu.memory_space<semaphore_mem>>) src(%arg10 : memref<80x64xf32, #tpu.memory_space<vmem>>) dst(%dma_wait3A_235 : memref<10000x64xf32, #tpu.memory_space<vmem_shared>>)
      } else {
      }
      %add3A_180 = arith.constant 3 : i32
      %add3A_181 = arith.addi %add3A_174, %add3A_180 : i32
      %lt3A_182 = arith.constant 125 : i32
      %lt3A_183 = arith.cmpi slt, %add3A_181, %lt3A_182 : i32
      %convert_element_type3A_184 = arith.extui %lt3A_183 : i1 to i32
      %cond3A_185 = arith.constant 0 : i32
      %cond3A_186 = arith.cmpi ne, %convert_element_type3A_184, %cond3A_185 : i32
      scf.if %cond3A_186 {
        %add3A_229 = arith.constant 3 : i32
        %add3A_230 = arith.addi %add3A_174, %add3A_229 : i32
        %dma_start3A_231 = arith.constant 0 : i32
        %dma_start3A_232 = tpu.memref_slice %arg7[%add3A_230, %dma_start3A_231] : memref<125x80xi32, #tpu.memory_space<vmem>> -> memref<1x80xi32, #tpu.memory_space<vmem>>
        %dma_start3A_233 = tpu.memref_squeeze %dma_start3A_232 : memref<1x80xi32, #tpu.memory_space<vmem>> -> memref<80xi32, #tpu.memory_space<vmem>>
        %dma_start3A_234 = arith.constant 0 : i32
        %dma_start3A_235 = arith.constant 0 : i32
        %dma_start3A_236 = tpu.memref_slice %arg4[%dma_start3A_234, %dma_start3A_235] : memref<10000x64xf32, #tpu.memory_space<hbm>> -> memref<10000x64xf32, #tpu.memory_space<hbm>>
        tpu.enqueue_indirect_dma source(%dma_start3A_236 : memref<10000x64xf32, #tpu.memory_space<hbm>>) target(%arg10 : memref<80x64xf32, #tpu.memory_space<vmem>>) offsets(%dma_start3A_233 : memref<80xi32, #tpu.memory_space<vmem>>) semaphore(%arg16 : memref<!tpu.dma_semaphore, #tpu.memory_space<semaphore_mem>>)
      } else {
      }
      %dma_wait3A_187 = arith.constant 0 : i32
      %dma_wait3A_188 = arith.constant 0 : i32
      %dma_wait3A_189 = tpu.memref_slice %arg7[%dma_wait3A_187, %dma_wait3A_188] : memref<125x80xi32, #tpu.memory_space<vmem>> -> memref<1x80xi32, #tpu.memory_space<vmem>>
      %dma_wait3A_190 = tpu.memref_squeeze %dma_wait3A_189 : memref<1x80xi32, #tpu.memory_space<vmem>> -> memref<80xi32, #tpu.memory_space<vmem>>
      %dma_wait3A_191 = arith.constant 0 : i32
      %dma_wait3A_192 = arith.constant 0 : i32
      %dma_wait3A_193 = tpu.memref_slice %arg4[%dma_wait3A_191, %dma_wait3A_192] : memref<10000x64xf32, #tpu.memory_space<hbm>> -> memref<10000x64xf32, #tpu.memory_space<hbm>>
      tpu.wait_indirect_dma semaphore(%arg18 : memref<!tpu.dma_semaphore, #tpu.memory_space<semaphore_mem>>) src(%dma_wait3A_193 : memref<10000x64xf32, #tpu.memory_space<hbm>>) dst(%arg12 : memref<80x64xf32, #tpu.memory_space<vmem>>)
      %dma_start3A_194 = arith.constant 0 : i32
      %dma_start3A_195 = tpu.memref_slice %arg8[%add3A_174, %dma_start3A_194] : memref<125x80xi32, #tpu.memory_space<vmem>> -> memref<1x80xi32, #tpu.memory_space<vmem>>
      %dma_start3A_196 = tpu.memref_squeeze %dma_start3A_195 : memref<1x80xi32, #tpu.memory_space<vmem>> -> memref<80xi32, #tpu.memory_space<vmem>>
      %dma_start3A_197 = arith.constant 0 : i32
      %dma_start3A_198 = arith.constant 0 : i32
      %dma_start3A_199 = tpu.memref_slice %arg14[%dma_start3A_197, %dma_start3A_198] : memref<10000x64xf32, #tpu.memory_space<vmem_shared>> -> memref<10000x64xf32, #tpu.memory_space<vmem_shared>>
      tpu.enqueue_indirect_dma source(%arg12 : memref<80x64xf32, #tpu.memory_space<vmem>>) target(%dma_start3A_199 : memref<10000x64xf32, #tpu.memory_space<vmem_shared>>) offsets(%dma_start3A_196 : memref<80xi32, #tpu.memory_space<vmem>>) semaphore(%arg23 : memref<!tpu.dma_semaphore, #tpu.memory_space<semaphore_mem>>) {add = true}
      %mul3A_200 = arith.constant 5 : i32
      %mul3A_201 = arith.muli %scan3A_87, %mul3A_200 : i32
      %add3A_202 = arith.constant 4 : i32
      %add3A_203 = arith.addi %mul3A_201, %add3A_202 : i32
      %ge3A_204 = arith.constant 2 : i32
      %ge3A_205 = arith.cmpi sge, %add3A_203, %ge3A_204 : i32
      %convert_element_type3A_206 = arith.extui %ge3A_205 : i1 to i32
      %cond3A_207 = arith.constant 0 : i32
      %cond3A_208 = arith.cmpi ne, %convert_element_type3A_206, %cond3A_207 : i32
      scf.if %cond3A_208 {
        %dma_wait3A_229 = arith.constant 0 : i32
        %dma_wait3A_230 = arith.constant 0 : i32
        %dma_wait3A_231 = tpu.memref_slice %arg8[%dma_wait3A_229, %dma_wait3A_230] : memref<125x80xi32, #tpu.memory_space<vmem>> -> memref<1x80xi32, #tpu.memory_space<vmem>>
        %dma_wait3A_232 = tpu.memref_squeeze %dma_wait3A_231 : memref<1x80xi32, #tpu.memory_space<vmem>> -> memref<80xi32, #tpu.memory_space<vmem>>
        %dma_wait3A_233 = arith.constant 0 : i32
        %dma_wait3A_234 = arith.constant 0 : i32
        %dma_wait3A_235 = tpu.memref_slice %arg14[%dma_wait3A_233, %dma_wait3A_234] : memref<10000x64xf32, #tpu.memory_space<vmem_shared>> -> memref<10000x64xf32, #tpu.memory_space<vmem_shared>>
        tpu.wait_indirect_dma semaphore(%arg22 : memref<!tpu.dma_semaphore, #tpu.memory_space<semaphore_mem>>) src(%arg11 : memref<80x64xf32, #tpu.memory_space<vmem>>) dst(%dma_wait3A_235 : memref<10000x64xf32, #tpu.memory_space<vmem_shared>>)
      } else {
      }
      %add3A_209 = arith.constant 3 : i32
      %add3A_210 = arith.addi %add3A_203, %add3A_209 : i32
      %lt3A_211 = arith.constant 125 : i32
      %lt3A_212 = arith.cmpi slt, %add3A_210, %lt3A_211 : i32
      %convert_element_type3A_213 = arith.extui %lt3A_212 : i1 to i32
      %cond3A_214 = arith.constant 0 : i32
      %cond3A_215 = arith.cmpi ne, %convert_element_type3A_213, %cond3A_214 : i32
      scf.if %cond3A_215 {
        %add3A_229 = arith.constant 3 : i32
        %add3A_230 = arith.addi %add3A_203, %add3A_229 : i32
        %dma_start3A_231 = arith.constant 0 : i32
        %dma_start3A_232 = tpu.memref_slice %arg7[%add3A_230, %dma_start3A_231] : memref<125x80xi32, #tpu.memory_space<vmem>> -> memref<1x80xi32, #tpu.memory_space<vmem>>
        %dma_start3A_233 = tpu.memref_squeeze %dma_start3A_232 : memref<1x80xi32, #tpu.memory_space<vmem>> -> memref<80xi32, #tpu.memory_space<vmem>>
        %dma_start3A_234 = arith.constant 0 : i32
        %dma_start3A_235 = arith.constant 0 : i32
        %dma_start3A_236 = tpu.memref_slice %arg4[%dma_start3A_234, %dma_start3A_235] : memref<10000x64xf32, #tpu.memory_space<hbm>> -> memref<10000x64xf32, #tpu.memory_space<hbm>>
        tpu.enqueue_indirect_dma source(%dma_start3A_236 : memref<10000x64xf32, #tpu.memory_space<hbm>>) target(%arg11 : memref<80x64xf32, #tpu.memory_space<vmem>>) offsets(%dma_start3A_233 : memref<80xi32, #tpu.memory_space<vmem>>) semaphore(%arg17 : memref<!tpu.dma_semaphore, #tpu.memory_space<semaphore_mem>>)
      } else {
      }
      %dma_wait3A_216 = arith.constant 0 : i32
      %dma_wait3A_217 = arith.constant 0 : i32
      %dma_wait3A_218 = tpu.memref_slice %arg7[%dma_wait3A_216, %dma_wait3A_217] : memref<125x80xi32, #tpu.memory_space<vmem>> -> memref<1x80xi32, #tpu.memory_space<vmem>>
      %dma_wait3A_219 = tpu.memref_squeeze %dma_wait3A_218 : memref<1x80xi32, #tpu.memory_space<vmem>> -> memref<80xi32, #tpu.memory_space<vmem>>
      %dma_wait3A_220 = arith.constant 0 : i32
      %dma_wait3A_221 = arith.constant 0 : i32
      %dma_wait3A_222 = tpu.memref_slice %arg4[%dma_wait3A_220, %dma_wait3A_221] : memref<10000x64xf32, #tpu.memory_space<hbm>> -> memref<10000x64xf32, #tpu.memory_space<hbm>>
      tpu.wait_indirect_dma semaphore(%arg19 : memref<!tpu.dma_semaphore, #tpu.memory_space<semaphore_mem>>) src(%dma_wait3A_222 : memref<10000x64xf32, #tpu.memory_space<hbm>>) dst(%arg13 : memref<80x64xf32, #tpu.memory_space<vmem>>)
      %dma_start3A_223 = arith.constant 0 : i32
      %dma_start3A_224 = tpu.memref_slice %arg8[%add3A_203, %dma_start3A_223] : memref<125x80xi32, #tpu.memory_space<vmem>> -> memref<1x80xi32, #tpu.memory_space<vmem>>
      %dma_start3A_225 = tpu.memref_squeeze %dma_start3A_224 : memref<1x80xi32, #tpu.memory_space<vmem>> -> memref<80xi32, #tpu.memory_space<vmem>>
      %dma_start3A_226 = arith.constant 0 : i32
      %dma_start3A_227 = arith.constant 0 : i32
      %dma_start3A_228 = tpu.memref_slice %arg14[%dma_start3A_226, %dma_start3A_227] : memref<10000x64xf32, #tpu.memory_space<vmem_shared>> -> memref<10000x64xf32, #tpu.memory_space<vmem_shared>>
      tpu.enqueue_indirect_dma source(%arg13 : memref<80x64xf32, #tpu.memory_space<vmem>>) target(%dma_start3A_228 : memref<10000x64xf32, #tpu.memory_space<vmem_shared>>) offsets(%dma_start3A_225 : memref<80xi32, #tpu.memory_space<vmem>>) semaphore(%arg24 : memref<!tpu.dma_semaphore, #tpu.memory_space<semaphore_mem>>) {add = true}
    }
    %scan3A_67 = arith.constant 25 : i32
    %dma_wait3A_68 = arith.constant 0 : i32
    %dma_wait3A_69 = arith.constant 0 : i32
    %dma_wait3A_70 = tpu.memref_slice %arg8[%dma_wait3A_68, %dma_wait3A_69] : memref<125x80xi32, #tpu.memory_space<vmem>> -> memref<1x80xi32, #tpu.memory_space<vmem>>
    %dma_wait3A_71 = tpu.memref_squeeze %dma_wait3A_70 : memref<1x80xi32, #tpu.memory_space<vmem>> -> memref<80xi32, #tpu.memory_space<vmem>>
    %dma_wait3A_72 = arith.constant 0 : i32
    %dma_wait3A_73 = arith.constant 0 : i32
    %dma_wait3A_74 = tpu.memref_slice %arg14[%dma_wait3A_72, %dma_wait3A_73] : memref<10000x64xf32, #tpu.memory_space<vmem_shared>> -> memref<10000x64xf32, #tpu.memory_space<vmem_shared>>
    tpu.wait_indirect_dma semaphore(%arg23 : memref<!tpu.dma_semaphore, #tpu.memory_space<semaphore_mem>>) src(%arg12 : memref<80x64xf32, #tpu.memory_space<vmem>>) dst(%dma_wait3A_74 : memref<10000x64xf32, #tpu.memory_space<vmem_shared>>)
    %dma_wait3A_75 = arith.constant 0 : i32
    %dma_wait3A_76 = arith.constant 0 : i32
    %dma_wait3A_77 = tpu.memref_slice %arg8[%dma_wait3A_75, %dma_wait3A_76] : memref<125x80xi32, #tpu.memory_space<vmem>> -> memref<1x80xi32, #tpu.memory_space<vmem>>
    %dma_wait3A_78 = tpu.memref_squeeze %dma_wait3A_77 : memref<1x80xi32, #tpu.memory_space<vmem>> -> memref<80xi32, #tpu.memory_space<vmem>>
    %dma_wait3A_79 = arith.constant 0 : i32
    %dma_wait3A_80 = arith.constant 0 : i32
    %dma_wait3A_81 = tpu.memref_slice %arg14[%dma_wait3A_79, %dma_wait3A_80] : memref<10000x64xf32, #tpu.memory_space<vmem_shared>> -> memref<10000x64xf32, #tpu.memory_space<vmem_shared>>
    tpu.wait_indirect_dma semaphore(%arg24 : memref<!tpu.dma_semaphore, #tpu.memory_space<semaphore_mem>>) src(%arg13 : memref<80x64xf32, #tpu.memory_space<vmem>>) dst(%dma_wait3A_81 : memref<10000x64xf32, #tpu.memory_space<vmem_shared>>)
    %barrier3A_82 = arith.constant 0 : index
    tpu.barrier barrier_id(%barrier3A_82)
    %mul3A_83 = arith.constant 625 : i32
    %mul3A_84 = arith.muli %arg1, %mul3A_83 : i32
    %mul3A_85 = arith.constant 625 : i32
    %mul3A_86 = arith.muli %arg1, %mul3A_85 : i32
    "tpu.region"() ({
      %run_scoped3A = tpu.sem_alloc : memref<!tpu.dma_semaphore, #tpu.memory_space<semaphore_mem>>
      %dma_start3A_87 = arith.constant 0 : i32
      %dma_start3A_88 = tpu.memref_slice %arg6[%arg0, %mul3A_86, %dma_start3A_87] : memref<2x10000x64xf32, #tpu.memory_space<hbm>> -> memref<1x625x64xf32, #tpu.memory_space<hbm>>
      %dma_start3A_89 = tpu.memref_squeeze %dma_start3A_88 : memref<1x625x64xf32, #tpu.memory_space<hbm>> -> memref<625x64xf32, #tpu.memory_space<hbm>>
      %dma_start3A_90 = arith.constant 0 : i32
      %dma_start3A_91 = tpu.memref_slice %arg14[%mul3A_84, %dma_start3A_90] : memref<10000x64xf32, #tpu.memory_space<vmem_shared>> -> memref<625x64xf32, #tpu.memory_space<vmem_shared>>
      tpu.enqueue_dma source(%dma_start3A_91 : memref<625x64xf32, #tpu.memory_space<vmem_shared>>) target(%dma_start3A_89 : memref<625x64xf32, #tpu.memory_space<hbm>>) target_semaphore(%run_scoped3A : memref<!tpu.dma_semaphore, #tpu.memory_space<semaphore_mem>>)
      %dma_wait3A_92 = arith.constant 0 : i32
      %dma_wait3A_93 = tpu.memref_slice %arg6[%arg0, %mul3A_86, %dma_wait3A_92] : memref<2x10000x64xf32, #tpu.memory_space<hbm>> -> memref<1x625x64xf32, #tpu.memory_space<hbm>>
      %dma_wait3A_94 = tpu.memref_squeeze %dma_wait3A_93 : memref<1x625x64xf32, #tpu.memory_space<hbm>> -> memref<625x64xf32, #tpu.memory_space<hbm>>
      %dma_wait3A_95 = arith.constant 0 : i32
      %dma_wait3A_96 = tpu.memref_slice %arg14[%mul3A_84, %dma_wait3A_95] : memref<10000x64xf32, #tpu.memory_space<vmem_shared>> -> memref<625x64xf32, #tpu.memory_space<vmem_shared>>
      tpu.wait_dma2 semaphore(%run_scoped3A : memref<!tpu.dma_semaphore, #tpu.memory_space<semaphore_mem>>) src(%dma_wait3A_96 : memref<625x64xf32, #tpu.memory_space<vmem_shared>>) dst(%dma_wait3A_94 : memref<625x64xf32, #tpu.memory_space<hbm>>)
      tpu.yield
    }) : () -> ()
    return
  }
}

#map = affine_map<(d0, d1) -> (0, 0, 0)>
#map1 = affine_map<(d0, d1) -> (0, 0)>
module attributes {stable_mosaic.version = 14 : i64} {
  func.func @_sc_degree(%arg0: i32, %arg1: i32, %arg2: memref<32x125x80xi32, #tpu.memory_space<hbm>>, %arg3: memref<10000x16xf32, #tpu.memory_space<hbm>>, %arg4: memref<2x10000x16xf32, #tpu.memory_space<hbm>>, %arg5: memref<125x80xi32, #tpu.memory_space<vmem>>, %arg6: memref<80x16xf32, #tpu.memory_space<vmem>>, %arg7: memref<10000x16xf32, #tpu.memory_space<vmem_shared>>, %arg8: memref<!tpu.dma_semaphore, #tpu.memory_space<semaphore_mem>>, %arg9: memref<!tpu.dma_semaphore, #tpu.memory_space<semaphore_mem>>, %arg10: memref<!tpu.dma_semaphore, #tpu.memory_space<semaphore_mem>>) attributes {dimension_semantics = [#tpu.dimension_semantics<core_parallel>, #tpu.dimension_semantics<subcore_parallel>], iteration_bounds = array<i64: 2, 16>, scalar_prefetch = 0 : i64, scratch_operands = 6 : i64, tpu.core_type = #tpu.core_type<sc_vector_subcore>, window_params = [{transform_indices = #map}, {transform_indices = #map1}, {transform_indices = #map}]} {
    %mul3A = arith.constant 16 : i32
    %mul3A_0 = arith.muli %arg0, %mul3A : i32
    %add3A = arith.addi %mul3A_0, %arg1 : i32
    %dma_start3A = arith.constant 0 : i32
    %dma_start3A_1 = arith.constant 0 : i32
    %dma_start3A_2 = tpu.memref_slice %arg2[%add3A, %dma_start3A, %dma_start3A_1] : memref<32x125x80xi32, #tpu.memory_space<hbm>> -> memref<1x125x80xi32, #tpu.memory_space<hbm>>
    %dma_start3A_3 = tpu.memref_squeeze %dma_start3A_2 : memref<1x125x80xi32, #tpu.memory_space<hbm>> -> memref<125x80xi32, #tpu.memory_space<hbm>>
    %dma_start3A_4 = arith.constant 0 : i32
    %dma_start3A_5 = arith.constant 0 : i32
    %dma_start3A_6 = tpu.memref_slice %arg2[%add3A, %dma_start3A_4, %dma_start3A_5] : memref<32x125x80xi32, #tpu.memory_space<hbm>> -> memref<1x125x80xi32, #tpu.memory_space<hbm>>
    %dma_start3A_7 = tpu.memref_squeeze %dma_start3A_6 : memref<1x125x80xi32, #tpu.memory_space<hbm>> -> memref<125x80xi32, #tpu.memory_space<hbm>>
    tpu.enqueue_dma source(%dma_start3A_7 : memref<125x80xi32, #tpu.memory_space<hbm>>) target(%arg5 : memref<125x80xi32, #tpu.memory_space<vmem>>) target_semaphore(%arg9 : memref<!tpu.dma_semaphore, #tpu.memory_space<semaphore_mem>>)
    %mul3A_8 = arith.constant 625 : i32
    %mul3A_9 = arith.muli %arg1, %mul3A_8 : i32
    %mul3A_10 = arith.constant 625 : i32
    %mul3A_11 = arith.muli %arg1, %mul3A_10 : i32
    %dma_start3A_12 = arith.constant 0 : i32
    %dma_start3A_13 = tpu.memref_slice %arg7[%mul3A_11, %dma_start3A_12] : memref<10000x16xf32, #tpu.memory_space<vmem_shared>> -> memref<625x16xf32, #tpu.memory_space<vmem_shared>>
    %dma_start3A_14 = arith.constant 0 : i32
    %dma_start3A_15 = tpu.memref_slice %arg3[%mul3A_9, %dma_start3A_14] : memref<10000x16xf32, #tpu.memory_space<hbm>> -> memref<625x16xf32, #tpu.memory_space<hbm>>
    tpu.enqueue_dma source(%dma_start3A_15 : memref<625x16xf32, #tpu.memory_space<hbm>>) target(%dma_start3A_13 : memref<625x16xf32, #tpu.memory_space<vmem_shared>>) target_semaphore(%arg10 : memref<!tpu.dma_semaphore, #tpu.memory_space<semaphore_mem>>)
    %scan3A = arith.constant 0 : i32
    %scan3A_16 = arith.constant 80 : i32
    %scan3A_17 = arith.addi %scan3A, %scan3A_16 : i32
    %scan3A_18 = arith.constant 1 : i32
    scf.for %scan3A_41 = %scan3A to %scan3A_17 step %scan3A_18  : i32 {
      %broadcast_in_dim3A = arith.constant 1.000000e+00 : f32
      %broadcast_in_dim3A_42 = vector.broadcast %broadcast_in_dim3A : f32 to vector<16xf32>
      %swap3A = arith.index_cast %scan3A_41 : i32 to index
      %swap3A_43 = arith.constant 0 : index
      %swap3A_44 = tpu.vector_load %arg6[%swap3A, %swap3A_43] {strides = array<i32>} : memref<80x16xf32, #tpu.memory_space<vmem>>, vector<1x16xf32>,
      %swap3A_45 = vector.shape_cast %swap3A_44 : vector<1x16xf32> to vector<16xf32>
      %swap3A_46 = vector.shape_cast %broadcast_in_dim3A_42 : vector<16xf32> to vector<1x16xf32>
      tpu.vector_store %arg6[%swap3A, %swap3A_43], %swap3A_46 {strides = array<i32>} : memref<80x16xf32, #tpu.memory_space<vmem>>, vector<1x16xf32>,
    }
    %scan3A_19 = arith.constant 80 : i32
    %dma_wait3A = arith.constant 0 : i32
    %dma_wait3A_20 = arith.constant 0 : i32
    %dma_wait3A_21 = tpu.memref_slice %arg2[%add3A, %dma_wait3A, %dma_wait3A_20] : memref<32x125x80xi32, #tpu.memory_space<hbm>> -> memref<1x125x80xi32, #tpu.memory_space<hbm>>
    %dma_wait3A_22 = tpu.memref_squeeze %dma_wait3A_21 : memref<1x125x80xi32, #tpu.memory_space<hbm>> -> memref<125x80xi32, #tpu.memory_space<hbm>>
    %dma_wait3A_23 = arith.constant 0 : i32
    %dma_wait3A_24 = arith.constant 0 : i32
    %dma_wait3A_25 = tpu.memref_slice %arg2[%add3A, %dma_wait3A_23, %dma_wait3A_24] : memref<32x125x80xi32, #tpu.memory_space<hbm>> -> memref<1x125x80xi32, #tpu.memory_space<hbm>>
    %dma_wait3A_26 = tpu.memref_squeeze %dma_wait3A_25 : memref<1x125x80xi32, #tpu.memory_space<hbm>> -> memref<125x80xi32, #tpu.memory_space<hbm>>
    tpu.wait_dma2 semaphore(%arg9 : memref<!tpu.dma_semaphore, #tpu.memory_space<semaphore_mem>>) src(%dma_wait3A_26 : memref<125x80xi32, #tpu.memory_space<hbm>>) dst(%arg5 : memref<125x80xi32, #tpu.memory_space<vmem>>)
    %dma_wait3A_27 = arith.constant 0 : i32
    %dma_wait3A_28 = tpu.memref_slice %arg7[%mul3A_11, %dma_wait3A_27] : memref<10000x16xf32, #tpu.memory_space<vmem_shared>> -> memref<625x16xf32, #tpu.memory_space<vmem_shared>>
    %dma_wait3A_29 = arith.constant 0 : i32
    %dma_wait3A_30 = tpu.memref_slice %arg3[%mul3A_9, %dma_wait3A_29] : memref<10000x16xf32, #tpu.memory_space<hbm>> -> memref<625x16xf32, #tpu.memory_space<hbm>>
    tpu.wait_dma2 semaphore(%arg10 : memref<!tpu.dma_semaphore, #tpu.memory_space<semaphore_mem>>) src(%dma_wait3A_30 : memref<625x16xf32, #tpu.memory_space<hbm>>) dst(%dma_wait3A_28 : memref<625x16xf32, #tpu.memory_space<vmem_shared>>)
    %barrier3A = arith.constant 0 : index
    tpu.barrier barrier_id(%barrier3A)
    %scan3A_31 = arith.constant 0 : i32
    %scan3A_32 = arith.constant 5 : i32
    %scan3A_33 = arith.addi %scan3A_31, %scan3A_32 : i32
    %scan3A_34 = arith.constant 1 : i32
    scf.for %scan3A_41 = %scan3A_31 to %scan3A_33 step %scan3A_34  : i32 {
      %mul3A_42 = arith.constant 25 : i32
      %mul3A_43 = arith.muli %scan3A_41, %mul3A_42 : i32
      %add3A_44 = arith.constant 0 : i32
      %add3A_45 = arith.addi %mul3A_43, %add3A_44 : i32
      %dma_start3A_46 = arith.constant 0 : i32
      %dma_start3A_47 = tpu.memref_slice %arg5[%add3A_45, %dma_start3A_46] : memref<125x80xi32, #tpu.memory_space<vmem>> -> memref<1x80xi32, #tpu.memory_space<vmem>>
      %dma_start3A_48 = tpu.memref_squeeze %dma_start3A_47 : memref<1x80xi32, #tpu.memory_space<vmem>> -> memref<80xi32, #tpu.memory_space<vmem>>
      %dma_start3A_49 = arith.constant 0 : i32
      %dma_start3A_50 = arith.constant 0 : i32
      %dma_start3A_51 = tpu.memref_slice %arg7[%dma_start3A_49, %dma_start3A_50] : memref<10000x16xf32, #tpu.memory_space<vmem_shared>> -> memref<10000x16xf32, #tpu.memory_space<vmem_shared>>
      tpu.enqueue_indirect_dma source(%arg6 : memref<80x16xf32, #tpu.memory_space<vmem>>) target(%dma_start3A_51 : memref<10000x16xf32, #tpu.memory_space<vmem_shared>>) offsets(%dma_start3A_48 : memref<80xi32, #tpu.memory_space<vmem>>) semaphore(%arg8 : memref<!tpu.dma_semaphore, #tpu.memory_space<semaphore_mem>>) {add = true}
      %add3A_52 = arith.constant 1 : i32
      %add3A_53 = arith.addi %mul3A_43, %add3A_52 : i32
      %dma_start3A_54 = arith.constant 0 : i32
      %dma_start3A_55 = tpu.memref_slice %arg5[%add3A_53, %dma_start3A_54] : memref<125x80xi32, #tpu.memory_space<vmem>> -> memref<1x80xi32, #tpu.memory_space<vmem>>
      %dma_start3A_56 = tpu.memref_squeeze %dma_start3A_55 : memref<1x80xi32, #tpu.memory_space<vmem>> -> memref<80xi32, #tpu.memory_space<vmem>>
      %dma_start3A_57 = arith.constant 0 : i32
      %dma_start3A_58 = arith.constant 0 : i32
      %dma_start3A_59 = tpu.memref_slice %arg7[%dma_start3A_57, %dma_start3A_58] : memref<10000x16xf32, #tpu.memory_space<vmem_shared>> -> memref<10000x16xf32, #tpu.memory_space<vmem_shared>>
      tpu.enqueue_indirect_dma source(%arg6 : memref<80x16xf32, #tpu.memory_space<vmem>>) target(%dma_start3A_59 : memref<10000x16xf32, #tpu.memory_space<vmem_shared>>) offsets(%dma_start3A_56 : memref<80xi32, #tpu.memory_space<vmem>>) semaphore(%arg8 : memref<!tpu.dma_semaphore, #tpu.memory_space<semaphore_mem>>) {add = true}
      %add3A_60 = arith.constant 2 : i32
      %add3A_61 = arith.addi %mul3A_43, %add3A_60 : i32
      %dma_start3A_62 = arith.constant 0 : i32
      %dma_start3A_63 = tpu.memref_slice %arg5[%add3A_61, %dma_start3A_62] : memref<125x80xi32, #tpu.memory_space<vmem>> -> memref<1x80xi32, #tpu.memory_space<vmem>>
      %dma_start3A_64 = tpu.memref_squeeze %dma_start3A_63 : memref<1x80xi32, #tpu.memory_space<vmem>> -> memref<80xi32, #tpu.memory_space<vmem>>
      %dma_start3A_65 = arith.constant 0 : i32
      %dma_start3A_66 = arith.constant 0 : i32
      %dma_start3A_67 = tpu.memref_slice %arg7[%dma_start3A_65, %dma_start3A_66] : memref<10000x16xf32, #tpu.memory_space<vmem_shared>> -> memref<10000x16xf32, #tpu.memory_space<vmem_shared>>
      tpu.enqueue_indirect_dma source(%arg6 : memref<80x16xf32, #tpu.memory_space<vmem>>) target(%dma_start3A_67 : memref<10000x16xf32, #tpu.memory_space<vmem_shared>>) offsets(%dma_start3A_64 : memref<80xi32, #tpu.memory_space<vmem>>) semaphore(%arg8 : memref<!tpu.dma_semaphore, #tpu.memory_space<semaphore_mem>>) {add = true}
      %add3A_68 = arith.constant 3 : i32
      %add3A_69 = arith.addi %mul3A_43, %add3A_68 : i32
      %dma_start3A_70 = arith.constant 0 : i32
      %dma_start3A_71 = tpu.memref_slice %arg5[%add3A_69, %dma_start3A_70] : memref<125x80xi32, #tpu.memory_space<vmem>> -> memref<1x80xi32, #tpu.memory_space<vmem>>
      %dma_start3A_72 = tpu.memref_squeeze %dma_start3A_71 : memref<1x80xi32, #tpu.memory_space<vmem>> -> memref<80xi32, #tpu.memory_space<vmem>>
      %dma_start3A_73 = arith.constant 0 : i32
      %dma_start3A_74 = arith.constant 0 : i32
      %dma_start3A_75 = tpu.memref_slice %arg7[%dma_start3A_73, %dma_start3A_74] : memref<10000x16xf32, #tpu.memory_space<vmem_shared>> -> memref<10000x16xf32, #tpu.memory_space<vmem_shared>>
      tpu.enqueue_indirect_dma source(%arg6 : memref<80x16xf32, #tpu.memory_space<vmem>>) target(%dma_start3A_75 : memref<10000x16xf32, #tpu.memory_space<vmem_shared>>) offsets(%dma_start3A_72 : memref<80xi32, #tpu.memory_space<vmem>>) semaphore(%arg8 : memref<!tpu.dma_semaphore, #tpu.memory_space<semaphore_mem>>) {add = true}
      %add3A_76 = arith.constant 4 : i32
      %add3A_77 = arith.addi %mul3A_43, %add3A_76 : i32
      %dma_start3A_78 = arith.constant 0 : i32
      %dma_start3A_79 = tpu.memref_slice %arg5[%add3A_77, %dma_start3A_78] : memref<125x80xi32, #tpu.memory_space<vmem>> -> memref<1x80xi32, #tpu.memory_space<vmem>>
      %dma_start3A_80 = tpu.memref_squeeze %dma_start3A_79 : memref<1x80xi32, #tpu.memory_space<vmem>> -> memref<80xi32, #tpu.memory_space<vmem>>
      %dma_start3A_81 = arith.constant 0 : i32
      %dma_start3A_82 = arith.constant 0 : i32
      %dma_start3A_83 = tpu.memref_slice %arg7[%dma_start3A_81, %dma_start3A_82] : memref<10000x16xf32, #tpu.memory_space<vmem_shared>> -> memref<10000x16xf32, #tpu.memory_space<vmem_shared>>
      tpu.enqueue_indirect_dma source(%arg6 : memref<80x16xf32, #tpu.memory_space<vmem>>) target(%dma_start3A_83 : memref<10000x16xf32, #tpu.memory_space<vmem_shared>>) offsets(%dma_start3A_80 : memref<80xi32, #tpu.memory_space<vmem>>) semaphore(%arg8 : memref<!tpu.dma_semaphore, #tpu.memory_space<semaphore_mem>>) {add = true}
      %add3A_84 = arith.constant 5 : i32
      %add3A_85 = arith.addi %mul3A_43, %add3A_84 : i32
      %dma_start3A_86 = arith.constant 0 : i32
      %dma_start3A_87 = tpu.memref_slice %arg5[%add3A_85, %dma_start3A_86] : memref<125x80xi32, #tpu.memory_space<vmem>> -> memref<1x80xi32, #tpu.memory_space<vmem>>
      %dma_start3A_88 = tpu.memref_squeeze %dma_start3A_87 : memref<1x80xi32, #tpu.memory_space<vmem>> -> memref<80xi32, #tpu.memory_space<vmem>>
      %dma_start3A_89 = arith.constant 0 : i32
      %dma_start3A_90 = arith.constant 0 : i32
      %dma_start3A_91 = tpu.memref_slice %arg7[%dma_start3A_89, %dma_start3A_90] : memref<10000x16xf32, #tpu.memory_space<vmem_shared>> -> memref<10000x16xf32, #tpu.memory_space<vmem_shared>>
      tpu.enqueue_indirect_dma source(%arg6 : memref<80x16xf32, #tpu.memory_space<vmem>>) target(%dma_start3A_91 : memref<10000x16xf32, #tpu.memory_space<vmem_shared>>) offsets(%dma_start3A_88 : memref<80xi32, #tpu.memory_space<vmem>>) semaphore(%arg8 : memref<!tpu.dma_semaphore, #tpu.memory_space<semaphore_mem>>) {add = true}
      %add3A_92 = arith.constant 6 : i32
      %add3A_93 = arith.addi %mul3A_43, %add3A_92 : i32
      %dma_start3A_94 = arith.constant 0 : i32
      %dma_start3A_95 = tpu.memref_slice %arg5[%add3A_93, %dma_start3A_94] : memref<125x80xi32, #tpu.memory_space<vmem>> -> memref<1x80xi32, #tpu.memory_space<vmem>>
      %dma_start3A_96 = tpu.memref_squeeze %dma_start3A_95 : memref<1x80xi32, #tpu.memory_space<vmem>> -> memref<80xi32, #tpu.memory_space<vmem>>
      %dma_start3A_97 = arith.constant 0 : i32
      %dma_start3A_98 = arith.constant 0 : i32
      %dma_start3A_99 = tpu.memref_slice %arg7[%dma_start3A_97, %dma_start3A_98] : memref<10000x16xf32, #tpu.memory_space<vmem_shared>> -> memref<10000x16xf32, #tpu.memory_space<vmem_shared>>
      tpu.enqueue_indirect_dma source(%arg6 : memref<80x16xf32, #tpu.memory_space<vmem>>) target(%dma_start3A_99 : memref<10000x16xf32, #tpu.memory_space<vmem_shared>>) offsets(%dma_start3A_96 : memref<80xi32, #tpu.memory_space<vmem>>) semaphore(%arg8 : memref<!tpu.dma_semaphore, #tpu.memory_space<semaphore_mem>>) {add = true}
      %add3A_100 = arith.constant 7 : i32
      %add3A_101 = arith.addi %mul3A_43, %add3A_100 : i32
      %dma_start3A_102 = arith.constant 0 : i32
      %dma_start3A_103 = tpu.memref_slice %arg5[%add3A_101, %dma_start3A_102] : memref<125x80xi32, #tpu.memory_space<vmem>> -> memref<1x80xi32, #tpu.memory_space<vmem>>
      %dma_start3A_104 = tpu.memref_squeeze %dma_start3A_103 : memref<1x80xi32, #tpu.memory_space<vmem>> -> memref<80xi32, #tpu.memory_space<vmem>>
      %dma_start3A_105 = arith.constant 0 : i32
      %dma_start3A_106 = arith.constant 0 : i32
      %dma_start3A_107 = tpu.memref_slice %arg7[%dma_start3A_105, %dma_start3A_106] : memref<10000x16xf32, #tpu.memory_space<vmem_shared>> -> memref<10000x16xf32, #tpu.memory_space<vmem_shared>>
      tpu.enqueue_indirect_dma source(%arg6 : memref<80x16xf32, #tpu.memory_space<vmem>>) target(%dma_start3A_107 : memref<10000x16xf32, #tpu.memory_space<vmem_shared>>) offsets(%dma_start3A_104 : memref<80xi32, #tpu.memory_space<vmem>>) semaphore(%arg8 : memref<!tpu.dma_semaphore, #tpu.memory_space<semaphore_mem>>) {add = true}
      %add3A_108 = arith.constant 8 : i32
      %add3A_109 = arith.addi %mul3A_43, %add3A_108 : i32
      %dma_start3A_110 = arith.constant 0 : i32
      %dma_start3A_111 = tpu.memref_slice %arg5[%add3A_109, %dma_start3A_110] : memref<125x80xi32, #tpu.memory_space<vmem>> -> memref<1x80xi32, #tpu.memory_space<vmem>>
      %dma_start3A_112 = tpu.memref_squeeze %dma_start3A_111 : memref<1x80xi32, #tpu.memory_space<vmem>> -> memref<80xi32, #tpu.memory_space<vmem>>
      %dma_start3A_113 = arith.constant 0 : i32
      %dma_start3A_114 = arith.constant 0 : i32
      %dma_start3A_115 = tpu.memref_slice %arg7[%dma_start3A_113, %dma_start3A_114] : memref<10000x16xf32, #tpu.memory_space<vmem_shared>> -> memref<10000x16xf32, #tpu.memory_space<vmem_shared>>
      tpu.enqueue_indirect_dma source(%arg6 : memref<80x16xf32, #tpu.memory_space<vmem>>) target(%dma_start3A_115 : memref<10000x16xf32, #tpu.memory_space<vmem_shared>>) offsets(%dma_start3A_112 : memref<80xi32, #tpu.memory_space<vmem>>) semaphore(%arg8 : memref<!tpu.dma_semaphore, #tpu.memory_space<semaphore_mem>>) {add = true}
      %add3A_116 = arith.constant 9 : i32
      %add3A_117 = arith.addi %mul3A_43, %add3A_116 : i32
      %dma_start3A_118 = arith.constant 0 : i32
      %dma_start3A_119 = tpu.memref_slice %arg5[%add3A_117, %dma_start3A_118] : memref<125x80xi32, #tpu.memory_space<vmem>> -> memref<1x80xi32, #tpu.memory_space<vmem>>
      %dma_start3A_120 = tpu.memref_squeeze %dma_start3A_119 : memref<1x80xi32, #tpu.memory_space<vmem>> -> memref<80xi32, #tpu.memory_space<vmem>>
      %dma_start3A_121 = arith.constant 0 : i32
      %dma_start3A_122 = arith.constant 0 : i32
      %dma_start3A_123 = tpu.memref_slice %arg7[%dma_start3A_121, %dma_start3A_122] : memref<10000x16xf32, #tpu.memory_space<vmem_shared>> -> memref<10000x16xf32, #tpu.memory_space<vmem_shared>>
      tpu.enqueue_indirect_dma source(%arg6 : memref<80x16xf32, #tpu.memory_space<vmem>>) target(%dma_start3A_123 : memref<10000x16xf32, #tpu.memory_space<vmem_shared>>) offsets(%dma_start3A_120 : memref<80xi32, #tpu.memory_space<vmem>>) semaphore(%arg8 : memref<!tpu.dma_semaphore, #tpu.memory_space<semaphore_mem>>) {add = true}
      %add3A_124 = arith.constant 10 : i32
      %add3A_125 = arith.addi %mul3A_43, %add3A_124 : i32
      %dma_start3A_126 = arith.constant 0 : i32
      %dma_start3A_127 = tpu.memref_slice %arg5[%add3A_125, %dma_start3A_126] : memref<125x80xi32, #tpu.memory_space<vmem>> -> memref<1x80xi32, #tpu.memory_space<vmem>>
      %dma_start3A_128 = tpu.memref_squeeze %dma_start3A_127 : memref<1x80xi32, #tpu.memory_space<vmem>> -> memref<80xi32, #tpu.memory_space<vmem>>
      %dma_start3A_129 = arith.constant 0 : i32
      %dma_start3A_130 = arith.constant 0 : i32
      %dma_start3A_131 = tpu.memref_slice %arg7[%dma_start3A_129, %dma_start3A_130] : memref<10000x16xf32, #tpu.memory_space<vmem_shared>> -> memref<10000x16xf32, #tpu.memory_space<vmem_shared>>
      tpu.enqueue_indirect_dma source(%arg6 : memref<80x16xf32, #tpu.memory_space<vmem>>) target(%dma_start3A_131 : memref<10000x16xf32, #tpu.memory_space<vmem_shared>>) offsets(%dma_start3A_128 : memref<80xi32, #tpu.memory_space<vmem>>) semaphore(%arg8 : memref<!tpu.dma_semaphore, #tpu.memory_space<semaphore_mem>>) {add = true}
      %add3A_132 = arith.constant 11 : i32
      %add3A_133 = arith.addi %mul3A_43, %add3A_132 : i32
      %dma_start3A_134 = arith.constant 0 : i32
      %dma_start3A_135 = tpu.memref_slice %arg5[%add3A_133, %dma_start3A_134] : memref<125x80xi32, #tpu.memory_space<vmem>> -> memref<1x80xi32, #tpu.memory_space<vmem>>
      %dma_start3A_136 = tpu.memref_squeeze %dma_start3A_135 : memref<1x80xi32, #tpu.memory_space<vmem>> -> memref<80xi32, #tpu.memory_space<vmem>>
      %dma_start3A_137 = arith.constant 0 : i32
      %dma_start3A_138 = arith.constant 0 : i32
      %dma_start3A_139 = tpu.memref_slice %arg7[%dma_start3A_137, %dma_start3A_138] : memref<10000x16xf32, #tpu.memory_space<vmem_shared>> -> memref<10000x16xf32, #tpu.memory_space<vmem_shared>>
      tpu.enqueue_indirect_dma source(%arg6 : memref<80x16xf32, #tpu.memory_space<vmem>>) target(%dma_start3A_139 : memref<10000x16xf32, #tpu.memory_space<vmem_shared>>) offsets(%dma_start3A_136 : memref<80xi32, #tpu.memory_space<vmem>>) semaphore(%arg8 : memref<!tpu.dma_semaphore, #tpu.memory_space<semaphore_mem>>) {add = true}
      %add3A_140 = arith.constant 12 : i32
      %add3A_141 = arith.addi %mul3A_43, %add3A_140 : i32
      %dma_start3A_142 = arith.constant 0 : i32
      %dma_start3A_143 = tpu.memref_slice %arg5[%add3A_141, %dma_start3A_142] : memref<125x80xi32, #tpu.memory_space<vmem>> -> memref<1x80xi32, #tpu.memory_space<vmem>>
      %dma_start3A_144 = tpu.memref_squeeze %dma_start3A_143 : memref<1x80xi32, #tpu.memory_space<vmem>> -> memref<80xi32, #tpu.memory_space<vmem>>
      %dma_start3A_145 = arith.constant 0 : i32
      %dma_start3A_146 = arith.constant 0 : i32
      %dma_start3A_147 = tpu.memref_slice %arg7[%dma_start3A_145, %dma_start3A_146] : memref<10000x16xf32, #tpu.memory_space<vmem_shared>> -> memref<10000x16xf32, #tpu.memory_space<vmem_shared>>
      tpu.enqueue_indirect_dma source(%arg6 : memref<80x16xf32, #tpu.memory_space<vmem>>) target(%dma_start3A_147 : memref<10000x16xf32, #tpu.memory_space<vmem_shared>>) offsets(%dma_start3A_144 : memref<80xi32, #tpu.memory_space<vmem>>) semaphore(%arg8 : memref<!tpu.dma_semaphore, #tpu.memory_space<semaphore_mem>>) {add = true}
      %add3A_148 = arith.constant 13 : i32
      %add3A_149 = arith.addi %mul3A_43, %add3A_148 : i32
      %dma_start3A_150 = arith.constant 0 : i32
      %dma_start3A_151 = tpu.memref_slice %arg5[%add3A_149, %dma_start3A_150] : memref<125x80xi32, #tpu.memory_space<vmem>> -> memref<1x80xi32, #tpu.memory_space<vmem>>
      %dma_start3A_152 = tpu.memref_squeeze %dma_start3A_151 : memref<1x80xi32, #tpu.memory_space<vmem>> -> memref<80xi32, #tpu.memory_space<vmem>>
      %dma_start3A_153 = arith.constant 0 : i32
      %dma_start3A_154 = arith.constant 0 : i32
      %dma_start3A_155 = tpu.memref_slice %arg7[%dma_start3A_153, %dma_start3A_154] : memref<10000x16xf32, #tpu.memory_space<vmem_shared>> -> memref<10000x16xf32, #tpu.memory_space<vmem_shared>>
      tpu.enqueue_indirect_dma source(%arg6 : memref<80x16xf32, #tpu.memory_space<vmem>>) target(%dma_start3A_155 : memref<10000x16xf32, #tpu.memory_space<vmem_shared>>) offsets(%dma_start3A_152 : memref<80xi32, #tpu.memory_space<vmem>>) semaphore(%arg8 : memref<!tpu.dma_semaphore, #tpu.memory_space<semaphore_mem>>) {add = true}
      %add3A_156 = arith.constant 14 : i32
      %add3A_157 = arith.addi %mul3A_43, %add3A_156 : i32
      %dma_start3A_158 = arith.constant 0 : i32
      %dma_start3A_159 = tpu.memref_slice %arg5[%add3A_157, %dma_start3A_158] : memref<125x80xi32, #tpu.memory_space<vmem>> -> memref<1x80xi32, #tpu.memory_space<vmem>>
      %dma_start3A_160 = tpu.memref_squeeze %dma_start3A_159 : memref<1x80xi32, #tpu.memory_space<vmem>> -> memref<80xi32, #tpu.memory_space<vmem>>
      %dma_start3A_161 = arith.constant 0 : i32
      %dma_start3A_162 = arith.constant 0 : i32
      %dma_start3A_163 = tpu.memref_slice %arg7[%dma_start3A_161, %dma_start3A_162] : memref<10000x16xf32, #tpu.memory_space<vmem_shared>> -> memref<10000x16xf32, #tpu.memory_space<vmem_shared>>
      tpu.enqueue_indirect_dma source(%arg6 : memref<80x16xf32, #tpu.memory_space<vmem>>) target(%dma_start3A_163 : memref<10000x16xf32, #tpu.memory_space<vmem_shared>>) offsets(%dma_start3A_160 : memref<80xi32, #tpu.memory_space<vmem>>) semaphore(%arg8 : memref<!tpu.dma_semaphore, #tpu.memory_space<semaphore_mem>>) {add = true}
      %add3A_164 = arith.constant 15 : i32
      %add3A_165 = arith.addi %mul3A_43, %add3A_164 : i32
      %dma_start3A_166 = arith.constant 0 : i32
      %dma_start3A_167 = tpu.memref_slice %arg5[%add3A_165, %dma_start3A_166] : memref<125x80xi32, #tpu.memory_space<vmem>> -> memref<1x80xi32, #tpu.memory_space<vmem>>
      %dma_start3A_168 = tpu.memref_squeeze %dma_start3A_167 : memref<1x80xi32, #tpu.memory_space<vmem>> -> memref<80xi32, #tpu.memory_space<vmem>>
      %dma_start3A_169 = arith.constant 0 : i32
      %dma_start3A_170 = arith.constant 0 : i32
      %dma_start3A_171 = tpu.memref_slice %arg7[%dma_start3A_169, %dma_start3A_170] : memref<10000x16xf32, #tpu.memory_space<vmem_shared>> -> memref<10000x16xf32, #tpu.memory_space<vmem_shared>>
      tpu.enqueue_indirect_dma source(%arg6 : memref<80x16xf32, #tpu.memory_space<vmem>>) target(%dma_start3A_171 : memref<10000x16xf32, #tpu.memory_space<vmem_shared>>) offsets(%dma_start3A_168 : memref<80xi32, #tpu.memory_space<vmem>>) semaphore(%arg8 : memref<!tpu.dma_semaphore, #tpu.memory_space<semaphore_mem>>) {add = true}
      %add3A_172 = arith.constant 16 : i32
      %add3A_173 = arith.addi %mul3A_43, %add3A_172 : i32
      %dma_start3A_174 = arith.constant 0 : i32
      %dma_start3A_175 = tpu.memref_slice %arg5[%add3A_173, %dma_start3A_174] : memref<125x80xi32, #tpu.memory_space<vmem>> -> memref<1x80xi32, #tpu.memory_space<vmem>>
      %dma_start3A_176 = tpu.memref_squeeze %dma_start3A_175 : memref<1x80xi32, #tpu.memory_space<vmem>> -> memref<80xi32, #tpu.memory_space<vmem>>
      %dma_start3A_177 = arith.constant 0 : i32
      %dma_start3A_178 = arith.constant 0 : i32
      %dma_start3A_179 = tpu.memref_slice %arg7[%dma_start3A_177, %dma_start3A_178] : memref<10000x16xf32, #tpu.memory_space<vmem_shared>> -> memref<10000x16xf32, #tpu.memory_space<vmem_shared>>
      tpu.enqueue_indirect_dma source(%arg6 : memref<80x16xf32, #tpu.memory_space<vmem>>) target(%dma_start3A_179 : memref<10000x16xf32, #tpu.memory_space<vmem_shared>>) offsets(%dma_start3A_176 : memref<80xi32, #tpu.memory_space<vmem>>) semaphore(%arg8 : memref<!tpu.dma_semaphore, #tpu.memory_space<semaphore_mem>>) {add = true}
      %add3A_180 = arith.constant 17 : i32
      %add3A_181 = arith.addi %mul3A_43, %add3A_180 : i32
      %dma_start3A_182 = arith.constant 0 : i32
      %dma_start3A_183 = tpu.memref_slice %arg5[%add3A_181, %dma_start3A_182] : memref<125x80xi32, #tpu.memory_space<vmem>> -> memref<1x80xi32, #tpu.memory_space<vmem>>
      %dma_start3A_184 = tpu.memref_squeeze %dma_start3A_183 : memref<1x80xi32, #tpu.memory_space<vmem>> -> memref<80xi32, #tpu.memory_space<vmem>>
      %dma_start3A_185 = arith.constant 0 : i32
      %dma_start3A_186 = arith.constant 0 : i32
      %dma_start3A_187 = tpu.memref_slice %arg7[%dma_start3A_185, %dma_start3A_186] : memref<10000x16xf32, #tpu.memory_space<vmem_shared>> -> memref<10000x16xf32, #tpu.memory_space<vmem_shared>>
      tpu.enqueue_indirect_dma source(%arg6 : memref<80x16xf32, #tpu.memory_space<vmem>>) target(%dma_start3A_187 : memref<10000x16xf32, #tpu.memory_space<vmem_shared>>) offsets(%dma_start3A_184 : memref<80xi32, #tpu.memory_space<vmem>>) semaphore(%arg8 : memref<!tpu.dma_semaphore, #tpu.memory_space<semaphore_mem>>) {add = true}
      %add3A_188 = arith.constant 18 : i32
      %add3A_189 = arith.addi %mul3A_43, %add3A_188 : i32
      %dma_start3A_190 = arith.constant 0 : i32
      %dma_start3A_191 = tpu.memref_slice %arg5[%add3A_189, %dma_start3A_190] : memref<125x80xi32, #tpu.memory_space<vmem>> -> memref<1x80xi32, #tpu.memory_space<vmem>>
      %dma_start3A_192 = tpu.memref_squeeze %dma_start3A_191 : memref<1x80xi32, #tpu.memory_space<vmem>> -> memref<80xi32, #tpu.memory_space<vmem>>
      %dma_start3A_193 = arith.constant 0 : i32
      %dma_start3A_194 = arith.constant 0 : i32
      %dma_start3A_195 = tpu.memref_slice %arg7[%dma_start3A_193, %dma_start3A_194] : memref<10000x16xf32, #tpu.memory_space<vmem_shared>> -> memref<10000x16xf32, #tpu.memory_space<vmem_shared>>
      tpu.enqueue_indirect_dma source(%arg6 : memref<80x16xf32, #tpu.memory_space<vmem>>) target(%dma_start3A_195 : memref<10000x16xf32, #tpu.memory_space<vmem_shared>>) offsets(%dma_start3A_192 : memref<80xi32, #tpu.memory_space<vmem>>) semaphore(%arg8 : memref<!tpu.dma_semaphore, #tpu.memory_space<semaphore_mem>>) {add = true}
      %add3A_196 = arith.constant 19 : i32
      %add3A_197 = arith.addi %mul3A_43, %add3A_196 : i32
      %dma_start3A_198 = arith.constant 0 : i32
      %dma_start3A_199 = tpu.memref_slice %arg5[%add3A_197, %dma_start3A_198] : memref<125x80xi32, #tpu.memory_space<vmem>> -> memref<1x80xi32, #tpu.memory_space<vmem>>
      %dma_start3A_200 = tpu.memref_squeeze %dma_start3A_199 : memref<1x80xi32, #tpu.memory_space<vmem>> -> memref<80xi32, #tpu.memory_space<vmem>>
      %dma_start3A_201 = arith.constant 0 : i32
      %dma_start3A_202 = arith.constant 0 : i32
      %dma_start3A_203 = tpu.memref_slice %arg7[%dma_start3A_201, %dma_start3A_202] : memref<10000x16xf32, #tpu.memory_space<vmem_shared>> -> memref<10000x16xf32, #tpu.memory_space<vmem_shared>>
      tpu.enqueue_indirect_dma source(%arg6 : memref<80x16xf32, #tpu.memory_space<vmem>>) target(%dma_start3A_203 : memref<10000x16xf32, #tpu.memory_space<vmem_shared>>) offsets(%dma_start3A_200 : memref<80xi32, #tpu.memory_space<vmem>>) semaphore(%arg8 : memref<!tpu.dma_semaphore, #tpu.memory_space<semaphore_mem>>) {add = true}
      %add3A_204 = arith.constant 20 : i32
      %add3A_205 = arith.addi %mul3A_43, %add3A_204 : i32
      %dma_start3A_206 = arith.constant 0 : i32
      %dma_start3A_207 = tpu.memref_slice %arg5[%add3A_205, %dma_start3A_206] : memref<125x80xi32, #tpu.memory_space<vmem>> -> memref<1x80xi32, #tpu.memory_space<vmem>>
      %dma_start3A_208 = tpu.memref_squeeze %dma_start3A_207 : memref<1x80xi32, #tpu.memory_space<vmem>> -> memref<80xi32, #tpu.memory_space<vmem>>
      %dma_start3A_209 = arith.constant 0 : i32
      %dma_start3A_210 = arith.constant 0 : i32
      %dma_start3A_211 = tpu.memref_slice %arg7[%dma_start3A_209, %dma_start3A_210] : memref<10000x16xf32, #tpu.memory_space<vmem_shared>> -> memref<10000x16xf32, #tpu.memory_space<vmem_shared>>
      tpu.enqueue_indirect_dma source(%arg6 : memref<80x16xf32, #tpu.memory_space<vmem>>) target(%dma_start3A_211 : memref<10000x16xf32, #tpu.memory_space<vmem_shared>>) offsets(%dma_start3A_208 : memref<80xi32, #tpu.memory_space<vmem>>) semaphore(%arg8 : memref<!tpu.dma_semaphore, #tpu.memory_space<semaphore_mem>>) {add = true}
      %add3A_212 = arith.constant 21 : i32
      %add3A_213 = arith.addi %mul3A_43, %add3A_212 : i32
      %dma_start3A_214 = arith.constant 0 : i32
      %dma_start3A_215 = tpu.memref_slice %arg5[%add3A_213, %dma_start3A_214] : memref<125x80xi32, #tpu.memory_space<vmem>> -> memref<1x80xi32, #tpu.memory_space<vmem>>
      %dma_start3A_216 = tpu.memref_squeeze %dma_start3A_215 : memref<1x80xi32, #tpu.memory_space<vmem>> -> memref<80xi32, #tpu.memory_space<vmem>>
      %dma_start3A_217 = arith.constant 0 : i32
      %dma_start3A_218 = arith.constant 0 : i32
      %dma_start3A_219 = tpu.memref_slice %arg7[%dma_start3A_217, %dma_start3A_218] : memref<10000x16xf32, #tpu.memory_space<vmem_shared>> -> memref<10000x16xf32, #tpu.memory_space<vmem_shared>>
      tpu.enqueue_indirect_dma source(%arg6 : memref<80x16xf32, #tpu.memory_space<vmem>>) target(%dma_start3A_219 : memref<10000x16xf32, #tpu.memory_space<vmem_shared>>) offsets(%dma_start3A_216 : memref<80xi32, #tpu.memory_space<vmem>>) semaphore(%arg8 : memref<!tpu.dma_semaphore, #tpu.memory_space<semaphore_mem>>) {add = true}
      %add3A_220 = arith.constant 22 : i32
      %add3A_221 = arith.addi %mul3A_43, %add3A_220 : i32
      %dma_start3A_222 = arith.constant 0 : i32
      %dma_start3A_223 = tpu.memref_slice %arg5[%add3A_221, %dma_start3A_222] : memref<125x80xi32, #tpu.memory_space<vmem>> -> memref<1x80xi32, #tpu.memory_space<vmem>>
      %dma_start3A_224 = tpu.memref_squeeze %dma_start3A_223 : memref<1x80xi32, #tpu.memory_space<vmem>> -> memref<80xi32, #tpu.memory_space<vmem>>
      %dma_start3A_225 = arith.constant 0 : i32
      %dma_start3A_226 = arith.constant 0 : i32
      %dma_start3A_227 = tpu.memref_slice %arg7[%dma_start3A_225, %dma_start3A_226] : memref<10000x16xf32, #tpu.memory_space<vmem_shared>> -> memref<10000x16xf32, #tpu.memory_space<vmem_shared>>
      tpu.enqueue_indirect_dma source(%arg6 : memref<80x16xf32, #tpu.memory_space<vmem>>) target(%dma_start3A_227 : memref<10000x16xf32, #tpu.memory_space<vmem_shared>>) offsets(%dma_start3A_224 : memref<80xi32, #tpu.memory_space<vmem>>) semaphore(%arg8 : memref<!tpu.dma_semaphore, #tpu.memory_space<semaphore_mem>>) {add = true}
      %add3A_228 = arith.constant 23 : i32
      %add3A_229 = arith.addi %mul3A_43, %add3A_228 : i32
      %dma_start3A_230 = arith.constant 0 : i32
      %dma_start3A_231 = tpu.memref_slice %arg5[%add3A_229, %dma_start3A_230] : memref<125x80xi32, #tpu.memory_space<vmem>> -> memref<1x80xi32, #tpu.memory_space<vmem>>
      %dma_start3A_232 = tpu.memref_squeeze %dma_start3A_231 : memref<1x80xi32, #tpu.memory_space<vmem>> -> memref<80xi32, #tpu.memory_space<vmem>>
      %dma_start3A_233 = arith.constant 0 : i32
      %dma_start3A_234 = arith.constant 0 : i32
      %dma_start3A_235 = tpu.memref_slice %arg7[%dma_start3A_233, %dma_start3A_234] : memref<10000x16xf32, #tpu.memory_space<vmem_shared>> -> memref<10000x16xf32, #tpu.memory_space<vmem_shared>>
      tpu.enqueue_indirect_dma source(%arg6 : memref<80x16xf32, #tpu.memory_space<vmem>>) target(%dma_start3A_235 : memref<10000x16xf32, #tpu.memory_space<vmem_shared>>) offsets(%dma_start3A_232 : memref<80xi32, #tpu.memory_space<vmem>>) semaphore(%arg8 : memref<!tpu.dma_semaphore, #tpu.memory_space<semaphore_mem>>) {add = true}
      %add3A_236 = arith.constant 24 : i32
      %add3A_237 = arith.addi %mul3A_43, %add3A_236 : i32
      %dma_start3A_238 = arith.constant 0 : i32
      %dma_start3A_239 = tpu.memref_slice %arg5[%add3A_237, %dma_start3A_238] : memref<125x80xi32, #tpu.memory_space<vmem>> -> memref<1x80xi32, #tpu.memory_space<vmem>>
      %dma_start3A_240 = tpu.memref_squeeze %dma_start3A_239 : memref<1x80xi32, #tpu.memory_space<vmem>> -> memref<80xi32, #tpu.memory_space<vmem>>
      %dma_start3A_241 = arith.constant 0 : i32
      %dma_start3A_242 = arith.constant 0 : i32
      %dma_start3A_243 = tpu.memref_slice %arg7[%dma_start3A_241, %dma_start3A_242] : memref<10000x16xf32, #tpu.memory_space<vmem_shared>> -> memref<10000x16xf32, #tpu.memory_space<vmem_shared>>
      tpu.enqueue_indirect_dma source(%arg6 : memref<80x16xf32, #tpu.memory_space<vmem>>) target(%dma_start3A_243 : memref<10000x16xf32, #tpu.memory_space<vmem_shared>>) offsets(%dma_start3A_240 : memref<80xi32, #tpu.memory_space<vmem>>) semaphore(%arg8 : memref<!tpu.dma_semaphore, #tpu.memory_space<semaphore_mem>>) {add = true}
      %dma_wait3A_244 = arith.constant 0 : i32
      %dma_wait3A_245 = tpu.memref_slice %arg5[%add3A_45, %dma_wait3A_244] : memref<125x80xi32, #tpu.memory_space<vmem>> -> memref<1x80xi32, #tpu.memory_space<vmem>>
      %dma_wait3A_246 = tpu.memref_squeeze %dma_wait3A_245 : memref<1x80xi32, #tpu.memory_space<vmem>> -> memref<80xi32, #tpu.memory_space<vmem>>
      %dma_wait3A_247 = arith.constant 0 : i32
      %dma_wait3A_248 = arith.constant 0 : i32
      %dma_wait3A_249 = tpu.memref_slice %arg7[%dma_wait3A_247, %dma_wait3A_248] : memref<10000x16xf32, #tpu.memory_space<vmem_shared>> -> memref<10000x16xf32, #tpu.memory_space<vmem_shared>>
      tpu.wait_indirect_dma semaphore(%arg8 : memref<!tpu.dma_semaphore, #tpu.memory_space<semaphore_mem>>) src(%arg6 : memref<80x16xf32, #tpu.memory_space<vmem>>) dst(%dma_wait3A_249 : memref<10000x16xf32, #tpu.memory_space<vmem_shared>>)
      %dma_wait3A_250 = arith.constant 0 : i32
      %dma_wait3A_251 = tpu.memref_slice %arg5[%add3A_53, %dma_wait3A_250] : memref<125x80xi32, #tpu.memory_space<vmem>> -> memref<1x80xi32, #tpu.memory_space<vmem>>
      %dma_wait3A_252 = tpu.memref_squeeze %dma_wait3A_251 : memref<1x80xi32, #tpu.memory_space<vmem>> -> memref<80xi32, #tpu.memory_space<vmem>>
      %dma_wait3A_253 = arith.constant 0 : i32
      %dma_wait3A_254 = arith.constant 0 : i32
      %dma_wait3A_255 = tpu.memref_slice %arg7[%dma_wait3A_253, %dma_wait3A_254] : memref<10000x16xf32, #tpu.memory_space<vmem_shared>> -> memref<10000x16xf32, #tpu.memory_space<vmem_shared>>
      tpu.wait_indirect_dma semaphore(%arg8 : memref<!tpu.dma_semaphore, #tpu.memory_space<semaphore_mem>>) src(%arg6 : memref<80x16xf32, #tpu.memory_space<vmem>>) dst(%dma_wait3A_255 : memref<10000x16xf32, #tpu.memory_space<vmem_shared>>)
      %dma_wait3A_256 = arith.constant 0 : i32
      %dma_wait3A_257 = tpu.memref_slice %arg5[%add3A_61, %dma_wait3A_256] : memref<125x80xi32, #tpu.memory_space<vmem>> -> memref<1x80xi32, #tpu.memory_space<vmem>>
      %dma_wait3A_258 = tpu.memref_squeeze %dma_wait3A_257 : memref<1x80xi32, #tpu.memory_space<vmem>> -> memref<80xi32, #tpu.memory_space<vmem>>
      %dma_wait3A_259 = arith.constant 0 : i32
      %dma_wait3A_260 = arith.constant 0 : i32
      %dma_wait3A_261 = tpu.memref_slice %arg7[%dma_wait3A_259, %dma_wait3A_260] : memref<10000x16xf32, #tpu.memory_space<vmem_shared>> -> memref<10000x16xf32, #tpu.memory_space<vmem_shared>>
      tpu.wait_indirect_dma semaphore(%arg8 : memref<!tpu.dma_semaphore, #tpu.memory_space<semaphore_mem>>) src(%arg6 : memref<80x16xf32, #tpu.memory_space<vmem>>) dst(%dma_wait3A_261 : memref<10000x16xf32, #tpu.memory_space<vmem_shared>>)
      %dma_wait3A_262 = arith.constant 0 : i32
      %dma_wait3A_263 = tpu.memref_slice %arg5[%add3A_69, %dma_wait3A_262] : memref<125x80xi32, #tpu.memory_space<vmem>> -> memref<1x80xi32, #tpu.memory_space<vmem>>
      %dma_wait3A_264 = tpu.memref_squeeze %dma_wait3A_263 : memref<1x80xi32, #tpu.memory_space<vmem>> -> memref<80xi32, #tpu.memory_space<vmem>>
      %dma_wait3A_265 = arith.constant 0 : i32
      %dma_wait3A_266 = arith.constant 0 : i32
      %dma_wait3A_267 = tpu.memref_slice %arg7[%dma_wait3A_265, %dma_wait3A_266] : memref<10000x16xf32, #tpu.memory_space<vmem_shared>> -> memref<10000x16xf32, #tpu.memory_space<vmem_shared>>
      tpu.wait_indirect_dma semaphore(%arg8 : memref<!tpu.dma_semaphore, #tpu.memory_space<semaphore_mem>>) src(%arg6 : memref<80x16xf32, #tpu.memory_space<vmem>>) dst(%dma_wait3A_267 : memref<10000x16xf32, #tpu.memory_space<vmem_shared>>)
      %dma_wait3A_268 = arith.constant 0 : i32
      %dma_wait3A_269 = tpu.memref_slice %arg5[%add3A_77, %dma_wait3A_268] : memref<125x80xi32, #tpu.memory_space<vmem>> -> memref<1x80xi32, #tpu.memory_space<vmem>>
      %dma_wait3A_270 = tpu.memref_squeeze %dma_wait3A_269 : memref<1x80xi32, #tpu.memory_space<vmem>> -> memref<80xi32, #tpu.memory_space<vmem>>
      %dma_wait3A_271 = arith.constant 0 : i32
      %dma_wait3A_272 = arith.constant 0 : i32
      %dma_wait3A_273 = tpu.memref_slice %arg7[%dma_wait3A_271, %dma_wait3A_272] : memref<10000x16xf32, #tpu.memory_space<vmem_shared>> -> memref<10000x16xf32, #tpu.memory_space<vmem_shared>>
      tpu.wait_indirect_dma semaphore(%arg8 : memref<!tpu.dma_semaphore, #tpu.memory_space<semaphore_mem>>) src(%arg6 : memref<80x16xf32, #tpu.memory_space<vmem>>) dst(%dma_wait3A_273 : memref<10000x16xf32, #tpu.memory_space<vmem_shared>>)
      %dma_wait3A_274 = arith.constant 0 : i32
      %dma_wait3A_275 = tpu.memref_slice %arg5[%add3A_85, %dma_wait3A_274] : memref<125x80xi32, #tpu.memory_space<vmem>> -> memref<1x80xi32, #tpu.memory_space<vmem>>
      %dma_wait3A_276 = tpu.memref_squeeze %dma_wait3A_275 : memref<1x80xi32, #tpu.memory_space<vmem>> -> memref<80xi32, #tpu.memory_space<vmem>>
      %dma_wait3A_277 = arith.constant 0 : i32
      %dma_wait3A_278 = arith.constant 0 : i32
      %dma_wait3A_279 = tpu.memref_slice %arg7[%dma_wait3A_277, %dma_wait3A_278] : memref<10000x16xf32, #tpu.memory_space<vmem_shared>> -> memref<10000x16xf32, #tpu.memory_space<vmem_shared>>
      tpu.wait_indirect_dma semaphore(%arg8 : memref<!tpu.dma_semaphore, #tpu.memory_space<semaphore_mem>>) src(%arg6 : memref<80x16xf32, #tpu.memory_space<vmem>>) dst(%dma_wait3A_279 : memref<10000x16xf32, #tpu.memory_space<vmem_shared>>)
      %dma_wait3A_280 = arith.constant 0 : i32
      %dma_wait3A_281 = tpu.memref_slice %arg5[%add3A_93, %dma_wait3A_280] : memref<125x80xi32, #tpu.memory_space<vmem>> -> memref<1x80xi32, #tpu.memory_space<vmem>>
      %dma_wait3A_282 = tpu.memref_squeeze %dma_wait3A_281 : memref<1x80xi32, #tpu.memory_space<vmem>> -> memref<80xi32, #tpu.memory_space<vmem>>
      %dma_wait3A_283 = arith.constant 0 : i32
      %dma_wait3A_284 = arith.constant 0 : i32
      %dma_wait3A_285 = tpu.memref_slice %arg7[%dma_wait3A_283, %dma_wait3A_284] : memref<10000x16xf32, #tpu.memory_space<vmem_shared>> -> memref<10000x16xf32, #tpu.memory_space<vmem_shared>>
      tpu.wait_indirect_dma semaphore(%arg8 : memref<!tpu.dma_semaphore, #tpu.memory_space<semaphore_mem>>) src(%arg6 : memref<80x16xf32, #tpu.memory_space<vmem>>) dst(%dma_wait3A_285 : memref<10000x16xf32, #tpu.memory_space<vmem_shared>>)
      %dma_wait3A_286 = arith.constant 0 : i32
      %dma_wait3A_287 = tpu.memref_slice %arg5[%add3A_101, %dma_wait3A_286] : memref<125x80xi32, #tpu.memory_space<vmem>> -> memref<1x80xi32, #tpu.memory_space<vmem>>
      %dma_wait3A_288 = tpu.memref_squeeze %dma_wait3A_287 : memref<1x80xi32, #tpu.memory_space<vmem>> -> memref<80xi32, #tpu.memory_space<vmem>>
      %dma_wait3A_289 = arith.constant 0 : i32
      %dma_wait3A_290 = arith.constant 0 : i32
      %dma_wait3A_291 = tpu.memref_slice %arg7[%dma_wait3A_289, %dma_wait3A_290] : memref<10000x16xf32, #tpu.memory_space<vmem_shared>> -> memref<10000x16xf32, #tpu.memory_space<vmem_shared>>
      tpu.wait_indirect_dma semaphore(%arg8 : memref<!tpu.dma_semaphore, #tpu.memory_space<semaphore_mem>>) src(%arg6 : memref<80x16xf32, #tpu.memory_space<vmem>>) dst(%dma_wait3A_291 : memref<10000x16xf32, #tpu.memory_space<vmem_shared>>)
      %dma_wait3A_292 = arith.constant 0 : i32
      %dma_wait3A_293 = tpu.memref_slice %arg5[%add3A_109, %dma_wait3A_292] : memref<125x80xi32, #tpu.memory_space<vmem>> -> memref<1x80xi32, #tpu.memory_space<vmem>>
      %dma_wait3A_294 = tpu.memref_squeeze %dma_wait3A_293 : memref<1x80xi32, #tpu.memory_space<vmem>> -> memref<80xi32, #tpu.memory_space<vmem>>
      %dma_wait3A_295 = arith.constant 0 : i32
      %dma_wait3A_296 = arith.constant 0 : i32
      %dma_wait3A_297 = tpu.memref_slice %arg7[%dma_wait3A_295, %dma_wait3A_296] : memref<10000x16xf32, #tpu.memory_space<vmem_shared>> -> memref<10000x16xf32, #tpu.memory_space<vmem_shared>>
      tpu.wait_indirect_dma semaphore(%arg8 : memref<!tpu.dma_semaphore, #tpu.memory_space<semaphore_mem>>) src(%arg6 : memref<80x16xf32, #tpu.memory_space<vmem>>) dst(%dma_wait3A_297 : memref<10000x16xf32, #tpu.memory_space<vmem_shared>>)
      %dma_wait3A_298 = arith.constant 0 : i32
      %dma_wait3A_299 = tpu.memref_slice %arg5[%add3A_117, %dma_wait3A_298] : memref<125x80xi32, #tpu.memory_space<vmem>> -> memref<1x80xi32, #tpu.memory_space<vmem>>
      %dma_wait3A_300 = tpu.memref_squeeze %dma_wait3A_299 : memref<1x80xi32, #tpu.memory_space<vmem>> -> memref<80xi32, #tpu.memory_space<vmem>>
      %dma_wait3A_301 = arith.constant 0 : i32
      %dma_wait3A_302 = arith.constant 0 : i32
      %dma_wait3A_303 = tpu.memref_slice %arg7[%dma_wait3A_301, %dma_wait3A_302] : memref<10000x16xf32, #tpu.memory_space<vmem_shared>> -> memref<10000x16xf32, #tpu.memory_space<vmem_shared>>
      tpu.wait_indirect_dma semaphore(%arg8 : memref<!tpu.dma_semaphore, #tpu.memory_space<semaphore_mem>>) src(%arg6 : memref<80x16xf32, #tpu.memory_space<vmem>>) dst(%dma_wait3A_303 : memref<10000x16xf32, #tpu.memory_space<vmem_shared>>)
      %dma_wait3A_304 = arith.constant 0 : i32
      %dma_wait3A_305 = tpu.memref_slice %arg5[%add3A_125, %dma_wait3A_304] : memref<125x80xi32, #tpu.memory_space<vmem>> -> memref<1x80xi32, #tpu.memory_space<vmem>>
      %dma_wait3A_306 = tpu.memref_squeeze %dma_wait3A_305 : memref<1x80xi32, #tpu.memory_space<vmem>> -> memref<80xi32, #tpu.memory_space<vmem>>
      %dma_wait3A_307 = arith.constant 0 : i32
      %dma_wait3A_308 = arith.constant 0 : i32
      %dma_wait3A_309 = tpu.memref_slice %arg7[%dma_wait3A_307, %dma_wait3A_308] : memref<10000x16xf32, #tpu.memory_space<vmem_shared>> -> memref<10000x16xf32, #tpu.memory_space<vmem_shared>>
      tpu.wait_indirect_dma semaphore(%arg8 : memref<!tpu.dma_semaphore, #tpu.memory_space<semaphore_mem>>) src(%arg6 : memref<80x16xf32, #tpu.memory_space<vmem>>) dst(%dma_wait3A_309 : memref<10000x16xf32, #tpu.memory_space<vmem_shared>>)
      %dma_wait3A_310 = arith.constant 0 : i32
      %dma_wait3A_311 = tpu.memref_slice %arg5[%add3A_133, %dma_wait3A_310] : memref<125x80xi32, #tpu.memory_space<vmem>> -> memref<1x80xi32, #tpu.memory_space<vmem>>
      %dma_wait3A_312 = tpu.memref_squeeze %dma_wait3A_311 : memref<1x80xi32, #tpu.memory_space<vmem>> -> memref<80xi32, #tpu.memory_space<vmem>>
      %dma_wait3A_313 = arith.constant 0 : i32
      %dma_wait3A_314 = arith.constant 0 : i32
      %dma_wait3A_315 = tpu.memref_slice %arg7[%dma_wait3A_313, %dma_wait3A_314] : memref<10000x16xf32, #tpu.memory_space<vmem_shared>> -> memref<10000x16xf32, #tpu.memory_space<vmem_shared>>
      tpu.wait_indirect_dma semaphore(%arg8 : memref<!tpu.dma_semaphore, #tpu.memory_space<semaphore_mem>>) src(%arg6 : memref<80x16xf32, #tpu.memory_space<vmem>>) dst(%dma_wait3A_315 : memref<10000x16xf32, #tpu.memory_space<vmem_shared>>)
      %dma_wait3A_316 = arith.constant 0 : i32
      %dma_wait3A_317 = tpu.memref_slice %arg5[%add3A_141, %dma_wait3A_316] : memref<125x80xi32, #tpu.memory_space<vmem>> -> memref<1x80xi32, #tpu.memory_space<vmem>>
      %dma_wait3A_318 = tpu.memref_squeeze %dma_wait3A_317 : memref<1x80xi32, #tpu.memory_space<vmem>> -> memref<80xi32, #tpu.memory_space<vmem>>
      %dma_wait3A_319 = arith.constant 0 : i32
      %dma_wait3A_320 = arith.constant 0 : i32
      %dma_wait3A_321 = tpu.memref_slice %arg7[%dma_wait3A_319, %dma_wait3A_320] : memref<10000x16xf32, #tpu.memory_space<vmem_shared>> -> memref<10000x16xf32, #tpu.memory_space<vmem_shared>>
      tpu.wait_indirect_dma semaphore(%arg8 : memref<!tpu.dma_semaphore, #tpu.memory_space<semaphore_mem>>) src(%arg6 : memref<80x16xf32, #tpu.memory_space<vmem>>) dst(%dma_wait3A_321 : memref<10000x16xf32, #tpu.memory_space<vmem_shared>>)
      %dma_wait3A_322 = arith.constant 0 : i32
      %dma_wait3A_323 = tpu.memref_slice %arg5[%add3A_149, %dma_wait3A_322] : memref<125x80xi32, #tpu.memory_space<vmem>> -> memref<1x80xi32, #tpu.memory_space<vmem>>
      %dma_wait3A_324 = tpu.memref_squeeze %dma_wait3A_323 : memref<1x80xi32, #tpu.memory_space<vmem>> -> memref<80xi32, #tpu.memory_space<vmem>>
      %dma_wait3A_325 = arith.constant 0 : i32
      %dma_wait3A_326 = arith.constant 0 : i32
      %dma_wait3A_327 = tpu.memref_slice %arg7[%dma_wait3A_325, %dma_wait3A_326] : memref<10000x16xf32, #tpu.memory_space<vmem_shared>> -> memref<10000x16xf32, #tpu.memory_space<vmem_shared>>
      tpu.wait_indirect_dma semaphore(%arg8 : memref<!tpu.dma_semaphore, #tpu.memory_space<semaphore_mem>>) src(%arg6 : memref<80x16xf32, #tpu.memory_space<vmem>>) dst(%dma_wait3A_327 : memref<10000x16xf32, #tpu.memory_space<vmem_shared>>)
      %dma_wait3A_328 = arith.constant 0 : i32
      %dma_wait3A_329 = tpu.memref_slice %arg5[%add3A_157, %dma_wait3A_328] : memref<125x80xi32, #tpu.memory_space<vmem>> -> memref<1x80xi32, #tpu.memory_space<vmem>>
      %dma_wait3A_330 = tpu.memref_squeeze %dma_wait3A_329 : memref<1x80xi32, #tpu.memory_space<vmem>> -> memref<80xi32, #tpu.memory_space<vmem>>
      %dma_wait3A_331 = arith.constant 0 : i32
      %dma_wait3A_332 = arith.constant 0 : i32
      %dma_wait3A_333 = tpu.memref_slice %arg7[%dma_wait3A_331, %dma_wait3A_332] : memref<10000x16xf32, #tpu.memory_space<vmem_shared>> -> memref<10000x16xf32, #tpu.memory_space<vmem_shared>>
      tpu.wait_indirect_dma semaphore(%arg8 : memref<!tpu.dma_semaphore, #tpu.memory_space<semaphore_mem>>) src(%arg6 : memref<80x16xf32, #tpu.memory_space<vmem>>) dst(%dma_wait3A_333 : memref<10000x16xf32, #tpu.memory_space<vmem_shared>>)
      %dma_wait3A_334 = arith.constant 0 : i32
      %dma_wait3A_335 = tpu.memref_slice %arg5[%add3A_165, %dma_wait3A_334] : memref<125x80xi32, #tpu.memory_space<vmem>> -> memref<1x80xi32, #tpu.memory_space<vmem>>
      %dma_wait3A_336 = tpu.memref_squeeze %dma_wait3A_335 : memref<1x80xi32, #tpu.memory_space<vmem>> -> memref<80xi32, #tpu.memory_space<vmem>>
      %dma_wait3A_337 = arith.constant 0 : i32
      %dma_wait3A_338 = arith.constant 0 : i32
      %dma_wait3A_339 = tpu.memref_slice %arg7[%dma_wait3A_337, %dma_wait3A_338] : memref<10000x16xf32, #tpu.memory_space<vmem_shared>> -> memref<10000x16xf32, #tpu.memory_space<vmem_shared>>
      tpu.wait_indirect_dma semaphore(%arg8 : memref<!tpu.dma_semaphore, #tpu.memory_space<semaphore_mem>>) src(%arg6 : memref<80x16xf32, #tpu.memory_space<vmem>>) dst(%dma_wait3A_339 : memref<10000x16xf32, #tpu.memory_space<vmem_shared>>)
      %dma_wait3A_340 = arith.constant 0 : i32
      %dma_wait3A_341 = tpu.memref_slice %arg5[%add3A_173, %dma_wait3A_340] : memref<125x80xi32, #tpu.memory_space<vmem>> -> memref<1x80xi32, #tpu.memory_space<vmem>>
      %dma_wait3A_342 = tpu.memref_squeeze %dma_wait3A_341 : memref<1x80xi32, #tpu.memory_space<vmem>> -> memref<80xi32, #tpu.memory_space<vmem>>
      %dma_wait3A_343 = arith.constant 0 : i32
      %dma_wait3A_344 = arith.constant 0 : i32
      %dma_wait3A_345 = tpu.memref_slice %arg7[%dma_wait3A_343, %dma_wait3A_344] : memref<10000x16xf32, #tpu.memory_space<vmem_shared>> -> memref<10000x16xf32, #tpu.memory_space<vmem_shared>>
      tpu.wait_indirect_dma semaphore(%arg8 : memref<!tpu.dma_semaphore, #tpu.memory_space<semaphore_mem>>) src(%arg6 : memref<80x16xf32, #tpu.memory_space<vmem>>) dst(%dma_wait3A_345 : memref<10000x16xf32, #tpu.memory_space<vmem_shared>>)
      %dma_wait3A_346 = arith.constant 0 : i32
      %dma_wait3A_347 = tpu.memref_slice %arg5[%add3A_181, %dma_wait3A_346] : memref<125x80xi32, #tpu.memory_space<vmem>> -> memref<1x80xi32, #tpu.memory_space<vmem>>
      %dma_wait3A_348 = tpu.memref_squeeze %dma_wait3A_347 : memref<1x80xi32, #tpu.memory_space<vmem>> -> memref<80xi32, #tpu.memory_space<vmem>>
      %dma_wait3A_349 = arith.constant 0 : i32
      %dma_wait3A_350 = arith.constant 0 : i32
      %dma_wait3A_351 = tpu.memref_slice %arg7[%dma_wait3A_349, %dma_wait3A_350] : memref<10000x16xf32, #tpu.memory_space<vmem_shared>> -> memref<10000x16xf32, #tpu.memory_space<vmem_shared>>
      tpu.wait_indirect_dma semaphore(%arg8 : memref<!tpu.dma_semaphore, #tpu.memory_space<semaphore_mem>>) src(%arg6 : memref<80x16xf32, #tpu.memory_space<vmem>>) dst(%dma_wait3A_351 : memref<10000x16xf32, #tpu.memory_space<vmem_shared>>)
      %dma_wait3A_352 = arith.constant 0 : i32
      %dma_wait3A_353 = tpu.memref_slice %arg5[%add3A_189, %dma_wait3A_352] : memref<125x80xi32, #tpu.memory_space<vmem>> -> memref<1x80xi32, #tpu.memory_space<vmem>>
      %dma_wait3A_354 = tpu.memref_squeeze %dma_wait3A_353 : memref<1x80xi32, #tpu.memory_space<vmem>> -> memref<80xi32, #tpu.memory_space<vmem>>
      %dma_wait3A_355 = arith.constant 0 : i32
      %dma_wait3A_356 = arith.constant 0 : i32
      %dma_wait3A_357 = tpu.memref_slice %arg7[%dma_wait3A_355, %dma_wait3A_356] : memref<10000x16xf32, #tpu.memory_space<vmem_shared>> -> memref<10000x16xf32, #tpu.memory_space<vmem_shared>>
      tpu.wait_indirect_dma semaphore(%arg8 : memref<!tpu.dma_semaphore, #tpu.memory_space<semaphore_mem>>) src(%arg6 : memref<80x16xf32, #tpu.memory_space<vmem>>) dst(%dma_wait3A_357 : memref<10000x16xf32, #tpu.memory_space<vmem_shared>>)
      %dma_wait3A_358 = arith.constant 0 : i32
      %dma_wait3A_359 = tpu.memref_slice %arg5[%add3A_197, %dma_wait3A_358] : memref<125x80xi32, #tpu.memory_space<vmem>> -> memref<1x80xi32, #tpu.memory_space<vmem>>
      %dma_wait3A_360 = tpu.memref_squeeze %dma_wait3A_359 : memref<1x80xi32, #tpu.memory_space<vmem>> -> memref<80xi32, #tpu.memory_space<vmem>>
      %dma_wait3A_361 = arith.constant 0 : i32
      %dma_wait3A_362 = arith.constant 0 : i32
      %dma_wait3A_363 = tpu.memref_slice %arg7[%dma_wait3A_361, %dma_wait3A_362] : memref<10000x16xf32, #tpu.memory_space<vmem_shared>> -> memref<10000x16xf32, #tpu.memory_space<vmem_shared>>
      tpu.wait_indirect_dma semaphore(%arg8 : memref<!tpu.dma_semaphore, #tpu.memory_space<semaphore_mem>>) src(%arg6 : memref<80x16xf32, #tpu.memory_space<vmem>>) dst(%dma_wait3A_363 : memref<10000x16xf32, #tpu.memory_space<vmem_shared>>)
      %dma_wait3A_364 = arith.constant 0 : i32
      %dma_wait3A_365 = tpu.memref_slice %arg5[%add3A_205, %dma_wait3A_364] : memref<125x80xi32, #tpu.memory_space<vmem>> -> memref<1x80xi32, #tpu.memory_space<vmem>>
      %dma_wait3A_366 = tpu.memref_squeeze %dma_wait3A_365 : memref<1x80xi32, #tpu.memory_space<vmem>> -> memref<80xi32, #tpu.memory_space<vmem>>
      %dma_wait3A_367 = arith.constant 0 : i32
      %dma_wait3A_368 = arith.constant 0 : i32
      %dma_wait3A_369 = tpu.memref_slice %arg7[%dma_wait3A_367, %dma_wait3A_368] : memref<10000x16xf32, #tpu.memory_space<vmem_shared>> -> memref<10000x16xf32, #tpu.memory_space<vmem_shared>>
      tpu.wait_indirect_dma semaphore(%arg8 : memref<!tpu.dma_semaphore, #tpu.memory_space<semaphore_mem>>) src(%arg6 : memref<80x16xf32, #tpu.memory_space<vmem>>) dst(%dma_wait3A_369 : memref<10000x16xf32, #tpu.memory_space<vmem_shared>>)
      %dma_wait3A_370 = arith.constant 0 : i32
      %dma_wait3A_371 = tpu.memref_slice %arg5[%add3A_213, %dma_wait3A_370] : memref<125x80xi32, #tpu.memory_space<vmem>> -> memref<1x80xi32, #tpu.memory_space<vmem>>
      %dma_wait3A_372 = tpu.memref_squeeze %dma_wait3A_371 : memref<1x80xi32, #tpu.memory_space<vmem>> -> memref<80xi32, #tpu.memory_space<vmem>>
      %dma_wait3A_373 = arith.constant 0 : i32
      %dma_wait3A_374 = arith.constant 0 : i32
      %dma_wait3A_375 = tpu.memref_slice %arg7[%dma_wait3A_373, %dma_wait3A_374] : memref<10000x16xf32, #tpu.memory_space<vmem_shared>> -> memref<10000x16xf32, #tpu.memory_space<vmem_shared>>
      tpu.wait_indirect_dma semaphore(%arg8 : memref<!tpu.dma_semaphore, #tpu.memory_space<semaphore_mem>>) src(%arg6 : memref<80x16xf32, #tpu.memory_space<vmem>>) dst(%dma_wait3A_375 : memref<10000x16xf32, #tpu.memory_space<vmem_shared>>)
      %dma_wait3A_376 = arith.constant 0 : i32
      %dma_wait3A_377 = tpu.memref_slice %arg5[%add3A_221, %dma_wait3A_376] : memref<125x80xi32, #tpu.memory_space<vmem>> -> memref<1x80xi32, #tpu.memory_space<vmem>>
      %dma_wait3A_378 = tpu.memref_squeeze %dma_wait3A_377 : memref<1x80xi32, #tpu.memory_space<vmem>> -> memref<80xi32, #tpu.memory_space<vmem>>
      %dma_wait3A_379 = arith.constant 0 : i32
      %dma_wait3A_380 = arith.constant 0 : i32
      %dma_wait3A_381 = tpu.memref_slice %arg7[%dma_wait3A_379, %dma_wait3A_380] : memref<10000x16xf32, #tpu.memory_space<vmem_shared>> -> memref<10000x16xf32, #tpu.memory_space<vmem_shared>>
      tpu.wait_indirect_dma semaphore(%arg8 : memref<!tpu.dma_semaphore, #tpu.memory_space<semaphore_mem>>) src(%arg6 : memref<80x16xf32, #tpu.memory_space<vmem>>) dst(%dma_wait3A_381 : memref<10000x16xf32, #tpu.memory_space<vmem_shared>>)
      %dma_wait3A_382 = arith.constant 0 : i32
      %dma_wait3A_383 = tpu.memref_slice %arg5[%add3A_229, %dma_wait3A_382] : memref<125x80xi32, #tpu.memory_space<vmem>> -> memref<1x80xi32, #tpu.memory_space<vmem>>
      %dma_wait3A_384 = tpu.memref_squeeze %dma_wait3A_383 : memref<1x80xi32, #tpu.memory_space<vmem>> -> memref<80xi32, #tpu.memory_space<vmem>>
      %dma_wait3A_385 = arith.constant 0 : i32
      %dma_wait3A_386 = arith.constant 0 : i32
      %dma_wait3A_387 = tpu.memref_slice %arg7[%dma_wait3A_385, %dma_wait3A_386] : memref<10000x16xf32, #tpu.memory_space<vmem_shared>> -> memref<10000x16xf32, #tpu.memory_space<vmem_shared>>
      tpu.wait_indirect_dma semaphore(%arg8 : memref<!tpu.dma_semaphore, #tpu.memory_space<semaphore_mem>>) src(%arg6 : memref<80x16xf32, #tpu.memory_space<vmem>>) dst(%dma_wait3A_387 : memref<10000x16xf32, #tpu.memory_space<vmem_shared>>)
      %dma_wait3A_388 = arith.constant 0 : i32
      %dma_wait3A_389 = tpu.memref_slice %arg5[%add3A_237, %dma_wait3A_388] : memref<125x80xi32, #tpu.memory_space<vmem>> -> memref<1x80xi32, #tpu.memory_space<vmem>>
      %dma_wait3A_390 = tpu.memref_squeeze %dma_wait3A_389 : memref<1x80xi32, #tpu.memory_space<vmem>> -> memref<80xi32, #tpu.memory_space<vmem>>
      %dma_wait3A_391 = arith.constant 0 : i32
      %dma_wait3A_392 = arith.constant 0 : i32
      %dma_wait3A_393 = tpu.memref_slice %arg7[%dma_wait3A_391, %dma_wait3A_392] : memref<10000x16xf32, #tpu.memory_space<vmem_shared>> -> memref<10000x16xf32, #tpu.memory_space<vmem_shared>>
      tpu.wait_indirect_dma semaphore(%arg8 : memref<!tpu.dma_semaphore, #tpu.memory_space<semaphore_mem>>) src(%arg6 : memref<80x16xf32, #tpu.memory_space<vmem>>) dst(%dma_wait3A_393 : memref<10000x16xf32, #tpu.memory_space<vmem_shared>>)
    }
    %scan3A_35 = arith.constant 5 : i32
    %barrier3A_36 = arith.constant 0 : index
    tpu.barrier barrier_id(%barrier3A_36)
    %mul3A_37 = arith.constant 625 : i32
    %mul3A_38 = arith.muli %arg1, %mul3A_37 : i32
    %mul3A_39 = arith.constant 625 : i32
    %mul3A_40 = arith.muli %arg1, %mul3A_39 : i32
    "tpu.region"() ({
      %run_scoped3A = tpu.sem_alloc : memref<!tpu.dma_semaphore, #tpu.memory_space<semaphore_mem>>
      %dma_start3A_41 = arith.constant 0 : i32
      %dma_start3A_42 = tpu.memref_slice %arg4[%arg0, %mul3A_40, %dma_start3A_41] : memref<2x10000x16xf32, #tpu.memory_space<hbm>> -> memref<1x625x16xf32, #tpu.memory_space<hbm>>
      %dma_start3A_43 = tpu.memref_squeeze %dma_start3A_42 : memref<1x625x16xf32, #tpu.memory_space<hbm>> -> memref<625x16xf32, #tpu.memory_space<hbm>>
      %dma_start3A_44 = arith.constant 0 : i32
      %dma_start3A_45 = tpu.memref_slice %arg7[%mul3A_38, %dma_start3A_44] : memref<10000x16xf32, #tpu.memory_space<vmem_shared>> -> memref<625x16xf32, #tpu.memory_space<vmem_shared>>
      tpu.enqueue_dma source(%dma_start3A_45 : memref<625x16xf32, #tpu.memory_space<vmem_shared>>) target(%dma_start3A_43 : memref<625x16xf32, #tpu.memory_space<hbm>>) target_semaphore(%run_scoped3A : memref<!tpu.dma_semaphore, #tpu.memory_space<semaphore_mem>>)
      %dma_wait3A_46 = arith.constant 0 : i32
      %dma_wait3A_47 = tpu.memref_slice %arg4[%arg0, %mul3A_40, %dma_wait3A_46] : memref<2x10000x16xf32, #tpu.memory_space<hbm>> -> memref<1x625x16xf32, #tpu.memory_space<hbm>>
      %dma_wait3A_48 = tpu.memref_squeeze %dma_wait3A_47 : memref<1x625x16xf32, #tpu.memory_space<hbm>> -> memref<625x16xf32, #tpu.memory_space<hbm>>
      %dma_wait3A_49 = arith.constant 0 : i32
      %dma_wait3A_50 = tpu.memref_slice %arg7[%mul3A_38, %dma_wait3A_49] : memref<10000x16xf32, #tpu.memory_space<vmem_shared>> -> memref<625x16xf32, #tpu.memory_space<vmem_shared>>
      tpu.wait_dma2 semaphore(%run_scoped3A : memref<!tpu.dma_semaphore, #tpu.memory_space<semaphore_mem>>) src(%dma_wait3A_50 : memref<625x16xf32, #tpu.memory_space<vmem_shared>>) dst(%dma_wait3A_48 : memref<625x16xf32, #tpu.memory_space<hbm>>)
      tpu.yield
    }) : () -> ()
    return
  }
}

module attributes {stable_mosaic.version = 14 : i64} {
  func.func @_tc_matmul1(%arg0: memref<10000x128xf32, #tpu.memory_space<vmem>>, %arg1: memref<128x64xf32, #tpu.memory_space<vmem>>, %arg2: memref<5000x128xf32, #tpu.memory_space<vmem>>) attributes {dimension_semantics = [], scalar_prefetch = 0 : i64, scratch_operands = 0 : i64, tpu.core_type = #tpu.core_type<tc>} {
    %get3A = arith.constant 0 : index
    %get3A_0 = arith.constant 0 : index
    %get3A_1 = vector.load %arg0[%get3A, %get3A_0] : memref<10000x128xf32, #tpu.memory_space<vmem>>, vector<10000x128xf32>
    %reshape3A = vector.shape_cast %get3A_1 : vector<10000x128xf32> to vector<5000x2x128xf32>
    %slice3A = vector.extract_strided_slice %reshape3A {offsets = [0, 0, 0], sizes = [5000, 1, 128], strides = [1, 1, 1]} : vector<5000x2x128xf32> to vector<5000x1x128xf32>
    %squeeze3A = vector.shape_cast %slice3A : vector<5000x1x128xf32> to vector<5000x128xf32>
    %get3A_2 = arith.constant 0 : index
    %get3A_3 = arith.constant 0 : index
    %get3A_4 = vector.load %arg1[%get3A_2, %get3A_3] : memref<128x64xf32, #tpu.memory_space<vmem>>, vector<128x64xf32>
    %dot_general3A = arith.constant dense<0.000000e+00> : vector<5000x64xf32>
    %dot_general3A_5 = tpu.matmul %squeeze3A, %get3A_4, %dot_general3A {dimension_numbers = #tpu.dot_dimension_numbers<[1], [0], [0], [1], [0, 0, 1, 1], [], []>, transpose_lhs_hint = false} : vector<5000x128xf32>, vector<128x64xf32>, vector<5000x64xf32> -> vector<5000x64xf32>
    %slice3A_6 = vector.extract_strided_slice %reshape3A {offsets = [0, 1, 0], sizes = [5000, 1, 128], strides = [1, 1, 1]} : vector<5000x2x128xf32> to vector<5000x1x128xf32>
    %squeeze3A_7 = vector.shape_cast %slice3A_6 : vector<5000x1x128xf32> to vector<5000x128xf32>
    %get3A_8 = arith.constant 0 : index
    %get3A_9 = arith.constant 0 : index
    %get3A_10 = vector.load %arg1[%get3A_8, %get3A_9] : memref<128x64xf32, #tpu.memory_space<vmem>>, vector<128x64xf32>
    %dot_general3A_11 = arith.constant dense<0.000000e+00> : vector<5000x64xf32>
    %dot_general3A_12 = tpu.matmul %squeeze3A_7, %get3A_10, %dot_general3A_11 {dimension_numbers = #tpu.dot_dimension_numbers<[1], [0], [0], [1], [0, 0, 1, 1], [], []>, transpose_lhs_hint = false} : vector<5000x128xf32>, vector<128x64xf32>, vector<5000x64xf32> -> vector<5000x64xf32>
    %concatenate3A = tpu.concatenate %dot_general3A_5, %dot_general3A_12 in 1 : vector<5000x64xf32>, vector<5000x64xf32> -> vector<5000x128xf32>
    %swap3A = arith.constant 0 : index
    %swap3A_13 = arith.constant 0 : index
    %swap3A_14 = vector.load %arg2[%swap3A, %swap3A_13] : memref<5000x128xf32, #tpu.memory_space<vmem>>, vector<5000x128xf32>
    tpu.vector_store %arg2[%swap3A, %swap3A_13], %concatenate3A {strides = array<i32>} : memref<5000x128xf32, #tpu.memory_space<vmem>>, vector<5000x128xf32>,
    return
  }
}

module attributes {stable_mosaic.version = 14 : i64} {
  func.func @_tc_first(%arg0: memref<2x1250x128xf32, #tpu.memory_space<vmem>>, %arg1: memref<5000x128xf32, #tpu.memory_space<vmem>>, %arg2: memref<5000x128xf32, #tpu.memory_space<vmem>>, %arg3: memref<5000x128xf32, #tpu.memory_space<vmem>>) attributes {dimension_semantics = [], scalar_prefetch = 0 : i64, scratch_operands = 0 : i64, tpu.core_type = #tpu.core_type<tc>} {
    %get3A = arith.constant 0 : index
    %get3A_0 = arith.constant 0 : index
    %get3A_1 = arith.constant 0 : index
    %get3A_2 = vector.load %arg0[%get3A, %get3A_0, %get3A_1] : memref<2x1250x128xf32, #tpu.memory_space<vmem>>, vector<1x1250x128xf32>
    %get3A_3 = vector.shape_cast %get3A_2 : vector<1x1250x128xf32> to vector<1250x128xf32>
    %get3A_4 = arith.constant 1 : index
    %get3A_5 = arith.constant 0 : index
    %get3A_6 = arith.constant 0 : index
    %get3A_7 = vector.load %arg0[%get3A_4, %get3A_5, %get3A_6] : memref<2x1250x128xf32, #tpu.memory_space<vmem>>, vector<1x1250x128xf32>
    %get3A_8 = vector.shape_cast %get3A_7 : vector<1x1250x128xf32> to vector<1250x128xf32>
    %add3A = arith.addf %get3A_3, %get3A_8 : vector<1250x128xf32>
    %slice3A = vector.extract_strided_slice %add3A {offsets = [0, 0], sizes = [1250, 16], strides = [1, 1]} : vector<1250x128xf32> to vector<1250x16xf32>
    %slice3A_9 = vector.extract_strided_slice %add3A {offsets = [0, 16], sizes = [1250, 16], strides = [1, 1]} : vector<1250x128xf32> to vector<1250x16xf32>
    %concatenate3A = tpu.concatenate %slice3A, %slice3A, %slice3A, %slice3A, %slice3A_9, %slice3A_9, %slice3A_9, %slice3A_9 in 1 : vector<1250x16xf32>, vector<1250x16xf32>, vector<1250x16xf32>, vector<1250x16xf32>, vector<1250x16xf32>, vector<1250x16xf32>, vector<1250x16xf32>, vector<1250x16xf32> -> vector<1250x128xf32>
    %broadcast_in_dim3A = vector.shape_cast %concatenate3A : vector<1250x128xf32> to vector<1250x1x128xf32>
    %slice3A_10 = vector.extract_strided_slice %add3A {offsets = [0, 32], sizes = [1250, 16], strides = [1, 1]} : vector<1250x128xf32> to vector<1250x16xf32>
    %slice3A_11 = vector.extract_strided_slice %add3A {offsets = [0, 48], sizes = [1250, 16], strides = [1, 1]} : vector<1250x128xf32> to vector<1250x16xf32>
    %concatenate3A_12 = tpu.concatenate %slice3A_10, %slice3A_10, %slice3A_10, %slice3A_10, %slice3A_11, %slice3A_11, %slice3A_11, %slice3A_11 in 1 : vector<1250x16xf32>, vector<1250x16xf32>, vector<1250x16xf32>, vector<1250x16xf32>, vector<1250x16xf32>, vector<1250x16xf32>, vector<1250x16xf32>, vector<1250x16xf32> -> vector<1250x128xf32>
    %broadcast_in_dim3A_13 = vector.shape_cast %concatenate3A_12 : vector<1250x128xf32> to vector<1250x1x128xf32>
    %slice3A_14 = vector.extract_strided_slice %add3A {offsets = [0, 64], sizes = [1250, 16], strides = [1, 1]} : vector<1250x128xf32> to vector<1250x16xf32>
    %slice3A_15 = vector.extract_strided_slice %add3A {offsets = [0, 80], sizes = [1250, 16], strides = [1, 1]} : vector<1250x128xf32> to vector<1250x16xf32>
    %concatenate3A_16 = tpu.concatenate %slice3A_14, %slice3A_14, %slice3A_14, %slice3A_14, %slice3A_15, %slice3A_15, %slice3A_15, %slice3A_15 in 1 : vector<1250x16xf32>, vector<1250x16xf32>, vector<1250x16xf32>, vector<1250x16xf32>, vector<1250x16xf32>, vector<1250x16xf32>, vector<1250x16xf32>, vector<1250x16xf32> -> vector<1250x128xf32>
    %broadcast_in_dim3A_17 = vector.shape_cast %concatenate3A_16 : vector<1250x128xf32> to vector<1250x1x128xf32>
    %slice3A_18 = vector.extract_strided_slice %add3A {offsets = [0, 96], sizes = [1250, 16], strides = [1, 1]} : vector<1250x128xf32> to vector<1250x16xf32>
    %slice3A_19 = vector.extract_strided_slice %add3A {offsets = [0, 112], sizes = [1250, 16], strides = [1, 1]} : vector<1250x128xf32> to vector<1250x16xf32>
    %concatenate3A_20 = tpu.concatenate %slice3A_18, %slice3A_18, %slice3A_18, %slice3A_18, %slice3A_19, %slice3A_19, %slice3A_19, %slice3A_19 in 1 : vector<1250x16xf32>, vector<1250x16xf32>, vector<1250x16xf32>, vector<1250x16xf32>, vector<1250x16xf32>, vector<1250x16xf32>, vector<1250x16xf32>, vector<1250x16xf32> -> vector<1250x128xf32>
    %broadcast_in_dim3A_21 = vector.shape_cast %concatenate3A_20 : vector<1250x128xf32> to vector<1250x1x128xf32>
    %concatenate3A_22 = tpu.concatenate %broadcast_in_dim3A, %broadcast_in_dim3A_13, %broadcast_in_dim3A_17, %broadcast_in_dim3A_21 in 1 : vector<1250x1x128xf32>, vector<1250x1x128xf32>, vector<1250x1x128xf32>, vector<1250x1x128xf32> -> vector<1250x4x128xf32>
    %reshape3A = vector.shape_cast %concatenate3A_22 : vector<1250x4x128xf32> to vector<5000x128xf32>
    %add3A_23 = arith.constant 1.000000e+00 : f32
    %add3A_24 = vector.broadcast %add3A_23 : f32 to vector<5000x128xf32>
    %add3A_25 = arith.addf %reshape3A, %add3A_24 : vector<5000x128xf32>
    %rsqrt3A = math.rsqrt %add3A_25 : vector<5000x128xf32>
    %swap3A = arith.constant 0 : index
    %swap3A_26 = arith.constant 0 : index
    %swap3A_27 = vector.load %arg3[%swap3A, %swap3A_26] : memref<5000x128xf32, #tpu.memory_space<vmem>>, vector<5000x128xf32>
    tpu.vector_store %arg3[%swap3A, %swap3A_26], %rsqrt3A {strides = array<i32>} : memref<5000x128xf32, #tpu.memory_space<vmem>>, vector<5000x128xf32>,
    %get3A_28 = arith.constant 0 : index
    %get3A_29 = arith.constant 0 : index
    %get3A_30 = vector.load %arg1[%get3A_28, %get3A_29] : memref<5000x128xf32, #tpu.memory_space<vmem>>, vector<5000x128xf32>
    %mul3A = arith.mulf %get3A_30, %rsqrt3A : vector<5000x128xf32>
    %swap3A_31 = arith.constant 0 : index
    %swap3A_32 = arith.constant 0 : index
    %swap3A_33 = vector.load %arg2[%swap3A_31, %swap3A_32] : memref<5000x128xf32, #tpu.memory_space<vmem>>, vector<5000x128xf32>
    tpu.vector_store %arg2[%swap3A_31, %swap3A_32], %mul3A {strides = array<i32>} : memref<5000x128xf32, #tpu.memory_space<vmem>>, vector<5000x128xf32>,
    return
  }
}

module attributes {stable_mosaic.version = 14 : i64} {
  func.func @_tc_mid(%arg0: memref<2x5000x128xf32, #tpu.memory_space<vmem>>, %arg1: memref<5000x128xf32, #tpu.memory_space<vmem>>, %arg2: memref<5000x128xf32, #tpu.memory_space<vmem>>, %arg3: memref<1x128xf32, #tpu.memory_space<vmem>>, %arg4: memref<128x128xf32, #tpu.memory_space<vmem>>, %arg5: memref<5000x128xf32, #tpu.memory_space<vmem>>) attributes {dimension_semantics = [], scalar_prefetch = 0 : i64, scratch_operands = 0 : i64, tpu.core_type = #tpu.core_type<tc>} {
    %get3A = arith.constant 0 : index
    %get3A_0 = arith.constant 0 : index
    %get3A_1 = vector.load %arg2[%get3A, %get3A_0] : memref<5000x128xf32, #tpu.memory_space<vmem>>, vector<5000x128xf32>
    %get3A_2 = arith.constant 0 : index
    %get3A_3 = arith.constant 0 : index
    %get3A_4 = arith.constant 0 : index
    %get3A_5 = vector.load %arg0[%get3A_2, %get3A_3, %get3A_4] : memref<2x5000x128xf32, #tpu.memory_space<vmem>>, vector<1x5000x128xf32>
    %get3A_6 = vector.shape_cast %get3A_5 : vector<1x5000x128xf32> to vector<5000x128xf32>
    %get3A_7 = arith.constant 1 : index
    %get3A_8 = arith.constant 0 : index
    %get3A_9 = arith.constant 0 : index
    %get3A_10 = vector.load %arg0[%get3A_7, %get3A_8, %get3A_9] : memref<2x5000x128xf32, #tpu.memory_space<vmem>>, vector<1x5000x128xf32>
    %get3A_11 = vector.shape_cast %get3A_10 : vector<1x5000x128xf32> to vector<5000x128xf32>
    %add3A = arith.addf %get3A_6, %get3A_11 : vector<5000x128xf32>
    %get3A_12 = arith.constant 0 : index
    %get3A_13 = arith.constant 0 : index
    %get3A_14 = vector.load %arg1[%get3A_12, %get3A_13] : memref<5000x128xf32, #tpu.memory_space<vmem>>, vector<5000x128xf32>
    %add3A_15 = arith.addf %add3A, %get3A_14 : vector<5000x128xf32>
    %mul3A = arith.mulf %get3A_1, %add3A_15 : vector<5000x128xf32>
    %get3A_16 = arith.constant 0 : index
    %get3A_17 = arith.constant 0 : index
    %get3A_18 = vector.load %arg3[%get3A_16, %get3A_17] : memref<1x128xf32, #tpu.memory_space<vmem>>, vector<1x128xf32>
    %add3A_19 = vector.broadcast %get3A_18 : vector<1x128xf32> to vector<5000x128xf32>
    %add3A_20 = arith.addf %mul3A, %add3A_19 : vector<5000x128xf32>
    %max3A = arith.constant 0.000000e+00 : f32
    %max3A_21 = vector.broadcast %max3A : f32 to vector<5000x128xf32>
    %max3A_22 = arith.maximumf %add3A_20, %max3A_21 : vector<5000x128xf32>
    %get3A_23 = arith.constant 0 : index
    %get3A_24 = arith.constant 0 : index
    %get3A_25 = vector.load %arg4[%get3A_23, %get3A_24] : memref<128x128xf32, #tpu.memory_space<vmem>>, vector<128x128xf32>
    %dot_general3A = arith.constant dense<0.000000e+00> : vector<5000x128xf32>
    %dot_general3A_26 = tpu.matmul %max3A_22, %get3A_25, %dot_general3A {dimension_numbers = #tpu.dot_dimension_numbers<[1], [0], [0], [1], [0, 0, 1, 1], [], []>, transpose_lhs_hint = false} : vector<5000x128xf32>, vector<128x128xf32>, vector<5000x128xf32> -> vector<5000x128xf32>
    %mul3A_27 = arith.mulf %dot_general3A_26, %get3A_1 : vector<5000x128xf32>
    %swap3A = arith.constant 0 : index
    %swap3A_28 = arith.constant 0 : index
    %swap3A_29 = vector.load %arg5[%swap3A, %swap3A_28] : memref<5000x128xf32, #tpu.memory_space<vmem>>, vector<5000x128xf32>
    tpu.vector_store %arg5[%swap3A, %swap3A_28], %mul3A_27 {strides = array<i32>} : memref<5000x128xf32, #tpu.memory_space<vmem>>, vector<5000x128xf32>,
    return
  }
}

module attributes {stable_mosaic.version = 14 : i64} {
  func.func @_tc_last(%arg0: memref<2x5000x128xf32, #tpu.memory_space<vmem>>, %arg1: memref<5000x128xf32, #tpu.memory_space<vmem>>, %arg2: memref<5000x128xf32, #tpu.memory_space<vmem>>, %arg3: memref<1x128xf32, #tpu.memory_space<vmem>>, %arg4: memref<128x384xf32, #tpu.memory_space<vmem>>, %arg5: memref<3x128xf32, #tpu.memory_space<vmem>>, %arg6: memref<3x128xf32, #tpu.memory_space<vmem>>, %arg7: memref<64x2xf32, #tpu.memory_space<vmem>>, %arg8: memref<1x2xf32, #tpu.memory_space<vmem>>, %arg9: memref<10000x2xf32, #tpu.memory_space<vmem>>, %arg10: memref<1x10000x64xf32, #tpu.memory_space<vmem>>) attributes {dimension_semantics = [], scalar_prefetch = 0 : i64, scratch_operands = 0 : i64, tpu.core_type = #tpu.core_type<tc>} {
    %get3A = arith.constant 0 : index
    %get3A_0 = arith.constant 0 : index
    %get3A_1 = vector.load %arg2[%get3A, %get3A_0] : memref<5000x128xf32, #tpu.memory_space<vmem>>, vector<5000x128xf32>
    %get3A_2 = arith.constant 0 : index
    %get3A_3 = arith.constant 0 : index
    %get3A_4 = arith.constant 0 : index
    %get3A_5 = vector.load %arg0[%get3A_2, %get3A_3, %get3A_4] : memref<2x5000x128xf32, #tpu.memory_space<vmem>>, vector<1x5000x128xf32>
    %get3A_6 = vector.shape_cast %get3A_5 : vector<1x5000x128xf32> to vector<5000x128xf32>
    %get3A_7 = arith.constant 1 : index
    %get3A_8 = arith.constant 0 : index
    %get3A_9 = arith.constant 0 : index
    %get3A_10 = vector.load %arg0[%get3A_7, %get3A_8, %get3A_9] : memref<2x5000x128xf32, #tpu.memory_space<vmem>>, vector<1x5000x128xf32>
    %get3A_11 = vector.shape_cast %get3A_10 : vector<1x5000x128xf32> to vector<5000x128xf32>
    %add3A = arith.addf %get3A_6, %get3A_11 : vector<5000x128xf32>
    %get3A_12 = arith.constant 0 : index
    %get3A_13 = arith.constant 0 : index
    %get3A_14 = vector.load %arg1[%get3A_12, %get3A_13] : memref<5000x128xf32, #tpu.memory_space<vmem>>, vector<5000x128xf32>
    %add3A_15 = arith.addf %add3A, %get3A_14 : vector<5000x128xf32>
    %mul3A = arith.mulf %get3A_1, %add3A_15 : vector<5000x128xf32>
    %get3A_16 = arith.constant 0 : index
    %get3A_17 = arith.constant 0 : index
    %get3A_18 = vector.load %arg3[%get3A_16, %get3A_17] : memref<1x128xf32, #tpu.memory_space<vmem>>, vector<1x128xf32>
    %add3A_19 = vector.broadcast %get3A_18 : vector<1x128xf32> to vector<5000x128xf32>
    %add3A_20 = arith.addf %mul3A, %add3A_19 : vector<5000x128xf32>
    %max3A = arith.constant 0.000000e+00 : f32
    %max3A_21 = vector.broadcast %max3A : f32 to vector<5000x128xf32>
    %max3A_22 = arith.maximumf %add3A_20, %max3A_21 : vector<5000x128xf32>
    %get3A_23 = arith.constant 0 : index
    %get3A_24 = arith.constant 0 : index
    %get3A_25 = vector.load %arg4[%get3A_23, %get3A_24] : memref<128x384xf32, #tpu.memory_space<vmem>>, vector<128x384xf32>
    %dot_general3A = arith.constant dense<0.000000e+00> : vector<5000x384xf32>
    %dot_general3A_26 = tpu.matmul %max3A_22, %get3A_25, %dot_general3A {dimension_numbers = #tpu.dot_dimension_numbers<[1], [0], [0], [1], [0, 0, 1, 1], [], []>, transpose_lhs_hint = false} : vector<5000x128xf32>, vector<128x384xf32>, vector<5000x384xf32> -> vector<5000x384xf32>
    %get3A_27 = arith.constant 0 : index
    %get3A_28 = arith.constant 0 : index
    %get3A_29 = vector.load %arg5[%get3A_27, %get3A_28] : memref<3x128xf32, #tpu.memory_space<vmem>>, vector<3x128xf32>
    %get3A_30 = arith.constant 0 : index
    %get3A_31 = arith.constant 0 : index
    %get3A_32 = vector.load %arg6[%get3A_30, %get3A_31] : memref<3x128xf32, #tpu.memory_space<vmem>>, vector<3x128xf32>
    %slice3A = vector.extract_strided_slice %dot_general3A_26 {offsets = [0, 0], sizes = [5000, 128], strides = [1, 1]} : vector<5000x384xf32> to vector<5000x128xf32>
    %slice3A_33 = vector.extract_strided_slice %get3A_29 {offsets = [0, 0], sizes = [1, 128], strides = [1, 1]} : vector<3x128xf32> to vector<1x128xf32>
    %add3A_34 = vector.broadcast %slice3A_33 : vector<1x128xf32> to vector<5000x128xf32>
    %add3A_35 = arith.addf %slice3A, %add3A_34 : vector<5000x128xf32>
    %slice3A_36 = vector.extract_strided_slice %get3A_32 {offsets = [0, 0], sizes = [1, 128], strides = [1, 1]} : vector<3x128xf32> to vector<1x128xf32>
    %add3A_37 = vector.broadcast %slice3A_36 : vector<1x128xf32> to vector<5000x128xf32>
    %add3A_38 = arith.addf %add3A_35, %add3A_37 : vector<5000x128xf32>
    %neg3A = arith.constant 0.000000e+00 : f32
    %neg3A_39 = vector.broadcast %neg3A : f32 to vector<5000x128xf32>
    %neg3A_40 = arith.subf %neg3A_39, %add3A_38 : vector<5000x128xf32>
    %exp3A = math.exp %neg3A_40 : vector<5000x128xf32>
    %add3A_41 = arith.constant 1.000000e+00 : f32
    %add3A_42 = vector.broadcast %add3A_41 : f32 to vector<5000x128xf32>
    %add3A_43 = arith.addf %add3A_42, %exp3A : vector<5000x128xf32>
    %div3A = arith.constant 1.000000e+00 : f32
    %div3A_44 = vector.broadcast %div3A : f32 to vector<5000x128xf32>
    %div3A_45 = arith.divf %div3A_44, %add3A_43 : vector<5000x128xf32>
    %slice3A_46 = vector.extract_strided_slice %dot_general3A_26 {offsets = [0, 128], sizes = [5000, 128], strides = [1, 1]} : vector<5000x384xf32> to vector<5000x128xf32>
    %slice3A_47 = vector.extract_strided_slice %get3A_29 {offsets = [1, 0], sizes = [1, 128], strides = [1, 1]} : vector<3x128xf32> to vector<1x128xf32>
    %add3A_48 = vector.broadcast %slice3A_47 : vector<1x128xf32> to vector<5000x128xf32>
    %add3A_49 = arith.addf %slice3A_46, %add3A_48 : vector<5000x128xf32>
    %slice3A_50 = vector.extract_strided_slice %get3A_32 {offsets = [1, 0], sizes = [1, 128], strides = [1, 1]} : vector<3x128xf32> to vector<1x128xf32>
    %add3A_51 = vector.broadcast %slice3A_50 : vector<1x128xf32> to vector<5000x128xf32>
    %add3A_52 = arith.addf %add3A_49, %add3A_51 : vector<5000x128xf32>
    %neg3A_53 = arith.constant 0.000000e+00 : f32
    %neg3A_54 = vector.broadcast %neg3A_53 : f32 to vector<5000x128xf32>
    %neg3A_55 = arith.subf %neg3A_54, %add3A_52 : vector<5000x128xf32>
    %exp3A_56 = math.exp %neg3A_55 : vector<5000x128xf32>
    %add3A_57 = arith.constant 1.000000e+00 : f32
    %add3A_58 = vector.broadcast %add3A_57 : f32 to vector<5000x128xf32>
    %add3A_59 = arith.addf %add3A_58, %exp3A_56 : vector<5000x128xf32>
    %div3A_60 = arith.constant 1.000000e+00 : f32
    %div3A_61 = vector.broadcast %div3A_60 : f32 to vector<5000x128xf32>
    %div3A_62 = arith.divf %div3A_61, %add3A_59 : vector<5000x128xf32>
    %slice3A_63 = vector.extract_strided_slice %dot_general3A_26 {offsets = [0, 256], sizes = [5000, 128], strides = [1, 1]} : vector<5000x384xf32> to vector<5000x128xf32>
    %slice3A_64 = vector.extract_strided_slice %get3A_29 {offsets = [2, 0], sizes = [1, 128], strides = [1, 1]} : vector<3x128xf32> to vector<1x128xf32>
    %add3A_65 = vector.broadcast %slice3A_64 : vector<1x128xf32> to vector<5000x128xf32>
    %add3A_66 = arith.addf %slice3A_63, %add3A_65 : vector<5000x128xf32>
    %slice3A_67 = vector.extract_strided_slice %get3A_32 {offsets = [2, 0], sizes = [1, 128], strides = [1, 1]} : vector<3x128xf32> to vector<1x128xf32>
    %mul3A_68 = vector.broadcast %slice3A_67 : vector<1x128xf32> to vector<5000x128xf32>
    %mul3A_69 = arith.mulf %div3A_45, %mul3A_68 : vector<5000x128xf32>
    %add3A_70 = arith.addf %add3A_66, %mul3A_69 : vector<5000x128xf32>
    %tanh3A = math.tanh %add3A_70 : vector<5000x128xf32>
    %sub3A = arith.constant 1.000000e+00 : f32
    %sub3A_71 = vector.broadcast %sub3A : f32 to vector<5000x128xf32>
    %sub3A_72 = arith.subf %sub3A_71, %div3A_62 : vector<5000x128xf32>
    %mul3A_73 = arith.mulf %sub3A_72, %tanh3A : vector<5000x128xf32>
    %slice3A_74 = vector.extract_strided_slice %mul3A_73 {offsets = [0, 0], sizes = [5000, 64], strides = [1, 1]} : vector<5000x128xf32> to vector<5000x64xf32>
    %slice3A_75 = vector.extract_strided_slice %mul3A_73 {offsets = [0, 64], sizes = [5000, 64], strides = [1, 1]} : vector<5000x128xf32> to vector<5000x64xf32>
    %broadcast_in_dim3A = vector.shape_cast %slice3A_74 : vector<5000x64xf32> to vector<5000x1x64xf32>
    %broadcast_in_dim3A_76 = vector.shape_cast %slice3A_75 : vector<5000x64xf32> to vector<5000x1x64xf32>
    %concatenate3A = tpu.concatenate %broadcast_in_dim3A, %broadcast_in_dim3A_76 in 1 : vector<5000x1x64xf32>, vector<5000x1x64xf32> -> vector<5000x2x64xf32>
    %reshape3A = vector.shape_cast %concatenate3A : vector<5000x2x64xf32> to vector<10000x64xf32>
    %swap3A = arith.constant 0 : index
    %swap3A_77 = arith.constant 0 : index
    %swap3A_78 = arith.constant 0 : index
    %swap3A_79 = vector.load %arg10[%swap3A, %swap3A_77, %swap3A_78] : memref<1x10000x64xf32, #tpu.memory_space<vmem>>, vector<1x10000x64xf32>
    %swap3A_80 = vector.shape_cast %swap3A_79 : vector<1x10000x64xf32> to vector<10000x64xf32>
    %swap3A_81 = vector.shape_cast %reshape3A : vector<10000x64xf32> to vector<1x10000x64xf32>
    tpu.vector_store %arg10[%swap3A, %swap3A_77, %swap3A_78], %swap3A_81 {strides = array<i32>} : memref<1x10000x64xf32, #tpu.memory_space<vmem>>, vector<1x10000x64xf32>,
    %get3A_82 = arith.constant 0 : index
    %get3A_83 = arith.constant 0 : index
    %get3A_84 = vector.load %arg7[%get3A_82, %get3A_83] : memref<64x2xf32, #tpu.memory_space<vmem>>, vector<64x2xf32>
    %dot_general3A_85 = arith.constant dense<0.000000e+00> : vector<10000x2xf32>
    %dot_general3A_86 = tpu.matmul %reshape3A, %get3A_84, %dot_general3A_85 {dimension_numbers = #tpu.dot_dimension_numbers<[1], [0], [0], [1], [0, 0, 1, 1], [], []>, transpose_lhs_hint = false} : vector<10000x64xf32>, vector<64x2xf32>, vector<10000x2xf32> -> vector<10000x2xf32>
    %get3A_87 = arith.constant 0 : index
    %get3A_88 = arith.constant 0 : index
    %get3A_89 = vector.load %arg8[%get3A_87, %get3A_88] : memref<1x2xf32, #tpu.memory_space<vmem>>, vector<1x2xf32>
    %add3A_90 = vector.broadcast %get3A_89 : vector<1x2xf32> to vector<10000x2xf32>
    %add3A_91 = arith.addf %dot_general3A_86, %add3A_90 : vector<10000x2xf32>
    %swap3A_92 = arith.constant 0 : index
    %swap3A_93 = arith.constant 0 : index
    %swap3A_94 = vector.load %arg9[%swap3A_92, %swap3A_93] : memref<10000x2xf32, #tpu.memory_space<vmem>>, vector<10000x2xf32>
    tpu.vector_store %arg9[%swap3A_92, %swap3A_93], %add3A_91 {strides = array<i32>} : memref<10000x2xf32, #tpu.memory_space<vmem>>, vector<10000x2xf32>,
    return
  }
}

</mosaic_0001>

<sc_bundles>
// kernel: kernel.12.cloned.1.call-start
scs
__scs_entry_jumppad:
0x0: {  	(pc) =	sbr.rel $0x88, $3  }
0x1: {  	(tag) =	ssettag $0x0;
	lr =	simm.s32 $0x1  }
0x2: {  	[smem:$0x3F96] =	sst lr;
	_ =	strace $0xD0000000  }
0x3: {  	_ = 	snop  }
0x4: {  	_ = 	snop  }
0x5: {  	_ = 	snop  }
0x6: {  	_ = 	snop  }
0x7: {  	_ = 	snop  }
__scs_overlays_trampoline_lowered:
0x8: {  	[smem:$0x3FA5] =	sst s0  }
0x9: {  	[smem:$0x3FA6] =	sst s1  }
0xa: {  	[smem:$0x3FA7] =	sst s2  }
0xb: {  	[smem:$0x3FA8] =	sst s3  }
0xc: {  	[smem:$0x3FA9] =	sst s4  }
0xd: {  	[smem:$0x3FAA] =	sst s5  }
0xe: {  	[smem:$0x3FAB] =	sst s6  }
0xf: {  	[smem:$0x3FAC] =	sst s7  }
0x10: {  	[smem:$0x3FAD] =	sst s8  }
0x11: {  	[smem:$0x3FAE] =	sst s9;
	s0 =	simm.s32 @!p0 $0x0  }
0x12: {  	s1 =	sld [smem:$0x3F94];
	s0 =	simm.s32 @p0 $0x1  }
0x13: {  	[smem:$0x3FAF] =	sst s0;
	s0 =	simm.s32 @!p1 $0x0  }
0x14: {  	s2 =	sld [smem:$0x3F93];
	s0 =	simm.s32 @p1 $0x1  }
0x15: {  	[smem:$0x3FB0] =	sst s0;
	s0 =	simm.s32 @!p2 $0x0  }
0x16: {  	s3 =	sld [smem:$0x3FDB];
	s0 =	simm.s32 @p2 $0x1  }
0x17: {  	s4 =	simm.s32 $0x1BF5;
	[smem:$0x3FB2] =	sst s0  }
0x18: {  	s0 =	sld [smem:$0x3F95];
	_ =	swait.ge [sflag:s4], $0x0  }
0x19: {  	s7 =	sld [smem:$0x3F96]  }
0x1a: {  	s8 =	sadd.s32 $0xFFFFE003, lr  }
0x1b: {  	s9 =	sadd.s32 $0xFFFFFEF7, lr;
	s5 =	simm.s32 $0xFFFFFFFF;
	p2 =	slt.u32 s8, $0xFFFFF086  }
0x1c: {  	p1 =	slt.u32 s9, $0xF7A;
	s5 =	simm.s32 @!p2 $0x0  }
0x1d: {  	s5 =	simm.s32 @p1 $0x1;
	p0 =	seq.s32 s7, s2  }
0x1e: {  	s7 =	smul.u32 @!p0 $0xF7A, s2;
	p2 =	seq.s32 @!p0 s5, $0x0  }
0x1f: {  	s9 =	smul.u32 $0xF7A, s1;
	s8 =	simm.s32 @!p0 $0x1BF5;
	p2 =	por !p2, p0  }
0x20: {  	[sflag:s8] =	ssyncset.s32 @!p0 $0xFFFFF086;
	s6 =	sadd.s32 @!p0 s3, s7;
	s7 =	simm.s32 @!p0 $0x108  }
0x21: {  	s3 =	sadd.s32 s3, s9;
	s6 =	sadd.s32 @!p0 $0x88, s6;
	s7 =	simm.s32 @p2 $0x1082  }
0x22: {  	[simem:s7], [sflag:s8] =	dma.local @!p0 [hbm:s6], $0xF7A  }
0x23: {  	s9 =	sor.u32 $0xD0000000, s2;
	s6 =	simm.s32 $0x108;
	_ =	swait.ge @!p0 [sflag:s8], $0x0  }
0x24: {  	s3 =	sadd.s32 $0x88, s3;
	s6 =	simm.s32 @!p1 $0x1082;
	[sflag:s4] =	ssyncset.s32 $0xFFFFF086  }
0x25: {  	[simem:s6], [sflag:s4] =	dma.local [hbm:s3], $0xF7A  }
0x26: {  	[smem:$0x3F96] =	sst s1;
	(tag) =	ssettag s2;
	_ =	strace s9  }
0x27: {  	s1 =	sld [smem:$0x3FA6]  }
0x28: {  	s2 =	sld [smem:$0x3FA7]  }
0x29: {  	s4 =	sld [smem:$0x3FA9]  }
0x2a: {  	p0 =	seq.s32 s5, $0x0;
	s5 =	sld [smem:$0x3FAA]  }
0x2b: {  	s6 =	sld [smem:$0x3FAB]  }
0x2c: {  	s7 =	sld [smem:$0x3FAC]  }
0x2d: {  	s3 =	simm.s32 $0x108;
	s8 =	sld [smem:$0x3FAD]  }
0x2e: {  	s3 =	simm.s32 @!p0 $0x1082;
	s9 =	sld [smem:$0x3FAE]  }
0x2f: {  	lr =	sadd.s32 s0, s3;
	s0 =	sld [smem:$0x3FA5]  }
0x30: {  	s3 =	sld [smem:$0x3FA8]  }
0x31: {  	[smem:$0x3FB1] =	sst s10  }
0x32: {  	s10 =	sld [smem:$0x3FAF];
	_ =	sdelay $0x3  }
0x33: {  	p0 =	seq.s32 s10, $0x1;
	s10 =	sld [smem:$0x3FB1];
	_ =	sdelay $0x3  }
0x34: {  	[smem:$0x3FB1] =	sst s10  }
0x35: {  	s10 =	sld [smem:$0x3FB0];
	_ =	sdelay $0x3  }
0x36: {  	p1 =	seq.s32 s10, $0x1;
	s10 =	sld [smem:$0x3FB1];
	_ =	sdelay $0x3  }
0x37: {  	[smem:$0x3FB1] =	sst s10  }
0x38: {  	s10 =	sld [smem:$0x3FB2]  }
0x39: {  	_ = 	snop;
	(pc) =	sbr.ind lr, $3  }
0x3a: {  	_ = 	snop  }
0x3b: {  	_ = 	snop  }
0x3c: {  	p2 =	seq.s32 s10, $0x1;
	s10 =	sld [smem:$0x3FB1]  }
0x3d: {  	_ =	shalt  }
0x3e: {  	_ =	shalt  }
0x3f: {  	_ =	shalt  }
0x40: {  	_ =	shalt  }
0x41: {  	_ =	shalt  }
0x42: {  	_ =	shalt  }
0x43: {  	_ =	shalt  }
0x44: {  	_ =	shalt  }
0x45: {  	_ =	shalt  }
0x46: {  	_ =	shalt  }
0x47: {  	_ =	shalt  }
0x48: {  	_ =	shalt  }
0x49: {  	_ =	shalt  }
0x4a: {  	_ =	shalt  }
0x4b: {  	_ =	shalt  }
0x4c: {  	_ =	shalt  }
0x4d: {  	_ =	shalt  }
0x4e: {  	_ =	shalt  }
0x4f: {  	_ =	shalt  }
0x50: {  	_ =	shalt  }
0x51: {  	_ =	shalt  }
0x52: {  	_ =	shalt  }
0x53: {  	_ =	shalt  }
0x54: {  	_ =	shalt  }
0x55: {  	_ =	shalt  }
0x56: {  	_ =	shalt  }
0x57: {  	_ =	shalt  }
0x58: {  	_ =	shalt  }
0x59: {  	_ =	shalt  }
0x5a: {  	_ =	shalt  }
0x5b: {  	_ =	shalt  }
0x5c: {  	_ =	shalt  }
0x5d: {  	_ =	shalt  }
0x5e: {  	_ =	shalt  }
0x5f: {  	_ =	shalt  }
0x60: {  	_ =	shalt  }
0x61: {  	_ =	shalt  }
0x62: {  	_ =	shalt  }
0x63: {  	_ =	shalt  }
0x64: {  	_ =	shalt  }
0x65: {  	_ =	shalt  }
0x66: {  	_ =	shalt  }
0x67: {  	_ =	shalt  }
0x68: {  	_ =	shalt  }
0x69: {  	_ =	shalt  }
0x6a: {  	_ =	shalt  }
0x6b: {  	_ =	shalt  }
0x6c: {  	_ =	shalt  }
0x6d: {  	_ =	shalt  }
0x6e: {  	_ =	shalt  }
0x6f: {  	_ =	shalt  }
0x70: {  	_ =	shalt  }
0x71: {  	_ =	shalt  }
0x72: {  	_ =	shalt  }
0x73: {  	_ =	shalt  }
0x74: {  	_ =	shalt  }
0x75: {  	_ =	shalt  }
0x76: {  	_ =	shalt  }
0x77: {  	_ =	shalt  }
0x78: {  	_ =	shalt  }
0x79: {  	_ =	shalt  }
0x7a: {  	_ =	shalt  }
0x7b: {  	_ =	shalt  }
0x7c: {  	_ =	shalt  }
0x7d: {  	_ =	shalt  }
0x7e: {  	_ =	shalt  }
0x7f: {  	_ =	shalt  }
0x80: {  	_ =	shalt  }
0x81: {  	_ =	shalt  }
0x82: {  	_ =	shalt  }
0x83: {  	_ =	shalt  }
0x84: {  	_ =	shalt  }
0x85: {  	_ =	shalt  }
0x86: {  	_ =	shalt  }
0x87: {  	_ =	shalt  }
.Lfunc_end0:
.L_simem_size_0:
called_computation.1_lowered:
.L_overlay_start_0:
0x88: {  	s2 =	sld [smem:$0x3FD9]  }
0x89: {  	s3 =	sld [smem:$0x3FFE];
	_ =	sdelay $0x1  }
0x8a: {  	s1 =	srdreg.scid  }
0x8b: {  	s0 =	sand.u32 $0x1, s1  }
0x8c: {  	s14 =	sshll.u32 s0, $0xA;
	s2 =	sadd.s32 s3, s2  }
0x8d: {  	s2 =	sadd.s32 s2, s14  }
0x8e: {  	[smem:$0x3FBD] =	sst s2  }
0x8f: {  	_ = 	snop  }
0x90: {  	s2 =	sld [smem:$0x3FD0];
	_ =	sdelay $0x2  }
0x91: {  	s15 =	simm.s32 $0xA;
	s4 =	simm.s32 $0x10  }
0x92: {  	[smem:s4], [sflag:s15] =	dma.local [hbm:s2], $0x1  }
0x93: {  	_ =	swait.eq [sflag:s15], $0x1  }
0x94: {  	[sflag:s15] =	ssyncset.done $0x0  }
0x95: {  	[sflag:s15] =	ssyncadd.s32 $0xFFFFFFFF  }
0x96: {  	s16 =	sld [smem:$0x11];
	(tm) =	ssettm $0x1  }
0x97: {  	s17 =	sld [smem:$0x3FFB];
	_ =	sdelay $0x3  }
0x98: {  	_ =	strace s17  }
0x99: {  	s3 =	sld [smem:$0x3FFC];
	_ =	sdelay $0x3  }
0x9a: {  	_ =	strace s3  }
0x9b: {  	s3 =	sld [smem:$0x3FFD];
	_ =	sdelay $0x3  }
0x9c: {  	_ =	strace s3  }
0x9d: {  	_ =	strace $0x8FFFFFFF  }
0x9e: {  	s18 =	sld [smem:$0x3FDB];
	_ =	sdelay $0x1  }
0x9f: {  	s19 =	simm.s32 $_scs_section_size  }
0xa0: {  	s5 =	simm.s32 $_size__tile_overlayer_lowered;
	s6 =	simm.s32 $_tile_overlayer_lowered  }
0xa1: {  	s22 =	simm.s32 $0x1BFF;
	s21 =	sshll.u32 s6, $0x1;
	s3 =	sadd.s32 s19, s18  }
0xa2: {  	s7 =	simm.s32 $0x0;
	s20 =	sshll.u32 s5, $0x1;
	s5 =	sadd.s32 s21, s3  }
0xa3: {  	[timem:s7], [sflag:s22] =	dma.local [hbm:s5], s20  }
0xa4: {  	_ =	swait.ge [sflag:s22], s20  }
0xa5: {  	s4 =	ssub.s32 $0x0, s20;
	[sflag:s22] =	ssyncset.done $0x0  }
0xa6: {  	[sflag:s22] =	ssyncadd.s32 s4;
	_ =	sdelay $0x1  }
0xa7: {  	s23 =	simm.s32 $0x1B8B  }
0xa8: {  	_ =	swait.ge [sflag:s23], $0x1  }
0xa9: {  	[sflag:s23] =	ssyncset.done $0x0  }
0xaa: {  	s25 =	simm.s32 $0x1B8E;
	s24 =	sld [smem:$0x3FFE];
	[sflag:s23] =	ssyncadd.s32 $0xFFFFFFFF  }
0xab: {  	s26 =	simm.s32 $execute0_lowered;
	[smem:$0x3FD2] =	sst s25  }
0xac: {  	s5 =	sshll.u32 s26, $0x1;
	_ =	strace $0x80000049;
	[dreg:$0x1] =	wrdreg $0xFFFFFFFF  }
0xad: {  	s28 =	simm.s32 $_size_execute0_lowered;
	s3 =	sadd.s32 s3, s5;
	[dreg:$0x0] =	wrdreg $0x0  }
0xae: {  	s5 =	sshll.u32 s28, $0x1;
	[dreg:$0x2] =	wrdreg s3  }
0xaf: {  	[dreg:$0x3] =	wrdreg s5  }
0xb0: {  	[dreg:$0x4] =	wrdreg $0xC0  }
0xb1: {  	_ =	task [dreg:s7], $0x5FFFF  }
0xb2: {  	[dreg:$0x1] =	wrdreg $0xFFFFFFFF  }
0xb3: {  	[dreg:$0x0] =	wrdreg $0x60  }
0xb4: {  	[dreg:$0x2] =	wrdreg s24  }
0xb5: {  	[dreg:$0x3] =	wrdreg s16  }
0xb6: {  	[dreg:$0x4] =	wrdreg $0xB2200  }
0xb7: {  	[dreg:$0x5] =	wrdreg $0x9  }
0xb8: {  	_ =	task.clear_ibuf [dreg:s7], $0x6FFFF;
	_ =	strace $0x90000049  }
0xb9: {  	s29 =	simm.s32 $0x9;
	_ =	strace $0x8000004B  }
0xba: {  	_ =	swait.ge [sflag:s29], $0x1  }
0xbb: {  	[sflag:s29] =	ssyncadd.s32 $0xFFFFFFFF  }
0xbc: {  	_ =	strace $0x9000004B  }
0xbd: {  	_ =	sfence  }
0xbe: {  	s30 =	sld [smem:$0x0];
	_ =	sdelay $0x2  }
0xbf: {  	s31 =	sshll.u32 s1, $0xD;
	s1 =	sshrl.u32 s1, $0x2  }
0xc0: {  	s3 =	sand.u32 $0x4000, s31;
	s1 =	sadd.s32 s1, s30  }
0xc1: {  	s0 =	sor.u32 s3, s0;
	s1 =	sshll.u32 s1, $0x11  }
0xc2: {  	s0 =	sor.u32 s1, s0  }
0xc3: {  	s0 =	sadd.s32 $0x8F2B, s0  }
0xc4: {  	[sflag:s0] =	ssyncadd.remote.s32 $0x1  }
0xc5: {  	_ =	sfence.sel $0xFFFF  }
0xc6: {  	[dreg:$0x0] =	wrdreg $0xFFFFFFFF;
	(pc) =	sbr.abs _section_cstart, $3  }
0xc7: {  	[dreg:$0x1] =	wrdreg $0xFFFFFFFF  }
0xc8: {  	_ =	task.clear_ibuf [dreg:s7], $0x2FFFF;
	_ =	strace $0x9FFFFFFF  }
0xc9: {  	(tm) =	ssettm $0x7FFFFFFF  }
tec
execute0_lowered:
.L_overlay_start_1:
0x0: {  	(tag) =	ssettag $0x1  }
0x1: {  	s5 =	rddreg [dreg:$0x0]  }
0x2: {  	s0 =	srdreg.scid;
	s2 =	rddreg [dreg:$0x1]  }
0x3: {  	s9 =	stileid.u32;
	s3 =	rddreg [dreg:$0x2]  }
0x4: {  	s4 =	simm.s32 $0x0;
	s12 =	simm.s32 $0x2710;
	s14 =	simm.s32 $0x6  }
0x5: {  	s15 =	simm.s32 $0x7;
	s16 =	simm.s32 $0x50;
	s17 =	simm.s32 $0x4E20  }
0x6: {  	s18 =	simm.s32 $0x6220;
	s20 =	simm.s32 $0x7620;
	s21 =	simm.s32 $0x8  }
0x7: {  	s23 =	simm.s32 $0x8A20;
	s24 =	simm.s32 $0x1;
	s28 =	simm.s32 $0x2  }
0x8: {  	s31 =	simm.s32 $0x3;
	s19 =	simm.s32 $0x4;
	s29 =	simm.s32 $0x5  }
0x9: {  	s22 =	simm.s32 $0xB;
	s0 =	sand.u32 $0x1, s0;
	s7 =	smul.u32 $0x9C40, s9  }
0xa: {  	[smem:$0x7FF] =	sst s4;
	s1 =	sshll.u32 s0, $0x4;
	s6 =	smul.u32 $0x9C400, s0  }
0xb: {  	_ =	strace $0x8000004A;
	s0 =	ssub.s32 $0x2, s0;
	s1 =	sor.u32 s9, s1  }
0xc: {  	s8 =	sshrl.u32 s7, $0x3;
	s25 =	sshrl.u32 s0, $0x1;
	s30 =	sadd.s32 s7, s3  }
0xd: {  	s1 =	smul.u32 $0x4E2, s1;
	s6 =	sadd.s32 s7, s6;
	s8 =	sadd.s32 s8, s5  }
0xe: {  	s0 =	ssub.s32 s0, s25;
	s13 =	sshrl.u32 s30, $0x3;
	s25 =	simm.s32 $0x0  }
0xf: {  	s6 =	sshrl.u32 s6, $0x3;
	s7 =	sadd.s32 $0x16E00, s8;
	s8 =	sshll.u32 s9, $0x6  }
0x10: {  	s11 =	smax.u32 s0, $0x1;
	s0 =	simm.s32 $0xA;
	s1 =	sadd.s32 s1, s5  }
0x11: {  	s5 =	sadd.s32 s6, s5;
	s9 =	sor.u32 $0x1C08, s8;
	s26 =	sadd.s32 $0xD000, s1  }
0x12: {  	s1 =	sadd.s32 $0x3200, s1;
	s10 =	sadd.s32 $0x2A800, s5;
	[dreg:$0x4] =	wrdreg s26  }
0x13: {  	[dreg:$0x5] =	wrdreg s1;
	s26 =	simm.s32 $0x9E20;
	s1 =	simm.s32 $0x9  }
.LBB2_1:
0x14: {  	s5 =	rddreg [dreg:$0x4]  }
0x15: {  	[tilespmem:s4], [sflag:$0x6] =	stream.linear.gather [hbm4b:s5+s4], $0x2710, $0x38;
	[tilespmem:$0x14E60] =	vst v63  }
0x16: {  	s6 =	rddreg [dreg:$0x5]  }
0x17: {  	[tilespmem:s12], [sflag:$0x7] =	stream.linear.gather [hbm4b:s6+s4], $0x2710, $0x38;
	[tilespmem:$0x14E60] =	vst v63  }
0x18: {  	[spmem:s13], [sflag:s9] =	dma.local [hbm:s7], $0x1388  }
0x19: {  	_ =	swait.ge [sflag:s14], $0x2710  }
0x1a: {  	[sflag:s14] =	ssyncset.done $0x0  }
0x1b: {  	[sflag:s14] =	ssyncadd.s32 $0xFFFFD8F0  }
0x1c: {  	_ =	swait.ge [sflag:s15], $0x2710  }
0x1d: {  	[sflag:s15] =	ssyncset.done $0x0  }
0x1e: {  	[sflag:s15] =	ssyncadd.s32 $0xFFFFD8F0  }
0x1f: {  	[tilespmem:s17], [sflag:$0x1] =	stream.indirect.gather [hbm4b:s2+s16], $0x40, s4, s16, $0xb8;
	[tilespmem:$0x14E60] =	vst v63  }
0x20: {  	_ = 	snop  }
0x21: {  	[tilespmem:s18], [sflag:$0x2] =	stream.indirect.gather [hbm4b:s2+s16], $0x40, s16, s16, $0xb8;
	[tilespmem:$0x14E60] =	vst v63  }
0x22: {  	s6 =	simm.s32 $0xA0  }
0x23: {  	[tilespmem:s20], [sflag:$0x3] =	stream.indirect.gather [hbm4b:s2+s16], $0x40, s6, s16, $0xb8;
	[tilespmem:$0x14E60] =	vst v63  }
0x24: {  	_ =	swait.ge [sflag:s21], $0x1388  }
0x25: {  	[sflag:s21] =	ssyncset.done $0x0  }
0x26: {  	[sflag:s21] =	ssyncadd.s32 $0xFFFFEC78  }
0x27: {  	s6 =	simm.s32 $0xF0;
	[bflag:$0x0] =	sbarrier.arrive $0xFFFF  }
0x28: {  	[tilespmem:s23], [sflag:$0x4] =	stream.indirect.gather [hbm4b:s2+s16], $0x40, s6, s16, $0xb8;
	[tilespmem:$0x14E60] =	vst v63  }
0x29: {  	_ =	swait.ge [sflag:s24], $0x1400  }
0x2a: {  	[sflag:s24] =	ssyncset.done $0x0  }
0x2b: {  	[sflag:s24] =	ssyncadd.s32 $0xFFFFEC00  }
0x2c: {  	[spmem:s3] =	stream.indirect.scatter.add.f32 [tilespmem:s17], [sflag:$0x6], $0x40, s12, s16, $0xb8;
	[tilespmem:$0x14E60] =	vst v63  }
0x2d: {  	s6 =	simm.s32 $0x140  }
0x2e: {  	[tilespmem:s26], [sflag:$0x5] =	stream.indirect.gather [hbm4b:s2+s16], $0x40, s6, s16, $0xb8;
	[tilespmem:$0x14E60] =	vst v63  }
0x2f: {  	_ =	swait.ge [sflag:s28], $0x1400  }
0x30: {  	[sflag:s28] =	ssyncset.done $0x0  }
0x31: {  	s6 =	simm.s32 $0x2760;
	[sflag:s28] =	ssyncadd.s32 $0xFFFFEC00  }
0x32: {  	[spmem:s3] =	stream.indirect.scatter.add.f32 [tilespmem:s18], [sflag:$0x7], $0x40, s6, s16, $0xb8;
	[tilespmem:$0x14E60] =	vst v63  }
0x33: {  	_ =	swait.ge [sflag:s14], $0x1400  }
0x34: {  	[sflag:s14] =	ssyncset.done $0x0  }
0x35: {  	s6 =	simm.s32 $0x190;
	[sflag:s14] =	ssyncadd.s32 $0xFFFFEC00  }
0x36: {  	[tilespmem:s17], [sflag:$0x1] =	stream.indirect.gather [hbm4b:s2+s16], $0x40, s6, s16, $0xb8;
	[tilespmem:$0x14E60] =	vst v63  }
0x37: {  	_ =	swait.ge [sflag:s31], $0x1400  }
0x38: {  	[sflag:s31] =	ssyncset.done $0x0  }
0x39: {  	s6 =	simm.s32 $0x27B0;
	[sflag:s31] =	ssyncadd.s32 $0xFFFFEC00  }
0x3a: {  	[spmem:s3] =	stream.indirect.scatter.add.f32 [tilespmem:s20], [sflag:$0x8], $0x40, s6, s16, $0xb8;
	[tilespmem:$0x14E60] =	vst v63  }
0x3b: {  	_ =	swait.ge [sflag:s15], $0x1400  }
0x3c: {  	[sflag:s15] =	ssyncset.done $0x0  }
0x3d: {  	s6 =	simm.s32 $0x1E0;
	[sflag:s15] =	ssyncadd.s32 $0xFFFFEC00  }
0x3e: {  	[tilespmem:s18], [sflag:$0x2] =	stream.indirect.gather [hbm4b:s2+s16], $0x40, s6, s16, $0xb8;
	[tilespmem:$0x14E60] =	vst v63  }
0x3f: {  	_ =	swait.ge [sflag:s19], $0x1400  }
0x40: {  	[sflag:s19] =	ssyncset.done $0x0  }
0x41: {  	s6 =	simm.s32 $0x2800;
	[sflag:s19] =	ssyncadd.s32 $0xFFFFEC00  }
0x42: {  	[spmem:s3] =	stream.indirect.scatter.add.f32 [tilespmem:s23], [sflag:$0x9], $0x40, s6, s16, $0xb8;
	[tilespmem:$0x14E60] =	vst v63  }
0x43: {  	_ =	swait.ge [sflag:s21], $0x1400  }
0x44: {  	[sflag:s21] =	ssyncset.done $0x0  }
0x45: {  	s6 =	simm.s32 $0x230;
	[sflag:s21] =	ssyncadd.s32 $0xFFFFEC00  }
0x46: {  	[tilespmem:s20], [sflag:$0x3] =	stream.indirect.gather [hbm4b:s2+s16], $0x40, s6, s16, $0xb8;
	[tilespmem:$0x14E60] =	vst v63  }
0x47: {  	_ =	swait.ge [sflag:s29], $0x1400  }
0x48: {  	[sflag:s29] =	ssyncset.done $0x0  }
0x49: {  	s6 =	simm.s32 $0x2850;
	[sflag:s29] =	ssyncadd.s32 $0xFFFFEC00  }
0x4a: {  	[spmem:s3] =	stream.indirect.scatter.add.f32 [tilespmem:s26], [sflag:$0xA], $0x40, s6, s16, $0xb8;
	[tilespmem:$0x14E60] =	vst v63  }
0x4b: {  	_ =	swait.ge [sflag:s1], $0x1400  }
0x4c: {  	[sflag:s1] =	ssyncset.done $0x0  }
0x4d: {  	s6 =	simm.s32 $0x280;
	[sflag:s1] =	ssyncadd.s32 $0xFFFFEC00  }
0x4e: {  	[tilespmem:s23], [sflag:$0x4] =	stream.indirect.gather [hbm4b:s2+s16], $0x40, s6, s16, $0xb8;
	[tilespmem:$0x14E60] =	vst v63  }
0x4f: {  	_ =	swait.ge [sflag:s24], $0x1400  }
0x50: {  	[sflag:s24] =	ssyncset.done $0x0  }
0x51: {  	s6 =	simm.s32 $0x28A0;
	[sflag:s24] =	ssyncadd.s32 $0xFFFFEC00  }
0x52: {  	[spmem:s3] =	stream.indirect.scatter.add.f32 [tilespmem:s17], [sflag:$0x6], $0x40, s6, s16, $0xb8;
	[tilespmem:$0x14E60] =	vst v63  }
0x53: {  	_ =	swait.ge [sflag:s0], $0x1400  }
0x54: {  	[sflag:s0] =	ssyncset.done $0x0  }
0x55: {  	s6 =	simm.s32 $0x2D0;
	[sflag:s0] =	ssyncadd.s32 $0xFFFFEC00  }
0x56: {  	[tilespmem:s26], [sflag:$0x5] =	stream.indirect.gather [hbm4b:s2+s16], $0x40, s6, s16, $0xb8;
	[tilespmem:$0x14E60] =	vst v63  }
0x57: {  	_ =	swait.ge [sflag:s28], $0x1400  }
0x58: {  	[sflag:s28] =	ssyncset.done $0x0  }
0x59: {  	s6 =	simm.s32 $0x28F0;
	[sflag:s28] =	ssyncadd.s32 $0xFFFFEC00  }
0x5a: {  	[spmem:s3] =	stream.indirect.scatter.add.f32 [tilespmem:s18], [sflag:$0x7], $0x40, s6, s16, $0xb8;
	[tilespmem:$0x14E60] =	vst v63  }
0x5b: {  	_ =	swait.ge [sflag:s14], $0x1400  }
0x5c: {  	[sflag:s14] =	ssyncset.done $0x0  }
0x5d: {  	s6 =	simm.s32 $0x320;
	[sflag:s14] =	ssyncadd.s32 $0xFFFFEC00  }
0x5e: {  	[tilespmem:s17], [sflag:$0x1] =	stream.indirect.gather [hbm4b:s2+s16], $0x40, s6, s16, $0xb8;
	[tilespmem:$0x14E60] =	vst v63  }
0x5f: {  	_ =	swait.ge [sflag:s31], $0x1400  }
0x60: {  	[sflag:s31] =	ssyncset.done $0x0  }
0x61: {  	s6 =	simm.s32 $0x2940;
	[sflag:s31] =	ssyncadd.s32 $0xFFFFEC00  }
0x62: {  	[spmem:s3] =	stream.indirect.scatter.add.f32 [tilespmem:s20], [sflag:$0x8], $0x40, s6, s16, $0xb8;
	[tilespmem:$0x14E60] =	vst v63  }
0x63: {  	_ =	swait.ge [sflag:s15], $0x1400  }
0x64: {  	[sflag:s15] =	ssyncset.done $0x0  }
0x65: {  	s6 =	simm.s32 $0x370;
	[sflag:s15] =	ssyncadd.s32 $0xFFFFEC00  }
0x66: {  	[tilespmem:s18], [sflag:$0x2] =	stream.indirect.gather [hbm4b:s2+s16], $0x40, s6, s16, $0xb8;
	[tilespmem:$0x14E60] =	vst v63  }
0x67: {  	_ =	swait.ge [sflag:s19], $0x1400  }
0x68: {  	[sflag:s19] =	ssyncset.done $0x0  }
0x69: {  	s6 =	simm.s32 $0x2990;
	[sflag:s19] =	ssyncadd.s32 $0xFFFFEC00  }
0x6a: {  	[spmem:s3] =	stream.indirect.scatter.add.f32 [tilespmem:s23], [sflag:$0x9], $0x40, s6, s16, $0xb8;
	[tilespmem:$0x14E60] =	vst v63  }
0x6b: {  	_ =	swait.ge [sflag:s21], $0x1400  }
0x6c: {  	[sflag:s21] =	ssyncset.done $0x0  }
0x6d: {  	s6 =	simm.s32 $0x3C0;
	[sflag:s21] =	ssyncadd.s32 $0xFFFFEC00  }
0x6e: {  	[tilespmem:s20], [sflag:$0x3] =	stream.indirect.gather [hbm4b:s2+s16], $0x40, s6, s16, $0xb8;
	[tilespmem:$0x14E60] =	vst v63  }
0x6f: {  	_ =	swait.ge [sflag:s29], $0x1400  }
0x70: {  	[sflag:s29] =	ssyncset.done $0x0  }
0x71: {  	s30 =	simm.s32 $0x640;
	s5 =	simm.s32 $0x29E0;
	[sflag:s29] =	ssyncadd.s32 $0xFFFFEC00  }
.LBB2_2:
0x72: {  	[spmem:s3] =	stream.indirect.scatter.add.f32 [tilespmem:s26], [sflag:$0xA], $0x40, s5, s16, $0xb8;
	[tilespmem:$0x14E60] =	vst v63  }
0x73: {  	s5 =	smov.u32 s30;
	s30 =	sadd.s32 $0x640, s30;
	_ =	swait.ge [sflag:s1], $0x1400  }
0x74: {  	s5 =	sshra.s32 s5, $0x2;
	p0 =	sne.s32 s30, $0x8FC0;
	[sflag:s1] =	ssyncset.done $0x0  }
0x75: {  	s6 =	sadd.s32 $0x280, s5;
	[sflag:s1] =	ssyncadd.s32 $0xFFFFEC00  }
0x76: {  	[tilespmem:s23], [sflag:$0x4] =	stream.indirect.gather [hbm4b:s2+s16], $0x40, s6, s16, $0xb8;
	[tilespmem:$0x14E60] =	vst v63  }
0x77: {  	_ =	swait.ge [sflag:s24], $0x1400  }
0x78: {  	[sflag:s24] =	ssyncset.done $0x0  }
0x79: {  	s6 =	sadd.s32 $0x28A0, s5;
	[sflag:s24] =	ssyncadd.s32 $0xFFFFEC00  }
0x7a: {  	[spmem:s3] =	stream.indirect.scatter.add.f32 [tilespmem:s17], [sflag:$0x6], $0x40, s6, s16, $0xb8;
	[tilespmem:$0x14E60] =	vst v63  }
0x7b: {  	_ =	swait.ge [sflag:s0], $0x1400  }
0x7c: {  	[sflag:s0] =	ssyncset.done $0x0  }
0x7d: {  	s6 =	sadd.s32 $0x2D0, s5;
	[sflag:s0] =	ssyncadd.s32 $0xFFFFEC00  }
0x7e: {  	[tilespmem:s26], [sflag:$0x5] =	stream.indirect.gather [hbm4b:s2+s16], $0x40, s6, s16, $0xb8;
	[tilespmem:$0x14E60] =	vst v63  }
0x7f: {  	_ =	swait.ge [sflag:s28], $0x1400  }
0x80: {  	[sflag:s28] =	ssyncset.done $0x0  }
0x81: {  	s6 =	sadd.s32 $0x28F0, s5;
	[sflag:s28] =	ssyncadd.s32 $0xFFFFEC00  }
0x82: {  	[spmem:s3] =	stream.indirect.scatter.add.f32 [tilespmem:s18], [sflag:$0x7], $0x40, s6, s16, $0xb8;
	[tilespmem:$0x14E60] =	vst v63  }
0x83: {  	_ =	swait.ge [sflag:s14], $0x1400  }
0x84: {  	[sflag:s14] =	ssyncset.done $0x0  }
0x85: {  	s6 =	sadd.s32 $0x320, s5;
	[sflag:s14] =	ssyncadd.s32 $0xFFFFEC00  }
0x86: {  	[tilespmem:s17], [sflag:$0x1] =	stream.indirect.gather [hbm4b:s2+s16], $0x40, s6, s16, $0xb8;
	[tilespmem:$0x14E60] =	vst v63  }
0x87: {  	_ =	swait.ge [sflag:s31], $0x1400  }
0x88: {  	[sflag:s31] =	ssyncset.done $0x0  }
0x89: {  	s6 =	sadd.s32 $0x2940, s5;
	[sflag:s31] =	ssyncadd.s32 $0xFFFFEC00  }
0x8a: {  	[spmem:s3] =	stream.indirect.scatter.add.f32 [tilespmem:s20], [sflag:$0x8], $0x40, s6, s16, $0xb8;
	[tilespmem:$0x14E60] =	vst v63  }
0x8b: {  	_ =	swait.ge [sflag:s15], $0x1400  }
0x8c: {  	[sflag:s15] =	ssyncset.done $0x0  }
0x8d: {  	s6 =	sadd.s32 $0x370, s5;
	[sflag:s15] =	ssyncadd.s32 $0xFFFFEC00  }
0x8e: {  	[tilespmem:s18], [sflag:$0x2] =	stream.indirect.gather [hbm4b:s2+s16], $0x40, s6, s16, $0xb8;
	[tilespmem:$0x14E60] =	vst v63  }
0x8f: {  	_ =	swait.ge [sflag:s19], $0x1400  }
0x90: {  	[sflag:s19] =	ssyncset.done $0x0  }
0x91: {  	s6 =	sadd.s32 $0x2990, s5;
	[sflag:s19] =	ssyncadd.s32 $0xFFFFEC00  }
0x92: {  	[spmem:s3] =	stream.indirect.scatter.add.f32 [tilespmem:s23], [sflag:$0x9], $0x40, s6, s16, $0xb8;
	[tilespmem:$0x14E60] =	vst v63  }
0x93: {  	_ =	swait.ge [sflag:s21], $0x1400  }
0x94: {  	[sflag:s21] =	ssyncset.done $0x0  }
.Ltmp0:
0x95: {  	s6 =	sadd.s32 $0x3C0, s5;
	[sflag:s21] =	ssyncadd.s32 $0xFFFFEC00;
	(pc) =	sbr.rel @p0 .LBB2_2-.Ltmp0, $4  }
0x96: {  	[tilespmem:s20], [sflag:$0x3] =	stream.indirect.gather [hbm4b:s2+s16], $0x40, s6, s16, $0xb8;
	[tilespmem:$0x14E60] =	vst v63  }
0x97: {  	_ =	swait.ge [sflag:s29], $0x1400  }
0x98: {  	[sflag:s29] =	ssyncset.done $0x0  }
0x99: {  	s5 =	sadd.s32 $0x29E0, s5;
	[sflag:s29] =	ssyncadd.s32 $0xFFFFEC00  }
0x9a: {  	[spmem:s3] =	stream.indirect.scatter.add.f32 [tilespmem:s26], [sflag:$0xA], $0x40, s5, s16, $0xb8;
	[tilespmem:$0x14E60] =	vst v63  }
0x9b: {  	_ =	swait.ge [sflag:s1], $0x1400  }
0x9c: {  	s5 =	sshra.s32 s30, $0x2;
	[sflag:s1] =	ssyncset.done $0x0  }
0x9d: {  	s6 =	sadd.s32 $0x280, s5;
	[sflag:s1] =	ssyncadd.s32 $0xFFFFEC00  }
0x9e: {  	[tilespmem:s23], [sflag:$0x4] =	stream.indirect.gather [hbm4b:s2+s16], $0x40, s6, s16, $0xb8;
	[tilespmem:$0x14E60] =	vst v63  }
0x9f: {  	_ =	swait.ge [sflag:s24], $0x1400  }
0xa0: {  	[sflag:s24] =	ssyncset.done $0x0  }
0xa1: {  	s30 =	sadd.s32 $0x28A0, s5;
	[sflag:s24] =	ssyncadd.s32 $0xFFFFEC00  }
0xa2: {  	[spmem:s3] =	stream.indirect.scatter.add.f32 [tilespmem:s17], [sflag:$0x6], $0x40, s30, s16, $0xb8;
	[tilespmem:$0x14E60] =	vst v63  }
0xa3: {  	_ =	swait.ge [sflag:s0], $0x1400  }
0xa4: {  	[sflag:s0] =	ssyncset.done $0x0  }
0xa5: {  	s30 =	sadd.s32 $0x2D0, s5;
	[sflag:s0] =	ssyncadd.s32 $0xFFFFEC00  }
0xa6: {  	[tilespmem:s26], [sflag:$0x5] =	stream.indirect.gather [hbm4b:s2+s16], $0x40, s30, s16, $0xb8;
	[tilespmem:$0x14E60] =	vst v63  }
0xa7: {  	_ =	swait.ge [sflag:s28], $0x1400  }
0xa8: {  	[sflag:s28] =	ssyncset.done $0x0  }
0xa9: {  	s30 =	sadd.s32 $0x28F0, s5;
	[sflag:s28] =	ssyncadd.s32 $0xFFFFEC00  }
0xaa: {  	[spmem:s3] =	stream.indirect.scatter.add.f32 [tilespmem:s18], [sflag:$0x7], $0x40, s30, s16, $0xb8;
	[tilespmem:$0x14E60] =	vst v63  }
0xab: {  	_ =	swait.ge [sflag:s14], $0x1400  }
0xac: {  	[sflag:s14] =	ssyncset.done $0x0  }
0xad: {  	[sflag:s14] =	ssyncadd.s32 $0xFFFFEC00  }
0xae: {  	_ =	swait.ge [sflag:s31], $0x1400  }
0xaf: {  	[sflag:s31] =	ssyncset.done $0x0  }
0xb0: {  	s30 =	sadd.s32 $0x2940, s5;
	[sflag:s31] =	ssyncadd.s32 $0xFFFFEC00  }
0xb1: {  	[spmem:s3] =	stream.indirect.scatter.add.f32 [tilespmem:s20], [sflag:$0x8], $0x40, s30, s16, $0xb8;
	[tilespmem:$0x14E60] =	vst v63  }
0xb2: {  	_ =	swait.ge [sflag:s15], $0x1400  }
0xb3: {  	[sflag:s15] =	ssyncset.done $0x0  }
0xb4: {  	[sflag:s15] =	ssyncadd.s32 $0xFFFFEC00  }
0xb5: {  	_ =	swait.ge [sflag:s19], $0x1400  }
0xb6: {  	[sflag:s19] =	ssyncset.done $0x0  }
0xb7: {  	s30 =	sadd.s32 $0x2990, s5;
	[sflag:s19] =	ssyncadd.s32 $0xFFFFEC00  }
0xb8: {  	[spmem:s3] =	stream.indirect.scatter.add.f32 [tilespmem:s23], [sflag:$0x9], $0x40, s30, s16, $0xb8;
	[tilespmem:$0x14E60] =	vst v63  }
0xb9: {  	_ =	swait.ge [sflag:s21], $0x1400  }
0xba: {  	[sflag:s21] =	ssyncset.done $0x0  }
0xbb: {  	[sflag:s21] =	ssyncadd.s32 $0xFFFFEC00  }
0xbc: {  	_ =	swait.ge [sflag:s29], $0x1400  }
0xbd: {  	[sflag:s29] =	ssyncset.done $0x0  }
0xbe: {  	s5 =	sadd.s32 $0x29E0, s5;
	[sflag:s29] =	ssyncadd.s32 $0xFFFFEC00  }
0xbf: {  	[spmem:s3] =	stream.indirect.scatter.add.f32 [tilespmem:s26], [sflag:$0xA], $0x40, s5, s16, $0xb8;
	[tilespmem:$0x14E60] =	vst v63  }
0xc0: {  	_ =	swait.ge [sflag:s1], $0x1400  }
0xc1: {  	[sflag:s1] =	ssyncset.done $0x0  }
0xc2: {  	[sflag:s1] =	ssyncadd.s32 $0xFFFFEC00  }
0xc3: {  	_ =	swait.ge [sflag:s0], $0x1400  }
0xc4: {  	s25 =	sadd.s32 $0x1, s25;
	[sflag:s0] =	ssyncset.done $0x0  }
0xc5: {  	p0 =	sne.s32 s25, s11;
	[sflag:s0] =	ssyncadd.s32 $0xFFFFEC00  }
.Ltmp1:
0xc6: {  	s30 =	sor.u32 $0x1C0B, s8;
	[bflag:$0x0] =	sbarrier.arrive $0xFFFF;
	(pc) =	sbr.rel @p0 .LBB2_1-.Ltmp1, $4  }
0xc7: {  	[hbm:s10], [sflag:s30] =	dma.local [spmem:s13], $0x1388  }
0xc8: {  	_ =	swait.ge [sflag:s22], $0x1388  }
0xc9: {  	[sflag:s22] =	ssyncset.done $0x0  }
0xca: {  	[sflag:s22] =	ssyncadd.s32 $0xFFFFEC78  }
0xcb: {  	_ =	sfence.sel $0x180000  }
0xcc: {  	[bflag:$0x0] =	sbarrier.arrive $0xFFFF  }
0xcd: {  	_ =	strace $0x9000004A  }
0xce: {  	s0 =	stileid.u32;
	[bflag:$0x2] =	sbarrier.arrive $0xFFFF  }
0xcf: {  	p0 =	sne.s32 s0, $0x0;
	s0 =	rddreg [dreg:$0x3]  }
0xd0: {  	s0 =	sadd.s32 @!p0 $0x100000, s0  }
0xd1: {  	[sflag:s0] =	ssyncadd.tile.s32 @!p0 $0x1;
	_ =	shalt  }
.Lfunc_end2:
_tile_overlayer_lowered:
.L_overlay_start_2:
0xd2: {  	(tag) =	ssettag $0x2  }
0xd3: {  	s0 =	rddreg [dreg:$0x0];
	s2 =	stileid.u32  }
0xd4: {  	s1 =	rddreg [dreg:$0x1];
	p0 =	sne.s32 s2, $0x0  }
0xd5: {  	s3 =	rddreg [dreg:$0x2];
	[bflag:$0x3] =	sbarrier.arrive $0xFFFF;
	s2 =	simm.s32 @!p0 $0x1C0B  }
0xd6: {  	[timem:s3], [sflag:s2] =	dma.local @!p0 [hbm:s0], s1  }
0xd7: {  	s0 =	simm.s32 @!p0 $0xB  }
0xd8: {  	_ =	swait.ge @!p0 [sflag:s0], s1  }
0xd9: {  	s1 =	ssub.s32 @!p0 $0x0, s1;
	[sflag:s0] =	ssyncset.done @!p0 $0x0  }
0xda: {  	[sflag:s0] =	ssyncadd.s32 @!p0 s1  }
0xdb: {  	[bflag:$0x3] =	sbarrier.arrive $0xFFFF  }
0xdc: {  	_ =	shalt  }

// kernel: kernel.15.cloned.1.call-start
scs
__scs_entry_jumppad:
0x0: {  	(pc) =	sbr.rel $0x88, $3  }
0x1: {  	(tag) =	ssettag $0x0;
	lr =	simm.s32 $0x1  }
0x2: {  	[smem:$0x3F96] =	sst lr;
	_ =	strace $0xD0000000  }
0x3: {  	_ = 	snop  }
0x4: {  	_ = 	snop  }
0x5: {  	_ = 	snop  }
0x6: {  	_ = 	snop  }
0x7: {  	_ = 	snop  }
__scs_overlays_trampoline_lowered:
0x8: {  	[smem:$0x3FA5] =	sst s0  }
0x9: {  	[smem:$0x3FA6] =	sst s1  }
0xa: {  	[smem:$0x3FA7] =	sst s2  }
0xb: {  	[smem:$0x3FA8] =	sst s3  }
0xc: {  	[smem:$0x3FA9] =	sst s4  }
0xd: {  	[smem:$0x3FAA] =	sst s5  }
0xe: {  	[smem:$0x3FAB] =	sst s6  }
0xf: {  	[smem:$0x3FAC] =	sst s7  }
0x10: {  	[smem:$0x3FAD] =	sst s8  }
0x11: {  	[smem:$0x3FAE] =	sst s9;
	s0 =	simm.s32 @!p0 $0x0  }
0x12: {  	s1 =	sld [smem:$0x3F94];
	s0 =	simm.s32 @p0 $0x1  }
0x13: {  	[smem:$0x3FAF] =	sst s0;
	s0 =	simm.s32 @!p1 $0x0  }
0x14: {  	s2 =	sld [smem:$0x3F93];
	s0 =	simm.s32 @p1 $0x1  }
0x15: {  	[smem:$0x3FB0] =	sst s0;
	s0 =	simm.s32 @!p2 $0x0  }
0x16: {  	s3 =	sld [smem:$0x3FDB];
	s0 =	simm.s32 @p2 $0x1  }
0x17: {  	s4 =	simm.s32 $0x1BF5;
	[smem:$0x3FB2] =	sst s0  }
0x18: {  	s0 =	sld [smem:$0x3F95];
	_ =	swait.ge [sflag:s4], $0x0  }
0x19: {  	s7 =	sld [smem:$0x3F96]  }
0x1a: {  	s8 =	sadd.s32 $0xFFFFE003, lr  }
0x1b: {  	s9 =	sadd.s32 $0xFFFFFEF7, lr;
	s5 =	simm.s32 $0xFFFFFFFF;
	p2 =	slt.u32 s8, $0xFFFFF086  }
0x1c: {  	p1 =	slt.u32 s9, $0xF7A;
	s5 =	simm.s32 @!p2 $0x0  }
0x1d: {  	s5 =	simm.s32 @p1 $0x1;
	p0 =	seq.s32 s7, s2  }
0x1e: {  	s7 =	smul.u32 @!p0 $0xF7A, s2;
	p2 =	seq.s32 @!p0 s5, $0x0  }
0x1f: {  	s9 =	smul.u32 $0xF7A, s1;
	s8 =	simm.s32 @!p0 $0x1BF5;
	p2 =	por !p2, p0  }
0x20: {  	[sflag:s8] =	ssyncset.s32 @!p0 $0xFFFFF086;
	s6 =	sadd.s32 @!p0 s3, s7;
	s7 =	simm.s32 @!p0 $0x108  }
0x21: {  	s3 =	sadd.s32 s3, s9;
	s6 =	sadd.s32 @!p0 $0x88, s6;
	s7 =	simm.s32 @p2 $0x1082  }
0x22: {  	[simem:s7], [sflag:s8] =	dma.local @!p0 [hbm:s6], $0xF7A  }
0x23: {  	s9 =	sor.u32 $0xD0000000, s2;
	s6 =	simm.s32 $0x108;
	_ =	swait.ge @!p0 [sflag:s8], $0x0  }
0x24: {  	s3 =	sadd.s32 $0x88, s3;
	s6 =	simm.s32 @!p1 $0x1082;
	[sflag:s4] =	ssyncset.s32 $0xFFFFF086  }
0x25: {  	[simem:s6], [sflag:s4] =	dma.local [hbm:s3], $0xF7A  }
0x26: {  	[smem:$0x3F96] =	sst s1;
	(tag) =	ssettag s2;
	_ =	strace s9  }
0x27: {  	s1 =	sld [smem:$0x3FA6]  }
0x28: {  	s2 =	sld [smem:$0x3FA7]  }
0x29: {  	s4 =	sld [smem:$0x3FA9]  }
0x2a: {  	p0 =	seq.s32 s5, $0x0;
	s5 =	sld [smem:$0x3FAA]  }
0x2b: {  	s6 =	sld [smem:$0x3FAB]  }
0x2c: {  	s7 =	sld [smem:$0x3FAC]  }
0x2d: {  	s3 =	simm.s32 $0x108;
	s8 =	sld [smem:$0x3FAD]  }
0x2e: {  	s3 =	simm.s32 @!p0 $0x1082;
	s9 =	sld [smem:$0x3FAE]  }
0x2f: {  	lr =	sadd.s32 s0, s3;
	s0 =	sld [smem:$0x3FA5]  }
0x30: {  	s3 =	sld [smem:$0x3FA8]  }
0x31: {  	[smem:$0x3FB1] =	sst s10  }
0x32: {  	s10 =	sld [smem:$0x3FAF];
	_ =	sdelay $0x3  }
0x33: {  	p0 =	seq.s32 s10, $0x1;
	s10 =	sld [smem:$0x3FB1];
	_ =	sdelay $0x3  }
0x34: {  	[smem:$0x3FB1] =	sst s10  }
0x35: {  	s10 =	sld [smem:$0x3FB0];
	_ =	sdelay $0x3  }
0x36: {  	p1 =	seq.s32 s10, $0x1;
	s10 =	sld [smem:$0x3FB1];
	_ =	sdelay $0x3  }
0x37: {  	[smem:$0x3FB1] =	sst s10  }
0x38: {  	s10 =	sld [smem:$0x3FB2]  }
0x39: {  	_ = 	snop;
	(pc) =	sbr.ind lr, $3  }
0x3a: {  	_ = 	snop  }
0x3b: {  	_ = 	snop  }
0x3c: {  	p2 =	seq.s32 s10, $0x1;
	s10 =	sld [smem:$0x3FB1]  }
0x3d: {  	_ =	shalt  }
0x3e: {  	_ =	shalt  }
0x3f: {  	_ =	shalt  }
0x40: {  	_ =	shalt  }
0x41: {  	_ =	shalt  }
0x42: {  	_ =	shalt  }
0x43: {  	_ =	shalt  }
0x44: {  	_ =	shalt  }
0x45: {  	_ =	shalt  }
0x46: {  	_ =	shalt  }
0x47: {  	_ =	shalt  }
0x48: {  	_ =	shalt  }
0x49: {  	_ =	shalt  }
0x4a: {  	_ =	shalt  }
0x4b: {  	_ =	shalt  }
0x4c: {  	_ =	shalt  }
0x4d: {  	_ =	shalt  }
0x4e: {  	_ =	shalt  }
0x4f: {  	_ =	shalt  }
0x50: {  	_ =	shalt  }
0x51: {  	_ =	shalt  }
0x52: {  	_ =	shalt  }
0x53: {  	_ =	shalt  }
0x54: {  	_ =	shalt  }
0x55: {  	_ =	shalt  }
0x56: {  	_ =	shalt  }
0x57: {  	_ =	shalt  }
0x58: {  	_ =	shalt  }
0x59: {  	_ =	shalt  }
0x5a: {  	_ =	shalt  }
0x5b: {  	_ =	shalt  }
0x5c: {  	_ =	shalt  }
0x5d: {  	_ =	shalt  }
0x5e: {  	_ =	shalt  }
0x5f: {  	_ =	shalt  }
0x60: {  	_ =	shalt  }
0x61: {  	_ =	shalt  }
0x62: {  	_ =	shalt  }
0x63: {  	_ =	shalt  }
0x64: {  	_ =	shalt  }
0x65: {  	_ =	shalt  }
0x66: {  	_ =	shalt  }
0x67: {  	_ =	shalt  }
0x68: {  	_ =	shalt  }
0x69: {  	_ =	shalt  }
0x6a: {  	_ =	shalt  }
0x6b: {  	_ =	shalt  }
0x6c: {  	_ =	shalt  }
0x6d: {  	_ =	shalt  }
0x6e: {  	_ =	shalt  }
0x6f: {  	_ =	shalt  }
0x70: {  	_ =	shalt  }
0x71: {  	_ =	shalt  }
0x72: {  	_ =	shalt  }
0x73: {  	_ =	shalt  }
0x74: {  	_ =	shalt  }
0x75: {  	_ =	shalt  }
0x76: {  	_ =	shalt  }
0x77: {  	_ =	shalt  }
0x78: {  	_ =	shalt  }
0x79: {  	_ =	shalt  }
0x7a: {  	_ =	shalt  }
0x7b: {  	_ =	shalt  }
0x7c: {  	_ =	shalt  }
0x7d: {  	_ =	shalt  }
0x7e: {  	_ =	shalt  }
0x7f: {  	_ =	shalt  }
0x80: {  	_ =	shalt  }
0x81: {  	_ =	shalt  }
0x82: {  	_ =	shalt  }
0x83: {  	_ =	shalt  }
0x84: {  	_ =	shalt  }
0x85: {  	_ =	shalt  }
0x86: {  	_ =	shalt  }
0x87: {  	_ =	shalt  }
.Lfunc_end0:
.L_simem_size_0:
called_computation.2_lowered:
.L_overlay_start_0:
0x88: {  	s2 =	sld [smem:$0x3FD9]  }
0x89: {  	s3 =	sld [smem:$0x3FFE];
	_ =	sdelay $0x1  }
0x8a: {  	s1 =	srdreg.scid  }
0x8b: {  	s0 =	sand.u32 $0x1, s1  }
0x8c: {  	s14 =	sshll.u32 s0, $0xA;
	s2 =	sadd.s32 s3, s2  }
0x8d: {  	s2 =	sadd.s32 s2, s14  }
0x8e: {  	[smem:$0x3FBD] =	sst s2  }
0x8f: {  	_ = 	snop  }
0x90: {  	s2 =	sld [smem:$0x3FD0];
	_ =	sdelay $0x2  }
0x91: {  	s15 =	simm.s32 $0xA;
	s4 =	simm.s32 $0x10  }
0x92: {  	[smem:s4], [sflag:s15] =	dma.local [hbm:s2], $0x1  }
0x93: {  	_ =	swait.eq [sflag:s15], $0x1  }
0x94: {  	[sflag:s15] =	ssyncset.done $0x0  }
0x95: {  	[sflag:s15] =	ssyncadd.s32 $0xFFFFFFFF  }
0x96: {  	s16 =	sld [smem:$0x11];
	(tm) =	ssettm $0x1  }
0x97: {  	s17 =	sld [smem:$0x3FFB];
	_ =	sdelay $0x3  }
0x98: {  	_ =	strace s17  }
0x99: {  	s3 =	sld [smem:$0x3FFC];
	_ =	sdelay $0x3  }
0x9a: {  	_ =	strace s3  }
0x9b: {  	s3 =	sld [smem:$0x3FFD];
	_ =	sdelay $0x3  }
0x9c: {  	_ =	strace s3  }
0x9d: {  	_ =	strace $0x8FFFFFFF  }
0x9e: {  	s18 =	sld [smem:$0x3FDB];
	_ =	sdelay $0x1  }
0x9f: {  	s19 =	simm.s32 $_scs_section_size  }
0xa0: {  	s5 =	simm.s32 $_size__tile_overlayer_lowered;
	s6 =	simm.s32 $_tile_overlayer_lowered  }
0xa1: {  	s22 =	simm.s32 $0x1BFF;
	s21 =	sshll.u32 s6, $0x1;
	s3 =	sadd.s32 s19, s18  }
0xa2: {  	s7 =	simm.s32 $0x0;
	s20 =	sshll.u32 s5, $0x1;
	s5 =	sadd.s32 s21, s3  }
0xa3: {  	[timem:s7], [sflag:s22] =	dma.local [hbm:s5], s20  }
0xa4: {  	_ =	swait.ge [sflag:s22], s20  }
0xa5: {  	s4 =	ssub.s32 $0x0, s20;
	[sflag:s22] =	ssyncset.done $0x0  }
0xa6: {  	[sflag:s22] =	ssyncadd.s32 s4;
	_ =	sdelay $0x1  }
0xa7: {  	s23 =	simm.s32 $0x1B8B  }
0xa8: {  	_ =	swait.ge [sflag:s23], $0x1  }
0xa9: {  	[sflag:s23] =	ssyncset.done $0x0  }
0xaa: {  	s25 =	simm.s32 $0x1B8E;
	s24 =	sld [smem:$0x3FFE];
	[sflag:s23] =	ssyncadd.s32 $0xFFFFFFFF  }
0xab: {  	s26 =	simm.s32 $execute0_lowered;
	[smem:$0x3FD2] =	sst s25  }
0xac: {  	s5 =	sshll.u32 s26, $0x1;
	_ =	strace $0x8000004C;
	[dreg:$0x1] =	wrdreg $0xFFFFFFFF  }
0xad: {  	s28 =	simm.s32 $_size_execute0_lowered;
	s3 =	sadd.s32 s3, s5;
	[dreg:$0x0] =	wrdreg $0x0  }
0xae: {  	s5 =	sshll.u32 s28, $0x1;
	[dreg:$0x2] =	wrdreg s3  }
0xaf: {  	[dreg:$0x3] =	wrdreg s5  }
0xb0: {  	[dreg:$0x4] =	wrdreg $0xC0  }
0xb1: {  	_ =	task [dreg:s7], $0x5FFFF  }
0xb2: {  	[dreg:$0x1] =	wrdreg $0xFFFFFFFF  }
0xb3: {  	[dreg:$0x0] =	wrdreg $0x60  }
0xb4: {  	[dreg:$0x2] =	wrdreg s24  }
0xb5: {  	[dreg:$0x3] =	wrdreg s16  }
0xb6: {  	[dreg:$0x4] =	wrdreg $0xB2200  }
0xb7: {  	[dreg:$0x5] =	wrdreg $0x9  }
0xb8: {  	_ =	task.clear_ibuf [dreg:s7], $0x6FFFF;
	_ =	strace $0x9000004C  }
0xb9: {  	s29 =	simm.s32 $0x9;
	_ =	strace $0x8000004E  }
0xba: {  	_ =	swait.ge [sflag:s29], $0x1  }
0xbb: {  	[sflag:s29] =	ssyncadd.s32 $0xFFFFFFFF  }
0xbc: {  	_ =	strace $0x9000004E  }
0xbd: {  	_ =	sfence  }
0xbe: {  	s30 =	sld [smem:$0x0];
	_ =	sdelay $0x2  }
0xbf: {  	s31 =	sshll.u32 s1, $0xD;
	s1 =	sshrl.u32 s1, $0x2  }
0xc0: {  	s3 =	sand.u32 $0x4000, s31;
	s1 =	sadd.s32 s1, s30  }
0xc1: {  	s0 =	sor.u32 s3, s0;
	s1 =	sshll.u32 s1, $0x11  }
0xc2: {  	s0 =	sor.u32 s1, s0  }
0xc3: {  	s0 =	sadd.s32 $0x8F2B, s0  }
0xc4: {  	[sflag:s0] =	ssyncadd.remote.s32 $0x1  }
0xc5: {  	_ =	sfence.sel $0xFFFF  }
0xc6: {  	[dreg:$0x0] =	wrdreg $0xFFFFFFFF;
	(pc) =	sbr.abs _section_cstart, $3  }
0xc7: {  	[dreg:$0x1] =	wrdreg $0xFFFFFFFF  }
0xc8: {  	_ =	task.clear_ibuf [dreg:s7], $0x2FFFF;
	_ =	strace $0x9FFFFFFF  }
0xc9: {  	(tm) =	ssettm $0x7FFFFFFF  }
tec
execute0_lowered:
.L_overlay_start_1:
0x0: {  	(tag) =	ssettag $0x1  }
0x1: {  	s5 =	rddreg [dreg:$0x0]  }
0x2: {  	s0 =	srdreg.scid;
	s2 =	rddreg [dreg:$0x1]  }
0x3: {  	s9 =	stileid.u32;
	s3 =	rddreg [dreg:$0x2]  }
0x4: {  	s4 =	simm.s32 $0x0;
	s12 =	simm.s32 $0x2710;
	s14 =	simm.s32 $0x6  }
0x5: {  	s15 =	simm.s32 $0x7;
	s16 =	simm.s32 $0x50;
	s17 =	simm.s32 $0x4E20  }
0x6: {  	s18 =	simm.s32 $0x6220;
	s20 =	simm.s32 $0x7620;
	s21 =	simm.s32 $0x8  }
0x7: {  	s23 =	simm.s32 $0x8A20;
	s24 =	simm.s32 $0x1;
	s28 =	simm.s32 $0x2  }
0x8: {  	s31 =	simm.s32 $0x3;
	s19 =	simm.s32 $0x4;
	s29 =	simm.s32 $0x5  }
0x9: {  	s22 =	simm.s32 $0xB;
	s0 =	sand.u32 $0x1, s0;
	s7 =	smul.u32 $0x9C40, s9  }
0xa: {  	[smem:$0x7FF] =	sst s4;
	s1 =	sshll.u32 s0, $0x4;
	s6 =	smul.u32 $0x9C400, s0  }
0xb: {  	_ =	strace $0x8000004D;
	s0 =	ssub.s32 $0x2, s0;
	s1 =	sor.u32 s9, s1  }
0xc: {  	s8 =	sshrl.u32 s7, $0x3;
	s25 =	sshrl.u32 s0, $0x1;
	s30 =	sadd.s32 s7, s3  }
0xd: {  	s1 =	smul.u32 $0x4E2, s1;
	s6 =	sadd.s32 s7, s6;
	s8 =	sadd.s32 s8, s5  }
0xe: {  	s0 =	ssub.s32 s0, s25;
	s13 =	sshrl.u32 s30, $0x3;
	s25 =	simm.s32 $0x0  }
0xf: {  	s6 =	sshrl.u32 s6, $0x3;
	s7 =	sadd.s32 $0x16E00, s8;
	s8 =	sshll.u32 s9, $0x6  }
0x10: {  	s11 =	smax.u32 s0, $0x1;
	s0 =	simm.s32 $0xA;
	s1 =	sadd.s32 s1, s5  }
0x11: {  	s5 =	sadd.s32 s6, s5;
	s9 =	sor.u32 $0x1C08, s8;
	s26 =	sadd.s32 $0xD000, s1  }
0x12: {  	s1 =	sadd.s32 $0x3200, s1;
	s10 =	sadd.s32 $0x2A800, s5;
	[dreg:$0x4] =	wrdreg s26  }
0x13: {  	[dreg:$0x5] =	wrdreg s1;
	s26 =	simm.s32 $0x9E20;
	s1 =	simm.s32 $0x9  }
.LBB2_1:
0x14: {  	s5 =	rddreg [dreg:$0x4]  }
0x15: {  	[tilespmem:s4], [sflag:$0x6] =	stream.linear.gather [hbm4b:s5+s4], $0x2710, $0x38;
	[tilespmem:$0x14E60] =	vst v63  }
0x16: {  	s6 =	rddreg [dreg:$0x5]  }
0x17: {  	[tilespmem:s12], [sflag:$0x7] =	stream.linear.gather [hbm4b:s6+s4], $0x2710, $0x38;
	[tilespmem:$0x14E60] =	vst v63  }
0x18: {  	[spmem:s13], [sflag:s9] =	dma.local [hbm:s7], $0x1388  }
0x19: {  	_ =	swait.ge [sflag:s14], $0x2710  }
0x1a: {  	[sflag:s14] =	ssyncset.done $0x0  }
0x1b: {  	[sflag:s14] =	ssyncadd.s32 $0xFFFFD8F0  }
0x1c: {  	_ =	swait.ge [sflag:s15], $0x2710  }
0x1d: {  	[sflag:s15] =	ssyncset.done $0x0  }
0x1e: {  	[sflag:s15] =	ssyncadd.s32 $0xFFFFD8F0  }
0x1f: {  	[tilespmem:s17], [sflag:$0x1] =	stream.indirect.gather [hbm4b:s2+s16], $0x40, s4, s16, $0xb8;
	[tilespmem:$0x14E60] =	vst v63  }
0x20: {  	_ = 	snop  }
0x21: {  	[tilespmem:s18], [sflag:$0x2] =	stream.indirect.gather [hbm4b:s2+s16], $0x40, s16, s16, $0xb8;
	[tilespmem:$0x14E60] =	vst v63  }
0x22: {  	s6 =	simm.s32 $0xA0  }
0x23: {  	[tilespmem:s20], [sflag:$0x3] =	stream.indirect.gather [hbm4b:s2+s16], $0x40, s6, s16, $0xb8;
	[tilespmem:$0x14E60] =	vst v63  }
0x24: {  	_ =	swait.ge [sflag:s21], $0x1388  }
0x25: {  	[sflag:s21] =	ssyncset.done $0x0  }
0x26: {  	[sflag:s21] =	ssyncadd.s32 $0xFFFFEC78  }
0x27: {  	s6 =	simm.s32 $0xF0;
	[bflag:$0x0] =	sbarrier.arrive $0xFFFF  }
0x28: {  	[tilespmem:s23], [sflag:$0x4] =	stream.indirect.gather [hbm4b:s2+s16], $0x40, s6, s16, $0xb8;
	[tilespmem:$0x14E60] =	vst v63  }
0x29: {  	_ =	swait.ge [sflag:s24], $0x1400  }
0x2a: {  	[sflag:s24] =	ssyncset.done $0x0  }
0x2b: {  	[sflag:s24] =	ssyncadd.s32 $0xFFFFEC00  }
0x2c: {  	[spmem:s3] =	stream.indirect.scatter.add.f32 [tilespmem:s17], [sflag:$0x6], $0x40, s12, s16, $0xb8;
	[tilespmem:$0x14E60] =	vst v63  }
0x2d: {  	s6 =	simm.s32 $0x140  }
0x2e: {  	[tilespmem:s26], [sflag:$0x5] =	stream.indirect.gather [hbm4b:s2+s16], $0x40, s6, s16, $0xb8;
	[tilespmem:$0x14E60] =	vst v63  }
0x2f: {  	_ =	swait.ge [sflag:s28], $0x1400  }
0x30: {  	[sflag:s28] =	ssyncset.done $0x0  }
0x31: {  	s6 =	simm.s32 $0x2760;
	[sflag:s28] =	ssyncadd.s32 $0xFFFFEC00  }
0x32: {  	[spmem:s3] =	stream.indirect.scatter.add.f32 [tilespmem:s18], [sflag:$0x7], $0x40, s6, s16, $0xb8;
	[tilespmem:$0x14E60] =	vst v63  }
0x33: {  	_ =	swait.ge [sflag:s14], $0x1400  }
0x34: {  	[sflag:s14] =	ssyncset.done $0x0  }
0x35: {  	s6 =	simm.s32 $0x190;
	[sflag:s14] =	ssyncadd.s32 $0xFFFFEC00  }
0x36: {  	[tilespmem:s17], [sflag:$0x1] =	stream.indirect.gather [hbm4b:s2+s16], $0x40, s6, s16, $0xb8;
	[tilespmem:$0x14E60] =	vst v63  }
0x37: {  	_ =	swait.ge [sflag:s31], $0x1400  }
0x38: {  	[sflag:s31] =	ssyncset.done $0x0  }
0x39: {  	s6 =	simm.s32 $0x27B0;
	[sflag:s31] =	ssyncadd.s32 $0xFFFFEC00  }
0x3a: {  	[spmem:s3] =	stream.indirect.scatter.add.f32 [tilespmem:s20], [sflag:$0x8], $0x40, s6, s16, $0xb8;
	[tilespmem:$0x14E60] =	vst v63  }
0x3b: {  	_ =	swait.ge [sflag:s15], $0x1400  }
0x3c: {  	[sflag:s15] =	ssyncset.done $0x0  }
0x3d: {  	s6 =	simm.s32 $0x1E0;
	[sflag:s15] =	ssyncadd.s32 $0xFFFFEC00  }
0x3e: {  	[tilespmem:s18], [sflag:$0x2] =	stream.indirect.gather [hbm4b:s2+s16], $0x40, s6, s16, $0xb8;
	[tilespmem:$0x14E60] =	vst v63  }
0x3f: {  	_ =	swait.ge [sflag:s19], $0x1400  }
0x40: {  	[sflag:s19] =	ssyncset.done $0x0  }
0x41: {  	s6 =	simm.s32 $0x2800;
	[sflag:s19] =	ssyncadd.s32 $0xFFFFEC00  }
0x42: {  	[spmem:s3] =	stream.indirect.scatter.add.f32 [tilespmem:s23], [sflag:$0x9], $0x40, s6, s16, $0xb8;
	[tilespmem:$0x14E60] =	vst v63  }
0x43: {  	_ =	swait.ge [sflag:s21], $0x1400  }
0x44: {  	[sflag:s21] =	ssyncset.done $0x0  }
0x45: {  	s6 =	simm.s32 $0x230;
	[sflag:s21] =	ssyncadd.s32 $0xFFFFEC00  }
0x46: {  	[tilespmem:s20], [sflag:$0x3] =	stream.indirect.gather [hbm4b:s2+s16], $0x40, s6, s16, $0xb8;
	[tilespmem:$0x14E60] =	vst v63  }
0x47: {  	_ =	swait.ge [sflag:s29], $0x1400  }
0x48: {  	[sflag:s29] =	ssyncset.done $0x0  }
0x49: {  	s6 =	simm.s32 $0x2850;
	[sflag:s29] =	ssyncadd.s32 $0xFFFFEC00  }
0x4a: {  	[spmem:s3] =	stream.indirect.scatter.add.f32 [tilespmem:s26], [sflag:$0xA], $0x40, s6, s16, $0xb8;
	[tilespmem:$0x14E60] =	vst v63  }
0x4b: {  	_ =	swait.ge [sflag:s1], $0x1400  }
0x4c: {  	[sflag:s1] =	ssyncset.done $0x0  }
0x4d: {  	s6 =	simm.s32 $0x280;
	[sflag:s1] =	ssyncadd.s32 $0xFFFFEC00  }
0x4e: {  	[tilespmem:s23], [sflag:$0x4] =	stream.indirect.gather [hbm4b:s2+s16], $0x40, s6, s16, $0xb8;
	[tilespmem:$0x14E60] =	vst v63  }
0x4f: {  	_ =	swait.ge [sflag:s24], $0x1400  }
0x50: {  	[sflag:s24] =	ssyncset.done $0x0  }
0x51: {  	s6 =	simm.s32 $0x28A0;
	[sflag:s24] =	ssyncadd.s32 $0xFFFFEC00  }
0x52: {  	[spmem:s3] =	stream.indirect.scatter.add.f32 [tilespmem:s17], [sflag:$0x6], $0x40, s6, s16, $0xb8;
	[tilespmem:$0x14E60] =	vst v63  }
0x53: {  	_ =	swait.ge [sflag:s0], $0x1400  }
0x54: {  	[sflag:s0] =	ssyncset.done $0x0  }
0x55: {  	s6 =	simm.s32 $0x2D0;
	[sflag:s0] =	ssyncadd.s32 $0xFFFFEC00  }
0x56: {  	[tilespmem:s26], [sflag:$0x5] =	stream.indirect.gather [hbm4b:s2+s16], $0x40, s6, s16, $0xb8;
	[tilespmem:$0x14E60] =	vst v63  }
0x57: {  	_ =	swait.ge [sflag:s28], $0x1400  }
0x58: {  	[sflag:s28] =	ssyncset.done $0x0  }
0x59: {  	s6 =	simm.s32 $0x28F0;
	[sflag:s28] =	ssyncadd.s32 $0xFFFFEC00  }
0x5a: {  	[spmem:s3] =	stream.indirect.scatter.add.f32 [tilespmem:s18], [sflag:$0x7], $0x40, s6, s16, $0xb8;
	[tilespmem:$0x14E60] =	vst v63  }
0x5b: {  	_ =	swait.ge [sflag:s14], $0x1400  }
0x5c: {  	[sflag:s14] =	ssyncset.done $0x0  }
0x5d: {  	s6 =	simm.s32 $0x320;
	[sflag:s14] =	ssyncadd.s32 $0xFFFFEC00  }
0x5e: {  	[tilespmem:s17], [sflag:$0x1] =	stream.indirect.gather [hbm4b:s2+s16], $0x40, s6, s16, $0xb8;
	[tilespmem:$0x14E60] =	vst v63  }
0x5f: {  	_ =	swait.ge [sflag:s31], $0x1400  }
0x60: {  	[sflag:s31] =	ssyncset.done $0x0  }
0x61: {  	s6 =	simm.s32 $0x2940;
	[sflag:s31] =	ssyncadd.s32 $0xFFFFEC00  }
0x62: {  	[spmem:s3] =	stream.indirect.scatter.add.f32 [tilespmem:s20], [sflag:$0x8], $0x40, s6, s16, $0xb8;
	[tilespmem:$0x14E60] =	vst v63  }
0x63: {  	_ =	swait.ge [sflag:s15], $0x1400  }
0x64: {  	[sflag:s15] =	ssyncset.done $0x0  }
0x65: {  	s6 =	simm.s32 $0x370;
	[sflag:s15] =	ssyncadd.s32 $0xFFFFEC00  }
0x66: {  	[tilespmem:s18], [sflag:$0x2] =	stream.indirect.gather [hbm4b:s2+s16], $0x40, s6, s16, $0xb8;
	[tilespmem:$0x14E60] =	vst v63  }
0x67: {  	_ =	swait.ge [sflag:s19], $0x1400  }
0x68: {  	[sflag:s19] =	ssyncset.done $0x0  }
0x69: {  	s6 =	simm.s32 $0x2990;
	[sflag:s19] =	ssyncadd.s32 $0xFFFFEC00  }
0x6a: {  	[spmem:s3] =	stream.indirect.scatter.add.f32 [tilespmem:s23], [sflag:$0x9], $0x40, s6, s16, $0xb8;
	[tilespmem:$0x14E60] =	vst v63  }
0x6b: {  	_ =	swait.ge [sflag:s21], $0x1400  }
0x6c: {  	[sflag:s21] =	ssyncset.done $0x0  }
0x6d: {  	s6 =	simm.s32 $0x3C0;
	[sflag:s21] =	ssyncadd.s32 $0xFFFFEC00  }
0x6e: {  	[tilespmem:s20], [sflag:$0x3] =	stream.indirect.gather [hbm4b:s2+s16], $0x40, s6, s16, $0xb8;
	[tilespmem:$0x14E60] =	vst v63  }
0x6f: {  	_ =	swait.ge [sflag:s29], $0x1400  }
0x70: {  	[sflag:s29] =	ssyncset.done $0x0  }
0x71: {  	s30 =	simm.s32 $0x640;
	s5 =	simm.s32 $0x29E0;
	[sflag:s29] =	ssyncadd.s32 $0xFFFFEC00  }
.LBB2_2:
0x72: {  	[spmem:s3] =	stream.indirect.scatter.add.f32 [tilespmem:s26], [sflag:$0xA], $0x40, s5, s16, $0xb8;
	[tilespmem:$0x14E60] =	vst v63  }
0x73: {  	s5 =	smov.u32 s30;
	s30 =	sadd.s32 $0x640, s30;
	_ =	swait.ge [sflag:s1], $0x1400  }
0x74: {  	s5 =	sshra.s32 s5, $0x2;
	p0 =	sne.s32 s30, $0x8FC0;
	[sflag:s1] =	ssyncset.done $0x0  }
0x75: {  	s6 =	sadd.s32 $0x280, s5;
	[sflag:s1] =	ssyncadd.s32 $0xFFFFEC00  }
0x76: {  	[tilespmem:s23], [sflag:$0x4] =	stream.indirect.gather [hbm4b:s2+s16], $0x40, s6, s16, $0xb8;
	[tilespmem:$0x14E60] =	vst v63  }
0x77: {  	_ =	swait.ge [sflag:s24], $0x1400  }
0x78: {  	[sflag:s24] =	ssyncset.done $0x0  }
0x79: {  	s6 =	sadd.s32 $0x28A0, s5;
	[sflag:s24] =	ssyncadd.s32 $0xFFFFEC00  }
0x7a: {  	[spmem:s3] =	stream.indirect.scatter.add.f32 [tilespmem:s17], [sflag:$0x6], $0x40, s6, s16, $0xb8;
	[tilespmem:$0x14E60] =	vst v63  }
0x7b: {  	_ =	swait.ge [sflag:s0], $0x1400  }
0x7c: {  	[sflag:s0] =	ssyncset.done $0x0  }
0x7d: {  	s6 =	sadd.s32 $0x2D0, s5;
	[sflag:s0] =	ssyncadd.s32 $0xFFFFEC00  }
0x7e: {  	[tilespmem:s26], [sflag:$0x5] =	stream.indirect.gather [hbm4b:s2+s16], $0x40, s6, s16, $0xb8;
	[tilespmem:$0x14E60] =	vst v63  }
0x7f: {  	_ =	swait.ge [sflag:s28], $0x1400  }
0x80: {  	[sflag:s28] =	ssyncset.done $0x0  }
0x81: {  	s6 =	sadd.s32 $0x28F0, s5;
	[sflag:s28] =	ssyncadd.s32 $0xFFFFEC00  }
0x82: {  	[spmem:s3] =	stream.indirect.scatter.add.f32 [tilespmem:s18], [sflag:$0x7], $0x40, s6, s16, $0xb8;
	[tilespmem:$0x14E60] =	vst v63  }
0x83: {  	_ =	swait.ge [sflag:s14], $0x1400  }
0x84: {  	[sflag:s14] =	ssyncset.done $0x0  }
0x85: {  	s6 =	sadd.s32 $0x320, s5;
	[sflag:s14] =	ssyncadd.s32 $0xFFFFEC00  }
0x86: {  	[tilespmem:s17], [sflag:$0x1] =	stream.indirect.gather [hbm4b:s2+s16], $0x40, s6, s16, $0xb8;
	[tilespmem:$0x14E60] =	vst v63  }
0x87: {  	_ =	swait.ge [sflag:s31], $0x1400  }
0x88: {  	[sflag:s31] =	ssyncset.done $0x0  }
0x89: {  	s6 =	sadd.s32 $0x2940, s5;
	[sflag:s31] =	ssyncadd.s32 $0xFFFFEC00  }
0x8a: {  	[spmem:s3] =	stream.indirect.scatter.add.f32 [tilespmem:s20], [sflag:$0x8], $0x40, s6, s16, $0xb8;
	[tilespmem:$0x14E60] =	vst v63  }
0x8b: {  	_ =	swait.ge [sflag:s15], $0x1400  }
0x8c: {  	[sflag:s15] =	ssyncset.done $0x0  }
0x8d: {  	s6 =	sadd.s32 $0x370, s5;
	[sflag:s15] =	ssyncadd.s32 $0xFFFFEC00  }
0x8e: {  	[tilespmem:s18], [sflag:$0x2] =	stream.indirect.gather [hbm4b:s2+s16], $0x40, s6, s16, $0xb8;
	[tilespmem:$0x14E60] =	vst v63  }
0x8f: {  	_ =	swait.ge [sflag:s19], $0x1400  }
0x90: {  	[sflag:s19] =	ssyncset.done $0x0  }
0x91: {  	s6 =	sadd.s32 $0x2990, s5;
	[sflag:s19] =	ssyncadd.s32 $0xFFFFEC00  }
0x92: {  	[spmem:s3] =	stream.indirect.scatter.add.f32 [tilespmem:s23], [sflag:$0x9], $0x40, s6, s16, $0xb8;
	[tilespmem:$0x14E60] =	vst v63  }
0x93: {  	_ =	swait.ge [sflag:s21], $0x1400  }
0x94: {  	[sflag:s21] =	ssyncset.done $0x0  }
.Ltmp0:
0x95: {  	s6 =	sadd.s32 $0x3C0, s5;
	[sflag:s21] =	ssyncadd.s32 $0xFFFFEC00;
	(pc) =	sbr.rel @p0 .LBB2_2-.Ltmp0, $4  }
0x96: {  	[tilespmem:s20], [sflag:$0x3] =	stream.indirect.gather [hbm4b:s2+s16], $0x40, s6, s16, $0xb8;
	[tilespmem:$0x14E60] =	vst v63  }
0x97: {  	_ =	swait.ge [sflag:s29], $0x1400  }
0x98: {  	[sflag:s29] =	ssyncset.done $0x0  }
0x99: {  	s5 =	sadd.s32 $0x29E0, s5;
	[sflag:s29] =	ssyncadd.s32 $0xFFFFEC00  }
0x9a: {  	[spmem:s3] =	stream.indirect.scatter.add.f32 [tilespmem:s26], [sflag:$0xA], $0x40, s5, s16, $0xb8;
	[tilespmem:$0x14E60] =	vst v63  }
0x9b: {  	_ =	swait.ge [sflag:s1], $0x1400  }
0x9c: {  	s5 =	sshra.s32 s30, $0x2;
	[sflag:s1] =	ssyncset.done $0x0  }
0x9d: {  	s6 =	sadd.s32 $0x280, s5;
	[sflag:s1] =	ssyncadd.s32 $0xFFFFEC00  }
0x9e: {  	[tilespmem:s23], [sflag:$0x4] =	stream.indirect.gather [hbm4b:s2+s16], $0x40, s6, s16, $0xb8;
	[tilespmem:$0x14E60] =	vst v63  }
0x9f: {  	_ =	swait.ge [sflag:s24], $0x1400  }
0xa0: {  	[sflag:s24] =	ssyncset.done $0x0  }
0xa1: {  	s30 =	sadd.s32 $0x28A0, s5;
	[sflag:s24] =	ssyncadd.s32 $0xFFFFEC00  }
0xa2: {  	[spmem:s3] =	stream.indirect.scatter.add.f32 [tilespmem:s17], [sflag:$0x6], $0x40, s30, s16, $0xb8;
	[tilespmem:$0x14E60] =	vst v63  }
0xa3: {  	_ =	swait.ge [sflag:s0], $0x1400  }
0xa4: {  	[sflag:s0] =	ssyncset.done $0x0  }
0xa5: {  	s30 =	sadd.s32 $0x2D0, s5;
	[sflag:s0] =	ssyncadd.s32 $0xFFFFEC00  }
0xa6: {  	[tilespmem:s26], [sflag:$0x5] =	stream.indirect.gather [hbm4b:s2+s16], $0x40, s30, s16, $0xb8;
	[tilespmem:$0x14E60] =	vst v63  }
0xa7: {  	_ =	swait.ge [sflag:s28], $0x1400  }
0xa8: {  	[sflag:s28] =	ssyncset.done $0x0  }
0xa9: {  	s30 =	sadd.s32 $0x28F0, s5;
	[sflag:s28] =	ssyncadd.s32 $0xFFFFEC00  }
0xaa: {  	[spmem:s3] =	stream.indirect.scatter.add.f32 [tilespmem:s18], [sflag:$0x7], $0x40, s30, s16, $0xb8;
	[tilespmem:$0x14E60] =	vst v63  }
0xab: {  	_ =	swait.ge [sflag:s14], $0x1400  }
0xac: {  	[sflag:s14] =	ssyncset.done $0x0  }
0xad: {  	[sflag:s14] =	ssyncadd.s32 $0xFFFFEC00  }
0xae: {  	_ =	swait.ge [sflag:s31], $0x1400  }
0xaf: {  	[sflag:s31] =	ssyncset.done $0x0  }
0xb0: {  	s30 =	sadd.s32 $0x2940, s5;
	[sflag:s31] =	ssyncadd.s32 $0xFFFFEC00  }
0xb1: {  	[spmem:s3] =	stream.indirect.scatter.add.f32 [tilespmem:s20], [sflag:$0x8], $0x40, s30, s16, $0xb8;
	[tilespmem:$0x14E60] =	vst v63  }
0xb2: {  	_ =	swait.ge [sflag:s15], $0x1400  }
0xb3: {  	[sflag:s15] =	ssyncset.done $0x0  }
0xb4: {  	[sflag:s15] =	ssyncadd.s32 $0xFFFFEC00  }
0xb5: {  	_ =	swait.ge [sflag:s19], $0x1400  }
0xb6: {  	[sflag:s19] =	ssyncset.done $0x0  }
0xb7: {  	s30 =	sadd.s32 $0x2990, s5;
	[sflag:s19] =	ssyncadd.s32 $0xFFFFEC00  }
0xb8: {  	[spmem:s3] =	stream.indirect.scatter.add.f32 [tilespmem:s23], [sflag:$0x9], $0x40, s30, s16, $0xb8;
	[tilespmem:$0x14E60] =	vst v63  }
0xb9: {  	_ =	swait.ge [sflag:s21], $0x1400  }
0xba: {  	[sflag:s21] =	ssyncset.done $0x0  }
0xbb: {  	[sflag:s21] =	ssyncadd.s32 $0xFFFFEC00  }
0xbc: {  	_ =	swait.ge [sflag:s29], $0x1400  }
0xbd: {  	[sflag:s29] =	ssyncset.done $0x0  }
0xbe: {  	s5 =	sadd.s32 $0x29E0, s5;
	[sflag:s29] =	ssyncadd.s32 $0xFFFFEC00  }
0xbf: {  	[spmem:s3] =	stream.indirect.scatter.add.f32 [tilespmem:s26], [sflag:$0xA], $0x40, s5, s16, $0xb8;
	[tilespmem:$0x14E60] =	vst v63  }
0xc0: {  	_ =	swait.ge [sflag:s1], $0x1400  }
0xc1: {  	[sflag:s1] =	ssyncset.done $0x0  }
0xc2: {  	[sflag:s1] =	ssyncadd.s32 $0xFFFFEC00  }
0xc3: {  	_ =	swait.ge [sflag:s0], $0x1400  }
0xc4: {  	s25 =	sadd.s32 $0x1, s25;
	[sflag:s0] =	ssyncset.done $0x0  }
0xc5: {  	p0 =	sne.s32 s25, s11;
	[sflag:s0] =	ssyncadd.s32 $0xFFFFEC00  }
.Ltmp1:
0xc6: {  	s30 =	sor.u32 $0x1C0B, s8;
	[bflag:$0x0] =	sbarrier.arrive $0xFFFF;
	(pc) =	sbr.rel @p0 .LBB2_1-.Ltmp1, $4  }
0xc7: {  	[hbm:s10], [sflag:s30] =	dma.local [spmem:s13], $0x1388  }
0xc8: {  	_ =	swait.ge [sflag:s22], $0x1388  }
0xc9: {  	[sflag:s22] =	ssyncset.done $0x0  }
0xca: {  	[sflag:s22] =	ssyncadd.s32 $0xFFFFEC78  }
0xcb: {  	_ =	sfence.sel $0x180000  }
0xcc: {  	[bflag:$0x0] =	sbarrier.arrive $0xFFFF  }
0xcd: {  	_ =	strace $0x9000004D  }
0xce: {  	s0 =	stileid.u32;
	[bflag:$0x2] =	sbarrier.arrive $0xFFFF  }
0xcf: {  	p0 =	sne.s32 s0, $0x0;
	s0 =	rddreg [dreg:$0x3]  }
0xd0: {  	s0 =	sadd.s32 @!p0 $0x100000, s0  }
0xd1: {  	[sflag:s0] =	ssyncadd.tile.s32 @!p0 $0x1;
	_ =	shalt  }
.Lfunc_end2:
_tile_overlayer_lowered:
.L_overlay_start_2:
0xd2: {  	(tag) =	ssettag $0x2  }
0xd3: {  	s0 =	rddreg [dreg:$0x0];
	s2 =	stileid.u32  }
0xd4: {  	s1 =	rddreg [dreg:$0x1];
	p0 =	sne.s32 s2, $0x0  }
0xd5: {  	s3 =	rddreg [dreg:$0x2];
	[bflag:$0x3] =	sbarrier.arrive $0xFFFF;
	s2 =	simm.s32 @!p0 $0x1C0B  }
0xd6: {  	[timem:s3], [sflag:s2] =	dma.local @!p0 [hbm:s0], s1  }
0xd7: {  	s0 =	simm.s32 @!p0 $0xB  }
0xd8: {  	_ =	swait.ge @!p0 [sflag:s0], s1  }
0xd9: {  	s1 =	ssub.s32 @!p0 $0x0, s1;
	[sflag:s0] =	ssyncset.done @!p0 $0x0  }
0xda: {  	[sflag:s0] =	ssyncadd.s32 @!p0 s1  }
0xdb: {  	[bflag:$0x3] =	sbarrier.arrive $0xFFFF  }
0xdc: {  	_ =	shalt  }

// kernel: kernel.9.cloned.1.call-start
scs
__scs_entry_jumppad:
0x0: {  	(pc) =	sbr.rel $0x88, $3  }
0x1: {  	(tag) =	ssettag $0x0;
	lr =	simm.s32 $0x1  }
0x2: {  	[smem:$0x3F96] =	sst lr;
	_ =	strace $0xD0000000  }
0x3: {  	_ = 	snop  }
0x4: {  	_ = 	snop  }
0x5: {  	_ = 	snop  }
0x6: {  	_ = 	snop  }
0x7: {  	_ = 	snop  }
__scs_overlays_trampoline_lowered:
0x8: {  	[smem:$0x3FA5] =	sst s0  }
0x9: {  	[smem:$0x3FA6] =	sst s1  }
0xa: {  	[smem:$0x3FA7] =	sst s2  }
0xb: {  	[smem:$0x3FA8] =	sst s3  }
0xc: {  	[smem:$0x3FA9] =	sst s4  }
0xd: {  	[smem:$0x3FAA] =	sst s5  }
0xe: {  	[smem:$0x3FAB] =	sst s6  }
0xf: {  	[smem:$0x3FAC] =	sst s7  }
0x10: {  	[smem:$0x3FAD] =	sst s8  }
0x11: {  	[smem:$0x3FAE] =	sst s9;
	s0 =	simm.s32 @!p0 $0x0  }
0x12: {  	s1 =	sld [smem:$0x3F94];
	s0 =	simm.s32 @p0 $0x1  }
0x13: {  	[smem:$0x3FAF] =	sst s0;
	s0 =	simm.s32 @!p1 $0x0  }
0x14: {  	s2 =	sld [smem:$0x3F93];
	s0 =	simm.s32 @p1 $0x1  }
0x15: {  	[smem:$0x3FB0] =	sst s0;
	s0 =	simm.s32 @!p2 $0x0  }
0x16: {  	s3 =	sld [smem:$0x3FDB];
	s0 =	simm.s32 @p2 $0x1  }
0x17: {  	s4 =	simm.s32 $0x1BF5;
	[smem:$0x3FB2] =	sst s0  }
0x18: {  	s0 =	sld [smem:$0x3F95];
	_ =	swait.ge [sflag:s4], $0x0  }
0x19: {  	s7 =	sld [smem:$0x3F96]  }
0x1a: {  	s8 =	sadd.s32 $0xFFFFE003, lr  }
0x1b: {  	s9 =	sadd.s32 $0xFFFFFEF7, lr;
	s5 =	simm.s32 $0xFFFFFFFF;
	p2 =	slt.u32 s8, $0xFFFFF086  }
0x1c: {  	p1 =	slt.u32 s9, $0xF7A;
	s5 =	simm.s32 @!p2 $0x0  }
0x1d: {  	s5 =	simm.s32 @p1 $0x1;
	p0 =	seq.s32 s7, s2  }
0x1e: {  	s7 =	smul.u32 @!p0 $0xF7A, s2;
	p2 =	seq.s32 @!p0 s5, $0x0  }
0x1f: {  	s9 =	smul.u32 $0xF7A, s1;
	s8 =	simm.s32 @!p0 $0x1BF5;
	p2 =	por !p2, p0  }
0x20: {  	[sflag:s8] =	ssyncset.s32 @!p0 $0xFFFFF086;
	s6 =	sadd.s32 @!p0 s3, s7;
	s7 =	simm.s32 @!p0 $0x108  }
0x21: {  	s3 =	sadd.s32 s3, s9;
	s6 =	sadd.s32 @!p0 $0x88, s6;
	s7 =	simm.s32 @p2 $0x1082  }
0x22: {  	[simem:s7], [sflag:s8] =	dma.local @!p0 [hbm:s6], $0xF7A  }
0x23: {  	s9 =	sor.u32 $0xD0000000, s2;
	s6 =	simm.s32 $0x108;
	_ =	swait.ge @!p0 [sflag:s8], $0x0  }
0x24: {  	s3 =	sadd.s32 $0x88, s3;
	s6 =	simm.s32 @!p1 $0x1082;
	[sflag:s4] =	ssyncset.s32 $0xFFFFF086  }
0x25: {  	[simem:s6], [sflag:s4] =	dma.local [hbm:s3], $0xF7A  }
0x26: {  	[smem:$0x3F96] =	sst s1;
	(tag) =	ssettag s2;
	_ =	strace s9  }
0x27: {  	s1 =	sld [smem:$0x3FA6]  }
0x28: {  	s2 =	sld [smem:$0x3FA7]  }
0x29: {  	s4 =	sld [smem:$0x3FA9]  }
0x2a: {  	p0 =	seq.s32 s5, $0x0;
	s5 =	sld [smem:$0x3FAA]  }
0x2b: {  	s6 =	sld [smem:$0x3FAB]  }
0x2c: {  	s7 =	sld [smem:$0x3FAC]  }
0x2d: {  	s3 =	simm.s32 $0x108;
	s8 =	sld [smem:$0x3FAD]  }
0x2e: {  	s3 =	simm.s32 @!p0 $0x1082;
	s9 =	sld [smem:$0x3FAE]  }
0x2f: {  	lr =	sadd.s32 s0, s3;
	s0 =	sld [smem:$0x3FA5]  }
0x30: {  	s3 =	sld [smem:$0x3FA8]  }
0x31: {  	[smem:$0x3FB1] =	sst s10  }
0x32: {  	s10 =	sld [smem:$0x3FAF];
	_ =	sdelay $0x3  }
0x33: {  	p0 =	seq.s32 s10, $0x1;
	s10 =	sld [smem:$0x3FB1];
	_ =	sdelay $0x3  }
0x34: {  	[smem:$0x3FB1] =	sst s10  }
0x35: {  	s10 =	sld [smem:$0x3FB0];
	_ =	sdelay $0x3  }
0x36: {  	p1 =	seq.s32 s10, $0x1;
	s10 =	sld [smem:$0x3FB1];
	_ =	sdelay $0x3  }
0x37: {  	[smem:$0x3FB1] =	sst s10  }
0x38: {  	s10 =	sld [smem:$0x3FB2]  }
0x39: {  	_ = 	snop;
	(pc) =	sbr.ind lr, $3  }
0x3a: {  	_ = 	snop  }
0x3b: {  	_ = 	snop  }
0x3c: {  	p2 =	seq.s32 s10, $0x1;
	s10 =	sld [smem:$0x3FB1]  }
0x3d: {  	_ =	shalt  }
0x3e: {  	_ =	shalt  }
0x3f: {  	_ =	shalt  }
0x40: {  	_ =	shalt  }
0x41: {  	_ =	shalt  }
0x42: {  	_ =	shalt  }
0x43: {  	_ =	shalt  }
0x44: {  	_ =	shalt  }
0x45: {  	_ =	shalt  }
0x46: {  	_ =	shalt  }
0x47: {  	_ =	shalt  }
0x48: {  	_ =	shalt  }
0x49: {  	_ =	shalt  }
0x4a: {  	_ =	shalt  }
0x4b: {  	_ =	shalt  }
0x4c: {  	_ =	shalt  }
0x4d: {  	_ =	shalt  }
0x4e: {  	_ =	shalt  }
0x4f: {  	_ =	shalt  }
0x50: {  	_ =	shalt  }
0x51: {  	_ =	shalt  }
0x52: {  	_ =	shalt  }
0x53: {  	_ =	shalt  }
0x54: {  	_ =	shalt  }
0x55: {  	_ =	shalt  }
0x56: {  	_ =	shalt  }
0x57: {  	_ =	shalt  }
0x58: {  	_ =	shalt  }
0x59: {  	_ =	shalt  }
0x5a: {  	_ =	shalt  }
0x5b: {  	_ =	shalt  }
0x5c: {  	_ =	shalt  }
0x5d: {  	_ =	shalt  }
0x5e: {  	_ =	shalt  }
0x5f: {  	_ =	shalt  }
0x60: {  	_ =	shalt  }
0x61: {  	_ =	shalt  }
0x62: {  	_ =	shalt  }
0x63: {  	_ =	shalt  }
0x64: {  	_ =	shalt  }
0x65: {  	_ =	shalt  }
0x66: {  	_ =	shalt  }
0x67: {  	_ =	shalt  }
0x68: {  	_ =	shalt  }
0x69: {  	_ =	shalt  }
0x6a: {  	_ =	shalt  }
0x6b: {  	_ =	shalt  }
0x6c: {  	_ =	shalt  }
0x6d: {  	_ =	shalt  }
0x6e: {  	_ =	shalt  }
0x6f: {  	_ =	shalt  }
0x70: {  	_ =	shalt  }
0x71: {  	_ =	shalt  }
0x72: {  	_ =	shalt  }
0x73: {  	_ =	shalt  }
0x74: {  	_ =	shalt  }
0x75: {  	_ =	shalt  }
0x76: {  	_ =	shalt  }
0x77: {  	_ =	shalt  }
0x78: {  	_ =	shalt  }
0x79: {  	_ =	shalt  }
0x7a: {  	_ =	shalt  }
0x7b: {  	_ =	shalt  }
0x7c: {  	_ =	shalt  }
0x7d: {  	_ =	shalt  }
0x7e: {  	_ =	shalt  }
0x7f: {  	_ =	shalt  }
0x80: {  	_ =	shalt  }
0x81: {  	_ =	shalt  }
0x82: {  	_ =	shalt  }
0x83: {  	_ =	shalt  }
0x84: {  	_ =	shalt  }
0x85: {  	_ =	shalt  }
0x86: {  	_ =	shalt  }
0x87: {  	_ =	shalt  }
.Lfunc_end0:
.L_simem_size_0:
called_computation_lowered:
.L_overlay_start_0:
0x88: {  	s2 =	sld [smem:$0x3FD9]  }
0x89: {  	s3 =	sld [smem:$0x3FFE];
	_ =	sdelay $0x1  }
0x8a: {  	s1 =	srdreg.scid  }
0x8b: {  	s0 =	sand.u32 $0x1, s1  }
0x8c: {  	s14 =	sshll.u32 s0, $0xA;
	s2 =	sadd.s32 s3, s2  }
0x8d: {  	s2 =	sadd.s32 s2, s14  }
0x8e: {  	[smem:$0x3FBD] =	sst s2  }
0x8f: {  	_ = 	snop  }
0x90: {  	s2 =	sld [smem:$0x3FD0];
	_ =	sdelay $0x2  }
0x91: {  	s15 =	simm.s32 $0xA;
	s4 =	simm.s32 $0x10  }
0x92: {  	[smem:s4], [sflag:s15] =	dma.local [hbm:s2], $0x1  }
0x93: {  	_ =	swait.eq [sflag:s15], $0x1  }
0x94: {  	[sflag:s15] =	ssyncset.done $0x0  }
0x95: {  	[sflag:s15] =	ssyncadd.s32 $0xFFFFFFFF  }
0x96: {  	s16 =	sld [smem:$0x11];
	(tm) =	ssettm $0x1  }
0x97: {  	s17 =	sld [smem:$0x3FFB];
	_ =	sdelay $0x3  }
0x98: {  	_ =	strace s17  }
0x99: {  	s3 =	sld [smem:$0x3FFC];
	_ =	sdelay $0x3  }
0x9a: {  	_ =	strace s3  }
0x9b: {  	s3 =	sld [smem:$0x3FFD];
	_ =	sdelay $0x3  }
0x9c: {  	_ =	strace s3  }
0x9d: {  	_ =	strace $0x8FFFFFFF  }
0x9e: {  	s18 =	sld [smem:$0x3FDB];
	_ =	sdelay $0x1  }
0x9f: {  	s19 =	simm.s32 $_scs_section_size  }
0xa0: {  	s5 =	simm.s32 $_size__tile_overlayer_lowered;
	s6 =	simm.s32 $_tile_overlayer_lowered  }
0xa1: {  	s22 =	simm.s32 $0x1BFF;
	s21 =	sshll.u32 s6, $0x1;
	s3 =	sadd.s32 s19, s18  }
0xa2: {  	s7 =	simm.s32 $0x0;
	s20 =	sshll.u32 s5, $0x1;
	s5 =	sadd.s32 s21, s3  }
0xa3: {  	[timem:s7], [sflag:s22] =	dma.local [hbm:s5], s20  }
0xa4: {  	_ =	swait.ge [sflag:s22], s20  }
0xa5: {  	s4 =	ssub.s32 $0x0, s20;
	[sflag:s22] =	ssyncset.done $0x0  }
0xa6: {  	[sflag:s22] =	ssyncadd.s32 s4;
	_ =	sdelay $0x1  }
0xa7: {  	s23 =	simm.s32 $0x1B8B  }
0xa8: {  	_ =	swait.ge [sflag:s23], $0x1  }
0xa9: {  	[sflag:s23] =	ssyncset.done $0x0  }
0xaa: {  	s25 =	simm.s32 $0x1B8E;
	s24 =	sld [smem:$0x3FFE];
	[sflag:s23] =	ssyncadd.s32 $0xFFFFFFFF  }
0xab: {  	s26 =	simm.s32 $execute0_lowered;
	[smem:$0x3FD2] =	sst s25  }
0xac: {  	s5 =	sshll.u32 s26, $0x1;
	_ =	strace $0x80000046;
	[dreg:$0x1] =	wrdreg $0xFFFFFFFF  }
0xad: {  	s28 =	simm.s32 $_size_execute0_lowered;
	s3 =	sadd.s32 s3, s5;
	[dreg:$0x0] =	wrdreg $0x0  }
0xae: {  	s5 =	sshll.u32 s28, $0x1;
	[dreg:$0x2] =	wrdreg s3  }
0xaf: {  	[dreg:$0x3] =	wrdreg s5  }
0xb0: {  	[dreg:$0x4] =	wrdreg $0xC0  }
0xb1: {  	_ =	task [dreg:s7], $0x5FFFF  }
0xb2: {  	[dreg:$0x1] =	wrdreg $0xFFFFFFFF  }
0xb3: {  	[dreg:$0x0] =	wrdreg $0x60  }
0xb4: {  	[dreg:$0x2] =	wrdreg s24  }
0xb5: {  	[dreg:$0x3] =	wrdreg s16  }
0xb6: {  	[dreg:$0x4] =	wrdreg $0x2C100  }
0xb7: {  	[dreg:$0x5] =	wrdreg $0x9  }
0xb8: {  	_ =	task.clear_ibuf [dreg:s7], $0x6FFFF;
	_ =	strace $0x90000046  }
0xb9: {  	s29 =	simm.s32 $0x9;
	_ =	strace $0x80000048  }
0xba: {  	_ =	swait.ge [sflag:s29], $0x1  }
0xbb: {  	[sflag:s29] =	ssyncadd.s32 $0xFFFFFFFF  }
0xbc: {  	_ =	strace $0x90000048  }
0xbd: {  	_ =	sfence  }
0xbe: {  	s30 =	sld [smem:$0x0];
	_ =	sdelay $0x2  }
0xbf: {  	s31 =	sshll.u32 s1, $0xD;
	s1 =	sshrl.u32 s1, $0x2  }
0xc0: {  	s3 =	sand.u32 $0x4000, s31;
	s1 =	sadd.s32 s1, s30  }
0xc1: {  	s0 =	sor.u32 s3, s0;
	s1 =	sshll.u32 s1, $0x11  }
0xc2: {  	s0 =	sor.u32 s1, s0  }
0xc3: {  	s0 =	sadd.s32 $0x8F2B, s0  }
0xc4: {  	[sflag:s0] =	ssyncadd.remote.s32 $0x1  }
0xc5: {  	_ =	sfence.sel $0xFFFF  }
0xc6: {  	[dreg:$0x0] =	wrdreg $0xFFFFFFFF;
	(pc) =	sbr.abs _section_cstart, $3  }
0xc7: {  	[dreg:$0x1] =	wrdreg $0xFFFFFFFF  }
0xc8: {  	_ =	task.clear_ibuf [dreg:s7], $0x2FFFF;
	_ =	strace $0x9FFFFFFF  }
0xc9: {  	(tm) =	ssettm $0x7FFFFFFF  }
tec
execute0_lowered:
.L_overlay_start_1:
0x0: {  	(tag) =	ssettag $0x1  }
0x1: {  	s4 =	rddreg [dreg:$0x0]  }
0x2: {  	s7 =	rddreg [dreg:$0x1]  }
0x3: {  	s1 =	rddreg [dreg:$0x2]  }
0x4: {  	s2 =	srdreg.scid;
	s0 =	rddreg [dreg:$0x3];
	s3 =	simm.s32 $0x0  }
0x5: {  	s12 =	simm.s32 $0x50;
	s13 =	simm.s32 $0x2710;
	s14 =	simm.s32 $0x1  }
0x6: {  	s16 =	simm.s32 $0x4;
	s17 =	simm.s32 $0x0;
	s5 =	sand.u32 $0x1, s2  }
0x7: {  	s2 =	stileid.u32;
	[smem:$0x7FF] =	sst s3;
	s6 =	sshll.u32 s5, $0x4  }
0x8: {  	s8 =	smul.u32 $0x2710, s2;
	_ =	strace $0x80000047;
	s9 =	ssub.s32 $0x2, s5  }
0x9: {  	s5 =	smul.u32 $0x27100, s5;
	s15 =	sshll.u32 s2, $0x6;
	s6 =	sor.u32 s2, s6  }
0xa: {  	s11 =	sshrl.u32 s9, $0x1;
	s6 =	smul.u32 $0x4E2, s6;
	s10 =	sshrl.u32 s8, $0x3  }
0xb: {  	s9 =	ssub.s32 s9, s11;
	s30 =	sadd.s32 s8, s1;
	s31 =	sadd.s32 s8, s5  }
0xc: {  	s11 =	simm.s32 $0x3;
	s10 =	sadd.s32 s10, s4;
	s8 =	sshrl.u32 s31, $0x3  }
0xd: {  	s6 =	sadd.s32 s6, s4;
	s5 =	sadd.s32 $0x16E00, s10;
	s7 =	sadd.s32 s7, s8  }
0xe: {  	s8 =	smax.u32 s9, $0x1;
	s9 =	sshrl.u32 s30, $0x3;
	s10 =	simm.s32 $0x2  }
0xf: {  	v0 =	vimm.f32 $1.000000000e+00;
	s4 =	sadd.s32 $0x3200, s6;
	s6 =	sor.u32 $0x1C03, s15;
	s15 =	sor.u32 $0x1C04, s15  }
.LBB2_1:
0x10: {  	[tilespmem:s3], [sflag:$0x2] =	stream.linear.gather [hbm4b:s4+s3], $0x2710, $0x38;
	[tilespmem:$0x5320] =	vst v63  }
0x11: {  	s18 =	simm.s32 $0x40;
	s19 =	simm.s32 $0x0  }
0x12: {  	[spmem:s9], [sflag:s6] =	dma.local [hbm:s5], $0x4E2  }
.LBB2_2:
0x13: {  	p0 =	sne.s32 s18, $0x13C0;
	[tilespmem:s19+$0x2710] =	vst v0;
	s19 =	smov.u32 s18;
	s18 =	sadd.s32 $0x40, s18  }
.Ltmp0:
0x14: {  	(pc) =	sbr.rel @p0 .LBB2_2-.Ltmp0, $2  }
0x15: {  	_ =	sdelay $0x2  }
0x16: {  	s19 =	sshra.s32 s19, $0x2  }
0x17: {  	[tilespmem:s19+$0x2710] =	vst v0  }
0x18: {  	_ =	swait.ge [sflag:s10], $0x2710  }
0x19: {  	[sflag:s10] =	ssyncset.done $0x0  }
0x1a: {  	[sflag:s10] =	ssyncadd.s32 $0xFFFFD8F0  }
0x1b: {  	_ =	swait.ge [sflag:s11], $0x4E2  }
0x1c: {  	[sflag:s11] =	ssyncset.done $0x0  }
0x1d: {  	[sflag:s11] =	ssyncadd.s32 $0xFFFFFB1E  }
0x1e: {  	s18 =	simm.s32 $0x0;
	[bflag:$0x0] =	sbarrier.arrive $0xFFFF  }
0x1f: {  	[spmem:s1] =	stream.indirect.scatter.add.f32 [tilespmem:s13], [sflag:$0x1], $0x10, s18, s12, $0xb8;
	[tilespmem:$0x5320] =	vst v63  }
0x20: {  	s19 =	simm.s32 $0x50  }
0x21: {  	[spmem:s1] =	stream.indirect.scatter.add.f32 [tilespmem:s13], [sflag:$0x1], $0x10, s19, s12, $0xb8;
	[tilespmem:$0x5320] =	vst v63  }
0x22: {  	s20 =	simm.s32 $0xA0  }
0x23: {  	[spmem:s1] =	stream.indirect.scatter.add.f32 [tilespmem:s13], [sflag:$0x1], $0x10, s20, s12, $0xb8;
	[tilespmem:$0x5320] =	vst v63  }
0x24: {  	s21 =	simm.s32 $0xF0  }
0x25: {  	[spmem:s1] =	stream.indirect.scatter.add.f32 [tilespmem:s13], [sflag:$0x1], $0x10, s21, s12, $0xb8;
	[tilespmem:$0x5320] =	vst v63  }
0x26: {  	s22 =	simm.s32 $0x140  }
0x27: {  	[spmem:s1] =	stream.indirect.scatter.add.f32 [tilespmem:s13], [sflag:$0x1], $0x10, s22, s12, $0xb8;
	[tilespmem:$0x5320] =	vst v63  }
0x28: {  	s23 =	simm.s32 $0x190  }
0x29: {  	[spmem:s1] =	stream.indirect.scatter.add.f32 [tilespmem:s13], [sflag:$0x1], $0x10, s23, s12, $0xb8;
	[tilespmem:$0x5320] =	vst v63  }
0x2a: {  	s24 =	simm.s32 $0x1E0  }
0x2b: {  	[spmem:s1] =	stream.indirect.scatter.add.f32 [tilespmem:s13], [sflag:$0x1], $0x10, s24, s12, $0xb8;
	[tilespmem:$0x5320] =	vst v63  }
0x2c: {  	s25 =	simm.s32 $0x230  }
0x2d: {  	[spmem:s1] =	stream.indirect.scatter.add.f32 [tilespmem:s13], [sflag:$0x1], $0x10, s25, s12, $0xb8;
	[tilespmem:$0x5320] =	vst v63  }
0x2e: {  	s26 =	simm.s32 $0x280  }
0x2f: {  	[spmem:s1] =	stream.indirect.scatter.add.f32 [tilespmem:s13], [sflag:$0x1], $0x10, s26, s12, $0xb8;
	[tilespmem:$0x5320] =	vst v63  }
0x30: {  	s28 =	simm.s32 $0x2D0  }
0x31: {  	[spmem:s1] =	stream.indirect.scatter.add.f32 [tilespmem:s13], [sflag:$0x1], $0x10, s28, s12, $0xb8;
	[tilespmem:$0x5320] =	vst v63  }
0x32: {  	s29 =	simm.s32 $0x320  }
0x33: {  	[spmem:s1] =	stream.indirect.scatter.add.f32 [tilespmem:s13], [sflag:$0x1], $0x10, s29, s12, $0xb8;
	[tilespmem:$0x5320] =	vst v63  }
0x34: {  	s30 =	simm.s32 $0x370  }
0x35: {  	[spmem:s1] =	stream.indirect.scatter.add.f32 [tilespmem:s13], [sflag:$0x1], $0x10, s30, s12, $0xb8;
	[tilespmem:$0x5320] =	vst v63  }
0x36: {  	s31 =	simm.s32 $0x3C0  }
0x37: {  	[spmem:s1] =	stream.indirect.scatter.add.f32 [tilespmem:s13], [sflag:$0x1], $0x10, s31, s12, $0xb8;
	[tilespmem:$0x5320] =	vst v63  }
0x38: {  	s19 =	simm.s32 $0x410  }
0x39: {  	[spmem:s1] =	stream.indirect.scatter.add.f32 [tilespmem:s13], [sflag:$0x1], $0x10, s19, s12, $0xb8;
	[tilespmem:$0x5320] =	vst v63  }
0x3a: {  	s20 =	simm.s32 $0x460  }
0x3b: {  	[spmem:s1] =	stream.indirect.scatter.add.f32 [tilespmem:s13], [sflag:$0x1], $0x10, s20, s12, $0xb8;
	[tilespmem:$0x5320] =	vst v63  }
0x3c: {  	s21 =	simm.s32 $0x4B0  }
0x3d: {  	[spmem:s1] =	stream.indirect.scatter.add.f32 [tilespmem:s13], [sflag:$0x1], $0x10, s21, s12, $0xb8;
	[tilespmem:$0x5320] =	vst v63  }
0x3e: {  	s22 =	simm.s32 $0x500  }
0x3f: {  	[spmem:s1] =	stream.indirect.scatter.add.f32 [tilespmem:s13], [sflag:$0x1], $0x10, s22, s12, $0xb8;
	[tilespmem:$0x5320] =	vst v63  }
0x40: {  	s23 =	simm.s32 $0x550  }
0x41: {  	[spmem:s1] =	stream.indirect.scatter.add.f32 [tilespmem:s13], [sflag:$0x1], $0x10, s23, s12, $0xb8;
	[tilespmem:$0x5320] =	vst v63  }
0x42: {  	s24 =	simm.s32 $0x5A0  }
0x43: {  	[spmem:s1] =	stream.indirect.scatter.add.f32 [tilespmem:s13], [sflag:$0x1], $0x10, s24, s12, $0xb8;
	[tilespmem:$0x5320] =	vst v63  }
0x44: {  	s25 =	simm.s32 $0x5F0  }
0x45: {  	[spmem:s1] =	stream.indirect.scatter.add.f32 [tilespmem:s13], [sflag:$0x1], $0x10, s25, s12, $0xb8;
	[tilespmem:$0x5320] =	vst v63  }
0x46: {  	s26 =	simm.s32 $0x640  }
0x47: {  	[spmem:s1] =	stream.indirect.scatter.add.f32 [tilespmem:s13], [sflag:$0x1], $0x10, s26, s12, $0xb8;
	[tilespmem:$0x5320] =	vst v63  }
0x48: {  	s28 =	simm.s32 $0x690  }
0x49: {  	[spmem:s1] =	stream.indirect.scatter.add.f32 [tilespmem:s13], [sflag:$0x1], $0x10, s28, s12, $0xb8;
	[tilespmem:$0x5320] =	vst v63  }
0x4a: {  	s29 =	simm.s32 $0x6E0  }
0x4b: {  	[spmem:s1] =	stream.indirect.scatter.add.f32 [tilespmem:s13], [sflag:$0x1], $0x10, s29, s12, $0xb8;
	[tilespmem:$0x5320] =	vst v63  }
0x4c: {  	s30 =	simm.s32 $0x730  }
0x4d: {  	[spmem:s1] =	stream.indirect.scatter.add.f32 [tilespmem:s13], [sflag:$0x1], $0x10, s30, s12, $0xb8;
	[tilespmem:$0x5320] =	vst v63  }
0x4e: {  	s31 =	simm.s32 $0x780  }
0x4f: {  	[spmem:s1] =	stream.indirect.scatter.add.f32 [tilespmem:s13], [sflag:$0x1], $0x10, s31, s12, $0xb8;
	[tilespmem:$0x5320] =	vst v63  }
0x50: {  	_ =	swait.ge [sflag:s14], $0x500  }
0x51: {  	[sflag:s14] =	ssyncset.done $0x0  }
0x52: {  	[sflag:s14] =	ssyncadd.s32 $0xFFFFFB00  }
0x53: {  	_ =	swait.ge [sflag:s14], $0x500  }
0x54: {  	[sflag:s14] =	ssyncset.done $0x0  }
0x55: {  	[sflag:s14] =	ssyncadd.s32 $0xFFFFFB00  }
0x56: {  	_ =	swait.ge [sflag:s14], $0x500  }
0x57: {  	[sflag:s14] =	ssyncset.done $0x0  }
0x58: {  	[sflag:s14] =	ssyncadd.s32 $0xFFFFFB00  }
0x59: {  	_ =	swait.ge [sflag:s14], $0x500  }
0x5a: {  	[sflag:s14] =	ssyncset.done $0x0  }
0x5b: {  	[sflag:s14] =	ssyncadd.s32 $0xFFFFFB00  }
0x5c: {  	_ =	swait.ge [sflag:s14], $0x500  }
0x5d: {  	[sflag:s14] =	ssyncset.done $0x0  }
0x5e: {  	[sflag:s14] =	ssyncadd.s32 $0xFFFFFB00  }
0x5f: {  	_ =	swait.ge [sflag:s14], $0x500  }
0x60: {  	[sflag:s14] =	ssyncset.done $0x0  }
0x61: {  	[sflag:s14] =	ssyncadd.s32 $0xFFFFFB00  }
0x62: {  	_ =	swait.ge [sflag:s14], $0x500  }
0x63: {  	[sflag:s14] =	ssyncset.done $0x0  }
0x64: {  	[sflag:s14] =	ssyncadd.s32 $0xFFFFFB00  }
0x65: {  	_ =	swait.ge [sflag:s14], $0x500  }
0x66: {  	[sflag:s14] =	ssyncset.done $0x0  }
0x67: {  	[sflag:s14] =	ssyncadd.s32 $0xFFFFFB00  }
0x68: {  	_ =	swait.ge [sflag:s14], $0x500  }
0x69: {  	[sflag:s14] =	ssyncset.done $0x0  }
0x6a: {  	[sflag:s14] =	ssyncadd.s32 $0xFFFFFB00  }
0x6b: {  	_ =	swait.ge [sflag:s14], $0x500  }
0x6c: {  	[sflag:s14] =	ssyncset.done $0x0  }
0x6d: {  	[sflag:s14] =	ssyncadd.s32 $0xFFFFFB00  }
0x6e: {  	_ =	swait.ge [sflag:s14], $0x500  }
0x6f: {  	[sflag:s14] =	ssyncset.done $0x0  }
0x70: {  	[sflag:s14] =	ssyncadd.s32 $0xFFFFFB00  }
0x71: {  	_ =	swait.ge [sflag:s14], $0x500  }
0x72: {  	[sflag:s14] =	ssyncset.done $0x0  }
0x73: {  	[sflag:s14] =	ssyncadd.s32 $0xFFFFFB00  }
0x74: {  	_ =	swait.ge [sflag:s14], $0x500  }
0x75: {  	[sflag:s14] =	ssyncset.done $0x0  }
0x76: {  	[sflag:s14] =	ssyncadd.s32 $0xFFFFFB00  }
0x77: {  	_ =	swait.ge [sflag:s14], $0x500  }
0x78: {  	[sflag:s14] =	ssyncset.done $0x0  }
0x79: {  	[sflag:s14] =	ssyncadd.s32 $0xFFFFFB00  }
0x7a: {  	_ =	swait.ge [sflag:s14], $0x500  }
0x7b: {  	[sflag:s14] =	ssyncset.done $0x0  }
0x7c: {  	[sflag:s14] =	ssyncadd.s32 $0xFFFFFB00  }
0x7d: {  	_ =	swait.ge [sflag:s14], $0x500  }
0x7e: {  	[sflag:s14] =	ssyncset.done $0x0  }
0x7f: {  	[sflag:s14] =	ssyncadd.s32 $0xFFFFFB00  }
0x80: {  	_ =	swait.ge [sflag:s14], $0x500  }
0x81: {  	[sflag:s14] =	ssyncset.done $0x0  }
0x82: {  	[sflag:s14] =	ssyncadd.s32 $0xFFFFFB00  }
0x83: {  	_ =	swait.ge [sflag:s14], $0x500  }
0x84: {  	[sflag:s14] =	ssyncset.done $0x0  }
0x85: {  	[sflag:s14] =	ssyncadd.s32 $0xFFFFFB00  }
0x86: {  	_ =	swait.ge [sflag:s14], $0x500  }
0x87: {  	[sflag:s14] =	ssyncset.done $0x0  }
0x88: {  	[sflag:s14] =	ssyncadd.s32 $0xFFFFFB00  }
0x89: {  	_ =	swait.ge [sflag:s14], $0x500  }
0x8a: {  	[sflag:s14] =	ssyncset.done $0x0  }
0x8b: {  	[sflag:s14] =	ssyncadd.s32 $0xFFFFFB00  }
0x8c: {  	_ =	swait.ge [sflag:s14], $0x500  }
0x8d: {  	[sflag:s14] =	ssyncset.done $0x0  }
0x8e: {  	[sflag:s14] =	ssyncadd.s32 $0xFFFFFB00  }
0x8f: {  	_ =	swait.ge [sflag:s14], $0x500  }
0x90: {  	[sflag:s14] =	ssyncset.done $0x0  }
0x91: {  	[sflag:s14] =	ssyncadd.s32 $0xFFFFFB00  }
0x92: {  	_ =	swait.ge [sflag:s14], $0x500  }
0x93: {  	[sflag:s14] =	ssyncset.done $0x0  }
0x94: {  	[sflag:s14] =	ssyncadd.s32 $0xFFFFFB00  }
0x95: {  	_ =	swait.ge [sflag:s14], $0x500  }
0x96: {  	[sflag:s14] =	ssyncset.done $0x0  }
0x97: {  	[sflag:s14] =	ssyncadd.s32 $0xFFFFFB00  }
0x98: {  	_ =	swait.ge [sflag:s14], $0x500  }
0x99: {  	s18 =	simm.s32 $0x1F40;
	s21 =	simm.s32 $0x3E80;
	[sflag:s14] =	ssyncset.done $0x0  }
.LBB2_4:
0x9a: {  	s20 =	sshra.s32 s18, $0x2  }
0x9b: {  	[sflag:s14] =	ssyncadd.s32 $0xFFFFFB00;
	s18 =	smov.u32 s21;
	s19 =	sadd.s32 $0x1F40, s21  }
0x9c: {  	[spmem:s1] =	stream.indirect.scatter.add.f32 [tilespmem:s13], [sflag:$0x1], $0x10, s20, s12, $0xb8;
	[tilespmem:$0x5320] =	vst v63  }
0x9d: {  	p0 =	sne.s32 s21, $0x7D00;
	s21 =	sadd.s32 $0x50, s20  }
0x9e: {  	[spmem:s1] =	stream.indirect.scatter.add.f32 [tilespmem:s13], [sflag:$0x1], $0x10, s21, s12, $0xb8;
	[tilespmem:$0x5320] =	vst v63  }
0x9f: {  	s21 =	sadd.s32 $0xA0, s20  }
0xa0: {  	[spmem:s1] =	stream.indirect.scatter.add.f32 [tilespmem:s13], [sflag:$0x1], $0x10, s21, s12, $0xb8;
	[tilespmem:$0x5320] =	vst v63  }
0xa1: {  	s21 =	sadd.s32 $0xF0, s20  }
0xa2: {  	[spmem:s1] =	stream.indirect.scatter.add.f32 [tilespmem:s13], [sflag:$0x1], $0x10, s21, s12, $0xb8;
	[tilespmem:$0x5320] =	vst v63  }
0xa3: {  	s21 =	sadd.s32 $0x140, s20  }
0xa4: {  	[spmem:s1] =	stream.indirect.scatter.add.f32 [tilespmem:s13], [sflag:$0x1], $0x10, s21, s12, $0xb8;
	[tilespmem:$0x5320] =	vst v63  }
0xa5: {  	s21 =	sadd.s32 $0x190, s20  }
0xa6: {  	[spmem:s1] =	stream.indirect.scatter.add.f32 [tilespmem:s13], [sflag:$0x1], $0x10, s21, s12, $0xb8;
	[tilespmem:$0x5320] =	vst v63  }
0xa7: {  	s21 =	sadd.s32 $0x1E0, s20  }
0xa8: {  	[spmem:s1] =	stream.indirect.scatter.add.f32 [tilespmem:s13], [sflag:$0x1], $0x10, s21, s12, $0xb8;
	[tilespmem:$0x5320] =	vst v63  }
0xa9: {  	s21 =	sadd.s32 $0x230, s20  }
0xaa: {  	[spmem:s1] =	stream.indirect.scatter.add.f32 [tilespmem:s13], [sflag:$0x1], $0x10, s21, s12, $0xb8;
	[tilespmem:$0x5320] =	vst v63  }
0xab: {  	s21 =	sadd.s32 $0x280, s20  }
0xac: {  	[spmem:s1] =	stream.indirect.scatter.add.f32 [tilespmem:s13], [sflag:$0x1], $0x10, s21, s12, $0xb8;
	[tilespmem:$0x5320] =	vst v63  }
0xad: {  	s21 =	sadd.s32 $0x2D0, s20  }
0xae: {  	[spmem:s1] =	stream.indirect.scatter.add.f32 [tilespmem:s13], [sflag:$0x1], $0x10, s21, s12, $0xb8;
	[tilespmem:$0x5320] =	vst v63  }
0xaf: {  	s21 =	sadd.s32 $0x320, s20  }
0xb0: {  	[spmem:s1] =	stream.indirect.scatter.add.f32 [tilespmem:s13], [sflag:$0x1], $0x10, s21, s12, $0xb8;
	[tilespmem:$0x5320] =	vst v63  }
0xb1: {  	s21 =	sadd.s32 $0x370, s20  }
0xb2: {  	[spmem:s1] =	stream.indirect.scatter.add.f32 [tilespmem:s13], [sflag:$0x1], $0x10, s21, s12, $0xb8;
	[tilespmem:$0x5320] =	vst v63  }
0xb3: {  	s21 =	sadd.s32 $0x3C0, s20  }
0xb4: {  	[spmem:s1] =	stream.indirect.scatter.add.f32 [tilespmem:s13], [sflag:$0x1], $0x10, s21, s12, $0xb8;
	[tilespmem:$0x5320] =	vst v63  }
0xb5: {  	s21 =	sadd.s32 $0x410, s20  }
0xb6: {  	[spmem:s1] =	stream.indirect.scatter.add.f32 [tilespmem:s13], [sflag:$0x1], $0x10, s21, s12, $0xb8;
	[tilespmem:$0x5320] =	vst v63  }
0xb7: {  	s21 =	sadd.s32 $0x460, s20  }
0xb8: {  	[spmem:s1] =	stream.indirect.scatter.add.f32 [tilespmem:s13], [sflag:$0x1], $0x10, s21, s12, $0xb8;
	[tilespmem:$0x5320] =	vst v63  }
0xb9: {  	s21 =	sadd.s32 $0x4B0, s20  }
0xba: {  	[spmem:s1] =	stream.indirect.scatter.add.f32 [tilespmem:s13], [sflag:$0x1], $0x10, s21, s12, $0xb8;
	[tilespmem:$0x5320] =	vst v63  }
0xbb: {  	s21 =	sadd.s32 $0x500, s20  }
0xbc: {  	[spmem:s1] =	stream.indirect.scatter.add.f32 [tilespmem:s13], [sflag:$0x1], $0x10, s21, s12, $0xb8;
	[tilespmem:$0x5320] =	vst v63  }
0xbd: {  	s21 =	sadd.s32 $0x550, s20  }
0xbe: {  	[spmem:s1] =	stream.indirect.scatter.add.f32 [tilespmem:s13], [sflag:$0x1], $0x10, s21, s12, $0xb8;
	[tilespmem:$0x5320] =	vst v63  }
0xbf: {  	s21 =	sadd.s32 $0x5A0, s20  }
0xc0: {  	[spmem:s1] =	stream.indirect.scatter.add.f32 [tilespmem:s13], [sflag:$0x1], $0x10, s21, s12, $0xb8;
	[tilespmem:$0x5320] =	vst v63  }
0xc1: {  	s21 =	sadd.s32 $0x5F0, s20  }
0xc2: {  	[spmem:s1] =	stream.indirect.scatter.add.f32 [tilespmem:s13], [sflag:$0x1], $0x10, s21, s12, $0xb8;
	[tilespmem:$0x5320] =	vst v63  }
0xc3: {  	s21 =	sadd.s32 $0x640, s20  }
0xc4: {  	[spmem:s1] =	stream.indirect.scatter.add.f32 [tilespmem:s13], [sflag:$0x1], $0x10, s21, s12, $0xb8;
	[tilespmem:$0x5320] =	vst v63  }
0xc5: {  	s21 =	sadd.s32 $0x690, s20  }
0xc6: {  	[spmem:s1] =	stream.indirect.scatter.add.f32 [tilespmem:s13], [sflag:$0x1], $0x10, s21, s12, $0xb8;
	[tilespmem:$0x5320] =	vst v63  }
0xc7: {  	s21 =	sadd.s32 $0x6E0, s20  }
0xc8: {  	[spmem:s1] =	stream.indirect.scatter.add.f32 [tilespmem:s13], [sflag:$0x1], $0x10, s21, s12, $0xb8;
	[tilespmem:$0x5320] =	vst v63  }
0xc9: {  	s21 =	sadd.s32 $0x730, s20  }
0xca: {  	[spmem:s1] =	stream.indirect.scatter.add.f32 [tilespmem:s13], [sflag:$0x1], $0x10, s21, s12, $0xb8;
	[tilespmem:$0x5320] =	vst v63  }
0xcb: {  	s20 =	sadd.s32 $0x780, s20  }
0xcc: {  	[spmem:s1] =	stream.indirect.scatter.add.f32 [tilespmem:s13], [sflag:$0x1], $0x10, s20, s12, $0xb8;
	[tilespmem:$0x5320] =	vst v63  }
0xcd: {  	_ =	swait.ge [sflag:s14], $0x500  }
0xce: {  	[sflag:s14] =	ssyncset.done $0x0  }
0xcf: {  	[sflag:s14] =	ssyncadd.s32 $0xFFFFFB00  }
0xd0: {  	_ =	swait.ge [sflag:s14], $0x500  }
0xd1: {  	[sflag:s14] =	ssyncset.done $0x0  }
0xd2: {  	[sflag:s14] =	ssyncadd.s32 $0xFFFFFB00  }
0xd3: {  	_ =	swait.ge [sflag:s14], $0x500  }
0xd4: {  	[sflag:s14] =	ssyncset.done $0x0  }
0xd5: {  	[sflag:s14] =	ssyncadd.s32 $0xFFFFFB00  }
0xd6: {  	_ =	swait.ge [sflag:s14], $0x500  }
0xd7: {  	[sflag:s14] =	ssyncset.done $0x0  }
0xd8: {  	[sflag:s14] =	ssyncadd.s32 $0xFFFFFB00  }
0xd9: {  	_ =	swait.ge [sflag:s14], $0x500  }
0xda: {  	[sflag:s14] =	ssyncset.done $0x0  }
0xdb: {  	[sflag:s14] =	ssyncadd.s32 $0xFFFFFB00  }
0xdc: {  	_ =	swait.ge [sflag:s14], $0x500  }
0xdd: {  	[sflag:s14] =	ssyncset.done $0x0  }
0xde: {  	[sflag:s14] =	ssyncadd.s32 $0xFFFFFB00  }
0xdf: {  	_ =	swait.ge [sflag:s14], $0x500  }
0xe0: {  	[sflag:s14] =	ssyncset.done $0x0  }
0xe1: {  	[sflag:s14] =	ssyncadd.s32 $0xFFFFFB00  }
0xe2: {  	_ =	swait.ge [sflag:s14], $0x500  }
0xe3: {  	[sflag:s14] =	ssyncset.done $0x0  }
0xe4: {  	[sflag:s14] =	ssyncadd.s32 $0xFFFFFB00  }
0xe5: {  	_ =	swait.ge [sflag:s14], $0x500  }
0xe6: {  	[sflag:s14] =	ssyncset.done $0x0  }
0xe7: {  	[sflag:s14] =	ssyncadd.s32 $0xFFFFFB00  }
0xe8: {  	_ =	swait.ge [sflag:s14], $0x500  }
0xe9: {  	[sflag:s14] =	ssyncset.done $0x0  }
0xea: {  	[sflag:s14] =	ssyncadd.s32 $0xFFFFFB00  }
0xeb: {  	_ =	swait.ge [sflag:s14], $0x500  }
0xec: {  	[sflag:s14] =	ssyncset.done $0x0  }
0xed: {  	[sflag:s14] =	ssyncadd.s32 $0xFFFFFB00  }
0xee: {  	_ =	swait.ge [sflag:s14], $0x500  }
0xef: {  	[sflag:s14] =	ssyncset.done $0x0  }
0xf0: {  	[sflag:s14] =	ssyncadd.s32 $0xFFFFFB00  }
0xf1: {  	_ =	swait.ge [sflag:s14], $0x500  }
0xf2: {  	[sflag:s14] =	ssyncset.done $0x0  }
0xf3: {  	[sflag:s14] =	ssyncadd.s32 $0xFFFFFB00  }
0xf4: {  	_ =	swait.ge [sflag:s14], $0x500  }
0xf5: {  	[sflag:s14] =	ssyncset.done $0x0  }
0xf6: {  	[sflag:s14] =	ssyncadd.s32 $0xFFFFFB00  }
0xf7: {  	_ =	swait.ge [sflag:s14], $0x500  }
0xf8: {  	[sflag:s14] =	ssyncset.done $0x0  }
0xf9: {  	[sflag:s14] =	ssyncadd.s32 $0xFFFFFB00  }
0xfa: {  	_ =	swait.ge [sflag:s14], $0x500  }
0xfb: {  	[sflag:s14] =	ssyncset.done $0x0  }
0xfc: {  	[sflag:s14] =	ssyncadd.s32 $0xFFFFFB00  }
0xfd: {  	_ =	swait.ge [sflag:s14], $0x500  }
0xfe: {  	[sflag:s14] =	ssyncset.done $0x0  }
0xff: {  	[sflag:s14] =	ssyncadd.s32 $0xFFFFFB00  }
0x100: {  	_ =	swait.ge [sflag:s14], $0x500  }
0x101: {  	[sflag:s14] =	ssyncset.done $0x0  }
0x102: {  	[sflag:s14] =	ssyncadd.s32 $0xFFFFFB00  }
0x103: {  	_ =	swait.ge [sflag:s14], $0x500  }
0x104: {  	[sflag:s14] =	ssyncset.done $0x0  }
0x105: {  	[sflag:s14] =	ssyncadd.s32 $0xFFFFFB00  }
0x106: {  	_ =	swait.ge [sflag:s14], $0x500  }
0x107: {  	[sflag:s14] =	ssyncset.done $0x0  }
0x108: {  	[sflag:s14] =	ssyncadd.s32 $0xFFFFFB00  }
0x109: {  	_ =	swait.ge [sflag:s14], $0x500  }
0x10a: {  	[sflag:s14] =	ssyncset.done $0x0  }
0x10b: {  	[sflag:s14] =	ssyncadd.s32 $0xFFFFFB00  }
0x10c: {  	_ =	swait.ge [sflag:s14], $0x500  }
0x10d: {  	[sflag:s14] =	ssyncset.done $0x0  }
0x10e: {  	[sflag:s14] =	ssyncadd.s32 $0xFFFFFB00  }
0x10f: {  	_ =	swait.ge [sflag:s14], $0x500  }
0x110: {  	[sflag:s14] =	ssyncset.done $0x0  }
0x111: {  	[sflag:s14] =	ssyncadd.s32 $0xFFFFFB00  }
.Ltmp1:
0x112: {  	_ =	swait.ge [sflag:s14], $0x500;
	(pc) =	sbr.rel @p0 .LBB2_4-.Ltmp1, $4  }
0x113: {  	[sflag:s14] =	ssyncset.done $0x0  }
0x114: {  	[sflag:s14] =	ssyncadd.s32 $0xFFFFFB00  }
0x115: {  	_ =	swait.ge [sflag:s14], $0x500  }
0x116: {  	s21 =	smov.u32 s19;
	[sflag:s14] =	ssyncset.done $0x0  }
0x117: {  	s18 =	sshra.s32 s18, $0x2;
	[sflag:s14] =	ssyncadd.s32 $0xFFFFFB00  }
0x118: {  	[spmem:s1] =	stream.indirect.scatter.add.f32 [tilespmem:s13], [sflag:$0x1], $0x10, s18, s12, $0xb8;
	[tilespmem:$0x5320] =	vst v63  }
0x119: {  	s19 =	sadd.s32 $0x50, s18  }
0x11a: {  	[spmem:s1] =	stream.indirect.scatter.add.f32 [tilespmem:s13], [sflag:$0x1], $0x10, s19, s12, $0xb8;
	[tilespmem:$0x5320] =	vst v63  }
0x11b: {  	s20 =	sadd.s32 $0xA0, s18  }
0x11c: {  	[spmem:s1] =	stream.indirect.scatter.add.f32 [tilespmem:s13], [sflag:$0x1], $0x10, s20, s12, $0xb8;
	[tilespmem:$0x5320] =	vst v63  }
0x11d: {  	s21 =	sadd.s32 $0xF0, s18  }
0x11e: {  	[spmem:s1] =	stream.indirect.scatter.add.f32 [tilespmem:s13], [sflag:$0x1], $0x10, s21, s12, $0xb8;
	[tilespmem:$0x5320] =	vst v63  }
0x11f: {  	s22 =	sadd.s32 $0x140, s18  }
0x120: {  	[spmem:s1] =	stream.indirect.scatter.add.f32 [tilespmem:s13], [sflag:$0x1], $0x10, s22, s12, $0xb8;
	[tilespmem:$0x5320] =	vst v63  }
0x121: {  	s23 =	sadd.s32 $0x190, s18  }
0x122: {  	[spmem:s1] =	stream.indirect.scatter.add.f32 [tilespmem:s13], [sflag:$0x1], $0x10, s23, s12, $0xb8;
	[tilespmem:$0x5320] =	vst v63  }
0x123: {  	s24 =	sadd.s32 $0x1E0, s18  }
0x124: {  	[spmem:s1] =	stream.indirect.scatter.add.f32 [tilespmem:s13], [sflag:$0x1], $0x10, s24, s12, $0xb8;
	[tilespmem:$0x5320] =	vst v63  }
0x125: {  	s25 =	sadd.s32 $0x230, s18  }
0x126: {  	[spmem:s1] =	stream.indirect.scatter.add.f32 [tilespmem:s13], [sflag:$0x1], $0x10, s25, s12, $0xb8;
	[tilespmem:$0x5320] =	vst v63  }
0x127: {  	s26 =	sadd.s32 $0x280, s18  }
0x128: {  	[spmem:s1] =	stream.indirect.scatter.add.f32 [tilespmem:s13], [sflag:$0x1], $0x10, s26, s12, $0xb8;
	[tilespmem:$0x5320] =	vst v63  }
0x129: {  	s28 =	sadd.s32 $0x2D0, s18  }
0x12a: {  	[spmem:s1] =	stream.indirect.scatter.add.f32 [tilespmem:s13], [sflag:$0x1], $0x10, s28, s12, $0xb8;
	[tilespmem:$0x5320] =	vst v63  }
0x12b: {  	s29 =	sadd.s32 $0x320, s18  }
0x12c: {  	[spmem:s1] =	stream.indirect.scatter.add.f32 [tilespmem:s13], [sflag:$0x1], $0x10, s29, s12, $0xb8;
	[tilespmem:$0x5320] =	vst v63  }
0x12d: {  	s30 =	sadd.s32 $0x370, s18  }
0x12e: {  	[spmem:s1] =	stream.indirect.scatter.add.f32 [tilespmem:s13], [sflag:$0x1], $0x10, s30, s12, $0xb8;
	[tilespmem:$0x5320] =	vst v63  }
0x12f: {  	s31 =	sadd.s32 $0x3C0, s18  }
0x130: {  	[spmem:s1] =	stream.indirect.scatter.add.f32 [tilespmem:s13], [sflag:$0x1], $0x10, s31, s12, $0xb8;
	[tilespmem:$0x5320] =	vst v63  }
0x131: {  	s20 =	sadd.s32 $0x410, s18  }
0x132: {  	[spmem:s1] =	stream.indirect.scatter.add.f32 [tilespmem:s13], [sflag:$0x1], $0x10, s20, s12, $0xb8;
	[tilespmem:$0x5320] =	vst v63  }
0x133: {  	s21 =	sadd.s32 $0x460, s18  }
0x134: {  	[spmem:s1] =	stream.indirect.scatter.add.f32 [tilespmem:s13], [sflag:$0x1], $0x10, s21, s12, $0xb8;
	[tilespmem:$0x5320] =	vst v63  }
0x135: {  	s22 =	sadd.s32 $0x4B0, s18  }
0x136: {  	[spmem:s1] =	stream.indirect.scatter.add.f32 [tilespmem:s13], [sflag:$0x1], $0x10, s22, s12, $0xb8;
	[tilespmem:$0x5320] =	vst v63  }
0x137: {  	s23 =	sadd.s32 $0x500, s18  }
0x138: {  	[spmem:s1] =	stream.indirect.scatter.add.f32 [tilespmem:s13], [sflag:$0x1], $0x10, s23, s12, $0xb8;
	[tilespmem:$0x5320] =	vst v63  }
0x139: {  	s24 =	sadd.s32 $0x550, s18  }
0x13a: {  	[spmem:s1] =	stream.indirect.scatter.add.f32 [tilespmem:s13], [sflag:$0x1], $0x10, s24, s12, $0xb8;
	[tilespmem:$0x5320] =	vst v63  }
0x13b: {  	s25 =	sadd.s32 $0x5A0, s18  }
0x13c: {  	[spmem:s1] =	stream.indirect.scatter.add.f32 [tilespmem:s13], [sflag:$0x1], $0x10, s25, s12, $0xb8;
	[tilespmem:$0x5320] =	vst v63  }
0x13d: {  	s26 =	sadd.s32 $0x5F0, s18  }
0x13e: {  	[spmem:s1] =	stream.indirect.scatter.add.f32 [tilespmem:s13], [sflag:$0x1], $0x10, s26, s12, $0xb8;
	[tilespmem:$0x5320] =	vst v63  }
0x13f: {  	s28 =	sadd.s32 $0x640, s18  }
0x140: {  	[spmem:s1] =	stream.indirect.scatter.add.f32 [tilespmem:s13], [sflag:$0x1], $0x10, s28, s12, $0xb8;
	[tilespmem:$0x5320] =	vst v63  }
0x141: {  	s29 =	sadd.s32 $0x690, s18  }
0x142: {  	[spmem:s1] =	stream.indirect.scatter.add.f32 [tilespmem:s13], [sflag:$0x1], $0x10, s29, s12, $0xb8;
	[tilespmem:$0x5320] =	vst v63  }
0x143: {  	s30 =	sadd.s32 $0x6E0, s18  }
0x144: {  	[spmem:s1] =	stream.indirect.scatter.add.f32 [tilespmem:s13], [sflag:$0x1], $0x10, s30, s12, $0xb8;
	[tilespmem:$0x5320] =	vst v63  }
0x145: {  	s31 =	sadd.s32 $0x730, s18  }
0x146: {  	[spmem:s1] =	stream.indirect.scatter.add.f32 [tilespmem:s13], [sflag:$0x1], $0x10, s31, s12, $0xb8;
	[tilespmem:$0x5320] =	vst v63  }
0x147: {  	s18 =	sadd.s32 $0x780, s18  }
0x148: {  	[spmem:s1] =	stream.indirect.scatter.add.f32 [tilespmem:s13], [sflag:$0x1], $0x10, s18, s12, $0xb8;
	[tilespmem:$0x5320] =	vst v63  }
0x149: {  	_ =	swait.ge [sflag:s14], $0x500  }
0x14a: {  	[sflag:s14] =	ssyncset.done $0x0  }
0x14b: {  	[sflag:s14] =	ssyncadd.s32 $0xFFFFFB00  }
0x14c: {  	_ =	swait.ge [sflag:s14], $0x500  }
0x14d: {  	[sflag:s14] =	ssyncset.done $0x0  }
0x14e: {  	[sflag:s14] =	ssyncadd.s32 $0xFFFFFB00  }
0x14f: {  	_ =	swait.ge [sflag:s14], $0x500  }
0x150: {  	[sflag:s14] =	ssyncset.done $0x0  }
0x151: {  	[sflag:s14] =	ssyncadd.s32 $0xFFFFFB00  }
0x152: {  	_ =	swait.ge [sflag:s14], $0x500  }
0x153: {  	[sflag:s14] =	ssyncset.done $0x0  }
0x154: {  	[sflag:s14] =	ssyncadd.s32 $0xFFFFFB00  }
0x155: {  	_ =	swait.ge [sflag:s14], $0x500  }
0x156: {  	[sflag:s14] =	ssyncset.done $0x0  }
0x157: {  	[sflag:s14] =	ssyncadd.s32 $0xFFFFFB00  }
0x158: {  	_ =	swait.ge [sflag:s14], $0x500  }
0x159: {  	[sflag:s14] =	ssyncset.done $0x0  }
0x15a: {  	[sflag:s14] =	ssyncadd.s32 $0xFFFFFB00  }
0x15b: {  	_ =	swait.ge [sflag:s14], $0x500  }
0x15c: {  	[sflag:s14] =	ssyncset.done $0x0  }
0x15d: {  	[sflag:s14] =	ssyncadd.s32 $0xFFFFFB00  }
0x15e: {  	_ =	swait.ge [sflag:s14], $0x500  }
0x15f: {  	[sflag:s14] =	ssyncset.done $0x0  }
0x160: {  	[sflag:s14] =	ssyncadd.s32 $0xFFFFFB00  }
0x161: {  	_ =	swait.ge [sflag:s14], $0x500  }
0x162: {  	[sflag:s14] =	ssyncset.done $0x0  }
0x163: {  	[sflag:s14] =	ssyncadd.s32 $0xFFFFFB00  }
0x164: {  	_ =	swait.ge [sflag:s14], $0x500  }
0x165: {  	[sflag:s14] =	ssyncset.done $0x0  }
0x166: {  	[sflag:s14] =	ssyncadd.s32 $0xFFFFFB00  }
0x167: {  	_ =	swait.ge [sflag:s14], $0x500  }
0x168: {  	[sflag:s14] =	ssyncset.done $0x0  }
0x169: {  	[sflag:s14] =	ssyncadd.s32 $0xFFFFFB00  }
0x16a: {  	_ =	swait.ge [sflag:s14], $0x500  }
0x16b: {  	[sflag:s14] =	ssyncset.done $0x0  }
0x16c: {  	[sflag:s14] =	ssyncadd.s32 $0xFFFFFB00  }
0x16d: {  	_ =	swait.ge [sflag:s14], $0x500  }
0x16e: {  	[sflag:s14] =	ssyncset.done $0x0  }
0x16f: {  	[sflag:s14] =	ssyncadd.s32 $0xFFFFFB00  }
0x170: {  	_ =	swait.ge [sflag:s14], $0x500  }
0x171: {  	[sflag:s14] =	ssyncset.done $0x0  }
0x172: {  	[sflag:s14] =	ssyncadd.s32 $0xFFFFFB00  }
0x173: {  	_ =	swait.ge [sflag:s14], $0x500  }
0x174: {  	[sflag:s14] =	ssyncset.done $0x0  }
0x175: {  	[sflag:s14] =	ssyncadd.s32 $0xFFFFFB00  }
0x176: {  	_ =	swait.ge [sflag:s14], $0x500  }
0x177: {  	[sflag:s14] =	ssyncset.done $0x0  }
0x178: {  	[sflag:s14] =	ssyncadd.s32 $0xFFFFFB00  }
0x179: {  	_ =	swait.ge [sflag:s14], $0x500  }
0x17a: {  	[sflag:s14] =	ssyncset.done $0x0  }
0x17b: {  	[sflag:s14] =	ssyncadd.s32 $0xFFFFFB00  }
0x17c: {  	_ =	swait.ge [sflag:s14], $0x500  }
0x17d: {  	[sflag:s14] =	ssyncset.done $0x0  }
0x17e: {  	[sflag:s14] =	ssyncadd.s32 $0xFFFFFB00  }
0x17f: {  	_ =	swait.ge [sflag:s14], $0x500  }
0x180: {  	[sflag:s14] =	ssyncset.done $0x0  }
0x181: {  	[sflag:s14] =	ssyncadd.s32 $0xFFFFFB00  }
0x182: {  	_ =	swait.ge [sflag:s14], $0x500  }
0x183: {  	[sflag:s14] =	ssyncset.done $0x0  }
0x184: {  	[sflag:s14] =	ssyncadd.s32 $0xFFFFFB00  }
0x185: {  	_ =	swait.ge [sflag:s14], $0x500  }
0x186: {  	[sflag:s14] =	ssyncset.done $0x0  }
0x187: {  	[sflag:s14] =	ssyncadd.s32 $0xFFFFFB00  }
0x188: {  	_ =	swait.ge [sflag:s14], $0x500  }
0x189: {  	[sflag:s14] =	ssyncset.done $0x0  }
0x18a: {  	[sflag:s14] =	ssyncadd.s32 $0xFFFFFB00  }
0x18b: {  	_ =	swait.ge [sflag:s14], $0x500  }
0x18c: {  	[sflag:s14] =	ssyncset.done $0x0  }
0x18d: {  	[sflag:s14] =	ssyncadd.s32 $0xFFFFFB00  }
0x18e: {  	_ =	swait.ge [sflag:s14], $0x500  }
0x18f: {  	[sflag:s14] =	ssyncset.done $0x0  }
0x190: {  	[sflag:s14] =	ssyncadd.s32 $0xFFFFFB00  }
0x191: {  	_ =	swait.ge [sflag:s14], $0x500  }
0x192: {  	s17 =	sadd.s32 $0x1, s17;
	[sflag:s14] =	ssyncset.done $0x0  }
0x193: {  	p0 =	sne.s32 s17, s8;
	[sflag:s14] =	ssyncadd.s32 $0xFFFFFB00  }
.Ltmp2:
0x194: {  	[bflag:$0x0] =	sbarrier.arrive $0xFFFF;
	(pc) =	sbr.rel @p0 .LBB2_1-.Ltmp2, $4  }
0x195: {  	[hbm:s7], [sflag:s15] =	dma.local [spmem:s9], $0x4E2  }
0x196: {  	_ =	swait.ge [sflag:s16], $0x4E2  }
0x197: {  	[sflag:s16] =	ssyncset.done $0x0  }
0x198: {  	[sflag:s16] =	ssyncadd.s32 $0xFFFFFB1E  }
0x199: {  	_ =	sfence.sel $0x180000  }
0x19a: {  	[bflag:$0x0] =	sbarrier.arrive $0xFFFF  }
0x19b: {  	p0 =	sne.s32 s2, $0x0;
	_ =	strace $0x90000047  }
0x19c: {  	s0 =	sadd.s32 @!p0 $0x100000, s0;
	[bflag:$0x2] =	sbarrier.arrive $0xFFFF  }
0x19d: {  	[sflag:s0] =	ssyncadd.tile.s32 @!p0 $0x1;
	_ =	shalt  }
.Lfunc_end2:
_tile_overlayer_lowered:
.L_overlay_start_2:
0x19e: {  	(tag) =	ssettag $0x2  }
0x19f: {  	s0 =	rddreg [dreg:$0x0];
	s2 =	stileid.u32  }
0x1a0: {  	s1 =	rddreg [dreg:$0x1];
	p0 =	sne.s32 s2, $0x0  }
0x1a1: {  	s3 =	rddreg [dreg:$0x2];
	[bflag:$0x3] =	sbarrier.arrive $0xFFFF;
	s2 =	simm.s32 @!p0 $0x1C04  }
0x1a2: {  	[timem:s3], [sflag:s2] =	dma.local @!p0 [hbm:s0], s1  }
0x1a3: {  	s0 =	simm.s32 @!p0 $0x4  }
0x1a4: {  	_ =	swait.ge @!p0 [sflag:s0], s1  }
0x1a5: {  	s1 =	ssub.s32 @!p0 $0x0, s1;
	[sflag:s0] =	ssyncset.done @!p0 $0x0  }
0x1a6: {  	[sflag:s0] =	ssyncadd.s32 @!p0 s1  }
0x1a7: {  	[bflag:$0x3] =	sbarrier.arrive $0xFFFF  }
0x1a8: {  	_ =	shalt  }

</sc_bundles>
